<compile_context>
chip_gen: v7x
topology: tpu7x:2x2x1
jax: 0.10.2.dev20260603
libtpu: 0.0.44.dev20260713+nightly
codegen_flags: <defaults>
</compile_context>

<pallas_src>
import functools

import jax
import jax.numpy as jnp
from jax import lax
from jax.experimental import pallas as pl
from jax.experimental.pallas import tpu as pltpu
from jax.experimental.pallas import tpu_sc as plsc

VOCAB = 100000
MAXLEN = 200
EMBED = 128
BATCH = 1024

NC = 2
NS = 16
NW = NC * NS
TOK = BATCH * MAXLEN
LANES = 16
CHUNK = 128
CHUNKS = TOK // (NW * CHUNK)
NBUF = 5
AHEAD = 3
NSTEP = CHUNKS // NBUF


def _sc_kernel(x_hbm, tok_hbm, pos_hbm, out_hbm, idx_v, pos_v, rows_v, *sems):
    gs = sems[:NBUF]
    osm = sems[NBUF:]
    wid = lax.axis_index("s") * NC + lax.axis_index("c")
    base_c = wid * CHUNKS

    pltpu.sync_copy(x_hbm.at[wid], idx_v)
    pltpu.sync_copy(pos_hbm, pos_v)

    def gather_fire(c, p):
        pltpu.async_copy(tok_hbm.at[idx_v.at[c]], rows_v.at[p], gs[p])

    def gather_wait(c, p):
        pltpu.make_async_copy(tok_hbm.at[idx_v.at[c]],
                              rows_v.at[p], gs[p]).wait()

    def out_wait(p):
        pltpu.make_async_copy(rows_v.at[p],
                              out_hbm.at[pl.ds(0, CHUNK)], osm[p]).wait()

    for c0 in range(AHEAD):
        gather_fire(c0, c0)

    def body(t, carry):
        for k in range(NBUF):
            c = NBUF * t + k
            gather_wait(c, k)

            pbase = lax.rem(c * CHUNK, MAXLEN)

            @plsc.parallel_loop(0, CHUNK, step=1, unroll=4)
            def add_row(rr):
                pr = lax.rem(pbase + rr, MAXLEN)
                for j in range(EMBED // LANES):
                    plsc.addupdate(rows_v.at[k, rr, pl.ds(j * LANES, LANES)],
                                   pos_v[pr, pl.ds(j * LANES, LANES)])

            pltpu.async_copy(rows_v.at[k],
                             out_hbm.at[pl.ds((base_c + c) * CHUNK, CHUNK)],
                             osm[k])

            pn = (k + AHEAD) % NBUF
            if k < NBUF - AHEAD:
                @pl.when(t >= 1)
                def _():
                    out_wait(pn)

                gather_fire(c + AHEAD, pn)
            else:
                @pl.when(t < NSTEP - 1)
                def _():
                    out_wait(pn)
                    gather_fire(c + AHEAD, pn)
        return carry

    lax.fori_loop(0, NSTEP, body, 0)

    for p in range(NBUF):
        out_wait(p)


@jax.jit
def kernel(x, token_table, pos_table):
    x3 = x.astype(jnp.int32).reshape(NW, CHUNKS, CHUNK)
    mesh = plsc.VectorSubcoreMesh(core_axis_name="c", subcore_axis_name="s")
    k = functools.partial(
        pl.kernel,
        mesh=mesh,
        out_type=jax.ShapeDtypeStruct((TOK, EMBED), jnp.float32),
        scratch_types=[
            pltpu.VMEM((CHUNKS, CHUNK), jnp.int32),
            pltpu.VMEM((MAXLEN, EMBED), jnp.float32),
            pltpu.VMEM((NBUF, CHUNK, EMBED), jnp.float32),
        ] + [pltpu.SemaphoreType.DMA] * (2 * NBUF),
    )(_sc_kernel)
    out = k(x3, token_table, pos_table)
    return out.reshape(BATCH, MAXLEN, EMBED)

# --- scband reference (transcript-rebuilt; emitter-appended) ---
"""Pipeline reference for scband-token-and-position-embedding-16449724744428 (READ-ONLY COPY).

The authoritative reference and input builder live on the scoring server;
editing this copy changes nothing except your own understanding.
"""

import jax, jax.numpy as jnp
import numpy as np

VOCAB = 100000
MAXLEN = 200
EMBED = 128
BATCH = 1024

def setup_inputs(seed: int = 0) -> dict:
    key = jax.random.key(seed)
    k1, k2, k3 = jax.random.split(key, 3)
    x = jax.random.randint(k1, (BATCH, MAXLEN), 0, VOCAB, dtype=jnp.int64 if jax.config.jax_enable_x64 else jnp.int32)
    token_table = jax.random.normal(k2, (VOCAB, EMBED), dtype=jnp.float32) * 0.05
    pos_table = jax.random.normal(k3, (MAXLEN, EMBED), dtype=jnp.float32) * 0.05
    return {"x": x, "token_table": token_table, "pos_table": pos_table}

def reference(x, token_table, pos_table):
    seqlen = x.shape[-1]
    positions = jnp.arange(0, seqlen, 1)
    pos_embed = jnp.take(pos_table, positions, axis=0)          # [S, D]
    tok_embed = jnp.take(token_table, x, axis=0)                # [B, S, D]
    return tok_embed + pos_embed[None, :, :]

if __name__ == "__main__":
    import jax
    _d = setup_inputs()
    print(jax.jit(kernel)(*tuple(_d.values())))

</pallas_src>

<mosaic_0001>
#map = affine_map<(d0, d1) -> (0, 0, 0)>
#map1 = affine_map<(d0, d1) -> (0, 0)>
module attributes {stable_mosaic.version = 14 : i64} {
  func.func @_sc_kernel(%arg0: i32, %arg1: i32, %arg2: memref<32x50x128xi32, #tpu.memory_space<hbm>>, %arg3: memref<100000x128xf32, #tpu.memory_space<hbm>>, %arg4: memref<200x128xf32, #tpu.memory_space<hbm>>, %arg5: memref<204800x128xf32, #tpu.memory_space<hbm>>, %arg6: memref<50x128xi32, #tpu.memory_space<vmem>>, %arg7: memref<200x128xf32, #tpu.memory_space<vmem>>, %arg8: memref<5x128x128xf32, #tpu.memory_space<vmem>>, %arg9: memref<!tpu.dma_semaphore, #tpu.memory_space<semaphore_mem>>, %arg10: memref<!tpu.dma_semaphore, #tpu.memory_space<semaphore_mem>>, %arg11: memref<!tpu.dma_semaphore, #tpu.memory_space<semaphore_mem>>, %arg12: memref<!tpu.dma_semaphore, #tpu.memory_space<semaphore_mem>>, %arg13: memref<!tpu.dma_semaphore, #tpu.memory_space<semaphore_mem>>, %arg14: memref<!tpu.dma_semaphore, #tpu.memory_space<semaphore_mem>>, %arg15: memref<!tpu.dma_semaphore, #tpu.memory_space<semaphore_mem>>, %arg16: memref<!tpu.dma_semaphore, #tpu.memory_space<semaphore_mem>>, %arg17: memref<!tpu.dma_semaphore, #tpu.memory_space<semaphore_mem>>, %arg18: memref<!tpu.dma_semaphore, #tpu.memory_space<semaphore_mem>>) attributes {dimension_semantics = [#tpu.dimension_semantics<core_parallel>, #tpu.dimension_semantics<subcore_parallel>], iteration_bounds = array<i64: 2, 16>, scalar_prefetch = 0 : i64, scratch_operands = 13 : i64, tpu.core_type = #tpu.core_type<sc_vector_subcore>, window_params = [{transform_indices = #map}, {transform_indices = #map1}, {transform_indices = #map1}, {transform_indices = #map1}]} {
    %mul3A = arith.constant 2 : i32
    %mul3A_0 = arith.muli %arg1, %mul3A : i32
    %add3A = arith.addi %mul3A_0, %arg0 : i32
    %mul3A_1 = arith.constant 50 : i32
    %mul3A_2 = arith.muli %add3A, %mul3A_1 : i32
    "tpu.region"() ({
      %run_scoped3A = tpu.sem_alloc : memref<!tpu.dma_semaphore, #tpu.memory_space<semaphore_mem>>
      %dma_start3A_117 = arith.constant 0 : i32
      %dma_start3A_118 = arith.constant 0 : i32
      %dma_start3A_119 = tpu.memref_slice %arg2[%add3A, %dma_start3A_117, %dma_start3A_118] : memref<32x50x128xi32, #tpu.memory_space<hbm>> -> memref<1x50x128xi32, #tpu.memory_space<hbm>>
      %dma_start3A_120 = tpu.memref_squeeze %dma_start3A_119 : memref<1x50x128xi32, #tpu.memory_space<hbm>> -> memref<50x128xi32, #tpu.memory_space<hbm>>
      %dma_start3A_121 = arith.constant 0 : i32
      %dma_start3A_122 = arith.constant 0 : i32
      %dma_start3A_123 = tpu.memref_slice %arg2[%add3A, %dma_start3A_121, %dma_start3A_122] : memref<32x50x128xi32, #tpu.memory_space<hbm>> -> memref<1x50x128xi32, #tpu.memory_space<hbm>>
      %dma_start3A_124 = tpu.memref_squeeze %dma_start3A_123 : memref<1x50x128xi32, #tpu.memory_space<hbm>> -> memref<50x128xi32, #tpu.memory_space<hbm>>
      tpu.enqueue_dma source(%dma_start3A_124 : memref<50x128xi32, #tpu.memory_space<hbm>>) target(%arg6 : memref<50x128xi32, #tpu.memory_space<vmem>>) target_semaphore(%run_scoped3A : memref<!tpu.dma_semaphore, #tpu.memory_space<semaphore_mem>>)
      %dma_wait3A_125 = arith.constant 0 : i32
      %dma_wait3A_126 = arith.constant 0 : i32
      %dma_wait3A_127 = tpu.memref_slice %arg2[%add3A, %dma_wait3A_125, %dma_wait3A_126] : memref<32x50x128xi32, #tpu.memory_space<hbm>> -> memref<1x50x128xi32, #tpu.memory_space<hbm>>
      %dma_wait3A_128 = tpu.memref_squeeze %dma_wait3A_127 : memref<1x50x128xi32, #tpu.memory_space<hbm>> -> memref<50x128xi32, #tpu.memory_space<hbm>>
      %dma_wait3A_129 = arith.constant 0 : i32
      %dma_wait3A_130 = arith.constant 0 : i32
      %dma_wait3A_131 = tpu.memref_slice %arg2[%add3A, %dma_wait3A_129, %dma_wait3A_130] : memref<32x50x128xi32, #tpu.memory_space<hbm>> -> memref<1x50x128xi32, #tpu.memory_space<hbm>>
      %dma_wait3A_132 = tpu.memref_squeeze %dma_wait3A_131 : memref<1x50x128xi32, #tpu.memory_space<hbm>> -> memref<50x128xi32, #tpu.memory_space<hbm>>
      tpu.wait_dma2 semaphore(%run_scoped3A : memref<!tpu.dma_semaphore, #tpu.memory_space<semaphore_mem>>) src(%dma_wait3A_132 : memref<50x128xi32, #tpu.memory_space<hbm>>) dst(%arg6 : memref<50x128xi32, #tpu.memory_space<vmem>>)
      tpu.yield
    }) : () -> ()
    "tpu.region"() ({
      %run_scoped3A = tpu.sem_alloc : memref<!tpu.dma_semaphore, #tpu.memory_space<semaphore_mem>>
      tpu.enqueue_dma source(%arg4 : memref<200x128xf32, #tpu.memory_space<hbm>>) target(%arg7 : memref<200x128xf32, #tpu.memory_space<vmem>>) target_semaphore(%run_scoped3A : memref<!tpu.dma_semaphore, #tpu.memory_space<semaphore_mem>>)
      tpu.wait_dma2 semaphore(%run_scoped3A : memref<!tpu.dma_semaphore, #tpu.memory_space<semaphore_mem>>) src(%arg4 : memref<200x128xf32, #tpu.memory_space<hbm>>) dst(%arg7 : memref<200x128xf32, #tpu.memory_space<vmem>>)
      tpu.yield
    }) : () -> ()
    %dma_start3A = arith.constant 0 : i32
    %dma_start3A_3 = arith.constant 0 : i32
    %dma_start3A_4 = arith.constant 0 : i32
    %dma_start3A_5 = arith.constant 0 : i32
    %dma_start3A_6 = tpu.memref_slice %arg8[%dma_start3A_3, %dma_start3A_4, %dma_start3A_5] : memref<5x128x128xf32, #tpu.memory_space<vmem>> -> memref<1x128x128xf32, #tpu.memory_space<vmem>>
    %dma_start3A_7 = tpu.memref_squeeze %dma_start3A_6 : memref<1x128x128xf32, #tpu.memory_space<vmem>> -> memref<128x128xf32, #tpu.memory_space<vmem>>
    %dma_start3A_8 = arith.constant 0 : i32
    %dma_start3A_9 = tpu.memref_slice %arg6[%dma_start3A, %dma_start3A_8] : memref<50x128xi32, #tpu.memory_space<vmem>> -> memref<1x128xi32, #tpu.memory_space<vmem>>
    %dma_start3A_10 = tpu.memref_squeeze %dma_start3A_9 : memref<1x128xi32, #tpu.memory_space<vmem>> -> memref<128xi32, #tpu.memory_space<vmem>>
    %dma_start3A_11 = arith.constant 0 : i32
    %dma_start3A_12 = arith.constant 0 : i32
    %dma_start3A_13 = tpu.memref_slice %arg3[%dma_start3A_11, %dma_start3A_12] : memref<100000x128xf32, #tpu.memory_space<hbm>> -> memref<100000x128xf32, #tpu.memory_space<hbm>>
    tpu.enqueue_indirect_dma source(%dma_start3A_13 : memref<100000x128xf32, #tpu.memory_space<hbm>>) target(%dma_start3A_7 : memref<128x128xf32, #tpu.memory_space<vmem>>) offsets(%dma_start3A_10 : memref<128xi32, #tpu.memory_space<vmem>>) semaphore(%arg9 : memref<!tpu.dma_semaphore, #tpu.memory_space<semaphore_mem>>)
    %dma_start3A_14 = arith.constant 1 : i32
    %dma_start3A_15 = arith.constant 1 : i32
    %dma_start3A_16 = arith.constant 0 : i32
    %dma_start3A_17 = arith.constant 0 : i32
    %dma_start3A_18 = tpu.memref_slice %arg8[%dma_start3A_15, %dma_start3A_16, %dma_start3A_17] : memref<5x128x128xf32, #tpu.memory_space<vmem>> -> memref<1x128x128xf32, #tpu.memory_space<vmem>>
    %dma_start3A_19 = tpu.memref_squeeze %dma_start3A_18 : memref<1x128x128xf32, #tpu.memory_space<vmem>> -> memref<128x128xf32, #tpu.memory_space<vmem>>
    %dma_start3A_20 = arith.constant 0 : i32
    %dma_start3A_21 = tpu.memref_slice %arg6[%dma_start3A_14, %dma_start3A_20] : memref<50x128xi32, #tpu.memory_space<vmem>> -> memref<1x128xi32, #tpu.memory_space<vmem>>
    %dma_start3A_22 = tpu.memref_squeeze %dma_start3A_21 : memref<1x128xi32, #tpu.memory_space<vmem>> -> memref<128xi32, #tpu.memory_space<vmem>>
    %dma_start3A_23 = arith.constant 0 : i32
    %dma_start3A_24 = arith.constant 0 : i32
    %dma_start3A_25 = tpu.memref_slice %arg3[%dma_start3A_23, %dma_start3A_24] : memref<100000x128xf32, #tpu.memory_space<hbm>> -> memref<100000x128xf32, #tpu.memory_space<hbm>>
    tpu.enqueue_indirect_dma source(%dma_start3A_25 : memref<100000x128xf32, #tpu.memory_space<hbm>>) target(%dma_start3A_19 : memref<128x128xf32, #tpu.memory_space<vmem>>) offsets(%dma_start3A_22 : memref<128xi32, #tpu.memory_space<vmem>>) semaphore(%arg10 : memref<!tpu.dma_semaphore, #tpu.memory_space<semaphore_mem>>)
    %dma_start3A_26 = arith.constant 2 : i32
    %dma_start3A_27 = arith.constant 2 : i32
    %dma_start3A_28 = arith.constant 0 : i32
    %dma_start3A_29 = arith.constant 0 : i32
    %dma_start3A_30 = tpu.memref_slice %arg8[%dma_start3A_27, %dma_start3A_28, %dma_start3A_29] : memref<5x128x128xf32, #tpu.memory_space<vmem>> -> memref<1x128x128xf32, #tpu.memory_space<vmem>>
    %dma_start3A_31 = tpu.memref_squeeze %dma_start3A_30 : memref<1x128x128xf32, #tpu.memory_space<vmem>> -> memref<128x128xf32, #tpu.memory_space<vmem>>
    %dma_start3A_32 = arith.constant 0 : i32
    %dma_start3A_33 = tpu.memref_slice %arg6[%dma_start3A_26, %dma_start3A_32] : memref<50x128xi32, #tpu.memory_space<vmem>> -> memref<1x128xi32, #tpu.memory_space<vmem>>
    %dma_start3A_34 = tpu.memref_squeeze %dma_start3A_33 : memref<1x128xi32, #tpu.memory_space<vmem>> -> memref<128xi32, #tpu.memory_space<vmem>>
    %dma_start3A_35 = arith.constant 0 : i32
    %dma_start3A_36 = arith.constant 0 : i32
    %dma_start3A_37 = tpu.memref_slice %arg3[%dma_start3A_35, %dma_start3A_36] : memref<100000x128xf32, #tpu.memory_space<hbm>> -> memref<100000x128xf32, #tpu.memory_space<hbm>>
    tpu.enqueue_indirect_dma source(%dma_start3A_37 : memref<100000x128xf32, #tpu.memory_space<hbm>>) target(%dma_start3A_31 : memref<128x128xf32, #tpu.memory_space<vmem>>) offsets(%dma_start3A_34 : memref<128xi32, #tpu.memory_space<vmem>>) semaphore(%arg11 : memref<!tpu.dma_semaphore, #tpu.memory_space<semaphore_mem>>)
    %scan3A = arith.constant 0 : i32
    %scan3A_38 = arith.constant 0 : i32
    %scan3A_39 = arith.constant 10 : i32
    %scan3A_40 = arith.addi %scan3A_38, %scan3A_39 : i32
    %scan3A_41 = arith.constant 1 : i32
    scf.for %scan3A_117 = %scan3A_38 to %scan3A_40 step %scan3A_41  : i32 {
      %mul3A_118 = arith.constant 5 : i32
      %mul3A_119 = arith.muli %mul3A_118, %scan3A_117 : i32
      %add3A_120 = arith.constant 0 : i32
      %add3A_121 = arith.addi %mul3A_119, %add3A_120 : i32
      %dma_wait3A_122 = arith.constant 0 : i32
      %dma_wait3A_123 = arith.constant 0 : i32
      %dma_wait3A_124 = arith.constant 0 : i32
      %dma_wait3A_125 = tpu.memref_slice %arg8[%dma_wait3A_122, %dma_wait3A_123, %dma_wait3A_124] : memref<5x128x128xf32, #tpu.memory_space<vmem>> -> memref<1x128x128xf32, #tpu.memory_space<vmem>>
      %dma_wait3A_126 = tpu.memref_squeeze %dma_wait3A_125 : memref<1x128x128xf32, #tpu.memory_space<vmem>> -> memref<128x128xf32, #tpu.memory_space<vmem>>
      %dma_wait3A_127 = arith.constant 0 : i32
      %dma_wait3A_128 = tpu.memref_slice %arg6[%add3A_121, %dma_wait3A_127] : memref<50x128xi32, #tpu.memory_space<vmem>> -> memref<1x128xi32, #tpu.memory_space<vmem>>
      %dma_wait3A_129 = tpu.memref_squeeze %dma_wait3A_128 : memref<1x128xi32, #tpu.memory_space<vmem>> -> memref<128xi32, #tpu.memory_space<vmem>>
      %dma_wait3A_130 = arith.constant 0 : i32
      %dma_wait3A_131 = arith.constant 0 : i32
      %dma_wait3A_132 = tpu.memref_slice %arg3[%dma_wait3A_130, %dma_wait3A_131] : memref<100000x128xf32, #tpu.memory_space<hbm>> -> memref<100000x128xf32, #tpu.memory_space<hbm>>
      tpu.wait_indirect_dma semaphore(%arg9 : memref<!tpu.dma_semaphore, #tpu.memory_space<semaphore_mem>>) src(%dma_wait3A_132 : memref<100000x128xf32, #tpu.memory_space<hbm>>) dst(%dma_wait3A_126 : memref<128x128xf32, #tpu.memory_space<vmem>>)
      %mul3A_133 = arith.constant 128 : i32
      %mul3A_134 = arith.muli %add3A_121, %mul3A_133 : i32
      %rem3A = arith.constant 200 : i32
      %rem3A_135 = arith.remsi %mul3A_134, %rem3A : i32
      %parallel_loop3A = arith.constant 0 : i32
      %parallel_loop3A_136 = arith.constant 128 : i32
      %parallel_loop3A_137 = arith.constant 1 : i32
      scf.for %parallel_loop3A_353 = %parallel_loop3A to %parallel_loop3A_136 step %parallel_loop3A_137  : i32 {
        %parallel_loop3A_354 = arith.addi %rem3A_135, %parallel_loop3A_353 : i32
        %parallel_loop3A_355 = arith.constant 200 : i32
        %parallel_loop3A_356 = arith.remsi %parallel_loop3A_354, %parallel_loop3A_355 : i32
        %parallel_loop3A_357 = arith.index_cast %parallel_loop3A_356 : i32 to index
        %parallel_loop3A_358 = arith.constant 0 : index
        %parallel_loop3A_359 = tpu.vector_load %arg7[%parallel_loop3A_357, %parallel_loop3A_358] {strides = array<i32>} : memref<200x128xf32, #tpu.memory_space<vmem>>, vector<1x16xf32>,
        %parallel_loop3A_360 = vector.shape_cast %parallel_loop3A_359 : vector<1x16xf32> to vector<16xf32>
        %parallel_loop3A_361 = arith.constant 0 : i32
        %parallel_loop3A_362 = arith.index_cast %parallel_loop3A_361 : i32 to index
        %parallel_loop3A_363 = arith.index_cast %parallel_loop3A_353 : i32 to index
        %parallel_loop3A_364 = arith.constant 0 : index
        %parallel_loop3A_365 = tpu.vector_load %arg8[%parallel_loop3A_362, %parallel_loop3A_363, %parallel_loop3A_364] {strides = array<i32>} : memref<5x128x128xf32, #tpu.memory_space<vmem>>, vector<1x1x16xf32>,
        %parallel_loop3A_366 = vector.shape_cast %parallel_loop3A_365 : vector<1x1x16xf32> to vector<16xf32>
        %parallel_loop3A_367 = vector.shape_cast %parallel_loop3A_360 : vector<16xf32> to vector<1x1x16xf32>
        tpu.vector_store %arg8[%parallel_loop3A_362, %parallel_loop3A_363, %parallel_loop3A_364], %parallel_loop3A_367 {add = true, strides = array<i32>} : memref<5x128x128xf32, #tpu.memory_space<vmem>>, vector<1x1x16xf32>,
        %parallel_loop3A_368 = arith.index_cast %parallel_loop3A_356 : i32 to index
        %parallel_loop3A_369 = arith.constant 16 : index
        %parallel_loop3A_370 = tpu.vector_load %arg7[%parallel_loop3A_368, %parallel_loop3A_369] {strides = array<i32>} : memref<200x128xf32, #tpu.memory_space<vmem>>, vector<1x16xf32>,
        %parallel_loop3A_371 = vector.shape_cast %parallel_loop3A_370 : vector<1x16xf32> to vector<16xf32>
        %parallel_loop3A_372 = arith.constant 0 : i32
        %parallel_loop3A_373 = arith.index_cast %parallel_loop3A_372 : i32 to index
        %parallel_loop3A_374 = arith.index_cast %parallel_loop3A_353 : i32 to index
        %parallel_loop3A_375 = arith.constant 16 : index
        %parallel_loop3A_376 = tpu.vector_load %arg8[%parallel_loop3A_373, %parallel_loop3A_374, %parallel_loop3A_375] {strides = array<i32>} : memref<5x128x128xf32, #tpu.memory_space<vmem>>, vector<1x1x16xf32>,
        %parallel_loop3A_377 = vector.shape_cast %parallel_loop3A_376 : vector<1x1x16xf32> to vector<16xf32>
        %parallel_loop3A_378 = vector.shape_cast %parallel_loop3A_371 : vector<16xf32> to vector<1x1x16xf32>
        tpu.vector_store %arg8[%parallel_loop3A_373, %parallel_loop3A_374, %parallel_loop3A_375], %parallel_loop3A_378 {add = true, strides = array<i32>} : memref<5x128x128xf32, #tpu.memory_space<vmem>>, vector<1x1x16xf32>,
        %parallel_loop3A_379 = arith.index_cast %parallel_loop3A_356 : i32 to index
        %parallel_loop3A_380 = arith.constant 32 : index
        %parallel_loop3A_381 = tpu.vector_load %arg7[%parallel_loop3A_379, %parallel_loop3A_380] {strides = array<i32>} : memref<200x128xf32, #tpu.memory_space<vmem>>, vector<1x16xf32>,
        %parallel_loop3A_382 = vector.shape_cast %parallel_loop3A_381 : vector<1x16xf32> to vector<16xf32>
        %parallel_loop3A_383 = arith.constant 0 : i32
        %parallel_loop3A_384 = arith.index_cast %parallel_loop3A_383 : i32 to index
        %parallel_loop3A_385 = arith.index_cast %parallel_loop3A_353 : i32 to index
        %parallel_loop3A_386 = arith.constant 32 : index
        %parallel_loop3A_387 = tpu.vector_load %arg8[%parallel_loop3A_384, %parallel_loop3A_385, %parallel_loop3A_386] {strides = array<i32>} : memref<5x128x128xf32, #tpu.memory_space<vmem>>, vector<1x1x16xf32>,
        %parallel_loop3A_388 = vector.shape_cast %parallel_loop3A_387 : vector<1x1x16xf32> to vector<16xf32>
        %parallel_loop3A_389 = vector.shape_cast %parallel_loop3A_382 : vector<16xf32> to vector<1x1x16xf32>
        tpu.vector_store %arg8[%parallel_loop3A_384, %parallel_loop3A_385, %parallel_loop3A_386], %parallel_loop3A_389 {add = true, strides = array<i32>} : memref<5x128x128xf32, #tpu.memory_space<vmem>>, vector<1x1x16xf32>,
        %parallel_loop3A_390 = arith.index_cast %parallel_loop3A_356 : i32 to index
        %parallel_loop3A_391 = arith.constant 48 : index
        %parallel_loop3A_392 = tpu.vector_load %arg7[%parallel_loop3A_390, %parallel_loop3A_391] {strides = array<i32>} : memref<200x128xf32, #tpu.memory_space<vmem>>, vector<1x16xf32>,
        %parallel_loop3A_393 = vector.shape_cast %parallel_loop3A_392 : vector<1x16xf32> to vector<16xf32>
        %parallel_loop3A_394 = arith.constant 0 : i32
        %parallel_loop3A_395 = arith.index_cast %parallel_loop3A_394 : i32 to index
        %parallel_loop3A_396 = arith.index_cast %parallel_loop3A_353 : i32 to index
        %parallel_loop3A_397 = arith.constant 48 : index
        %parallel_loop3A_398 = tpu.vector_load %arg8[%parallel_loop3A_395, %parallel_loop3A_396, %parallel_loop3A_397] {strides = array<i32>} : memref<5x128x128xf32, #tpu.memory_space<vmem>>, vector<1x1x16xf32>,
        %parallel_loop3A_399 = vector.shape_cast %parallel_loop3A_398 : vector<1x1x16xf32> to vector<16xf32>
        %parallel_loop3A_400 = vector.shape_cast %parallel_loop3A_393 : vector<16xf32> to vector<1x1x16xf32>
        tpu.vector_store %arg8[%parallel_loop3A_395, %parallel_loop3A_396, %parallel_loop3A_397], %parallel_loop3A_400 {add = true, strides = array<i32>} : memref<5x128x128xf32, #tpu.memory_space<vmem>>, vector<1x1x16xf32>,
        %parallel_loop3A_401 = arith.index_cast %parallel_loop3A_356 : i32 to index
        %parallel_loop3A_402 = arith.constant 64 : index
        %parallel_loop3A_403 = tpu.vector_load %arg7[%parallel_loop3A_401, %parallel_loop3A_402] {strides = array<i32>} : memref<200x128xf32, #tpu.memory_space<vmem>>, vector<1x16xf32>,
        %parallel_loop3A_404 = vector.shape_cast %parallel_loop3A_403 : vector<1x16xf32> to vector<16xf32>
        %parallel_loop3A_405 = arith.constant 0 : i32
        %parallel_loop3A_406 = arith.index_cast %parallel_loop3A_405 : i32 to index
        %parallel_loop3A_407 = arith.index_cast %parallel_loop3A_353 : i32 to index
        %parallel_loop3A_408 = arith.constant 64 : index
        %parallel_loop3A_409 = tpu.vector_load %arg8[%parallel_loop3A_406, %parallel_loop3A_407, %parallel_loop3A_408] {strides = array<i32>} : memref<5x128x128xf32, #tpu.memory_space<vmem>>, vector<1x1x16xf32>,
        %parallel_loop3A_410 = vector.shape_cast %parallel_loop3A_409 : vector<1x1x16xf32> to vector<16xf32>
        %parallel_loop3A_411 = vector.shape_cast %parallel_loop3A_404 : vector<16xf32> to vector<1x1x16xf32>
        tpu.vector_store %arg8[%parallel_loop3A_406, %parallel_loop3A_407, %parallel_loop3A_408], %parallel_loop3A_411 {add = true, strides = array<i32>} : memref<5x128x128xf32, #tpu.memory_space<vmem>>, vector<1x1x16xf32>,
        %parallel_loop3A_412 = arith.index_cast %parallel_loop3A_356 : i32 to index
        %parallel_loop3A_413 = arith.constant 80 : index
        %parallel_loop3A_414 = tpu.vector_load %arg7[%parallel_loop3A_412, %parallel_loop3A_413] {strides = array<i32>} : memref<200x128xf32, #tpu.memory_space<vmem>>, vector<1x16xf32>,
        %parallel_loop3A_415 = vector.shape_cast %parallel_loop3A_414 : vector<1x16xf32> to vector<16xf32>
        %parallel_loop3A_416 = arith.constant 0 : i32
        %parallel_loop3A_417 = arith.index_cast %parallel_loop3A_416 : i32 to index
        %parallel_loop3A_418 = arith.index_cast %parallel_loop3A_353 : i32 to index
        %parallel_loop3A_419 = arith.constant 80 : index
        %parallel_loop3A_420 = tpu.vector_load %arg8[%parallel_loop3A_417, %parallel_loop3A_418, %parallel_loop3A_419] {strides = array<i32>} : memref<5x128x128xf32, #tpu.memory_space<vmem>>, vector<1x1x16xf32>,
        %parallel_loop3A_421 = vector.shape_cast %parallel_loop3A_420 : vector<1x1x16xf32> to vector<16xf32>
        %parallel_loop3A_422 = vector.shape_cast %parallel_loop3A_415 : vector<16xf32> to vector<1x1x16xf32>
        tpu.vector_store %arg8[%parallel_loop3A_417, %parallel_loop3A_418, %parallel_loop3A_419], %parallel_loop3A_422 {add = true, strides = array<i32>} : memref<5x128x128xf32, #tpu.memory_space<vmem>>, vector<1x1x16xf32>,
        %parallel_loop3A_423 = arith.index_cast %parallel_loop3A_356 : i32 to index
        %parallel_loop3A_424 = arith.constant 96 : index
        %parallel_loop3A_425 = tpu.vector_load %arg7[%parallel_loop3A_423, %parallel_loop3A_424] {strides = array<i32>} : memref<200x128xf32, #tpu.memory_space<vmem>>, vector<1x16xf32>,
        %parallel_loop3A_426 = vector.shape_cast %parallel_loop3A_425 : vector<1x16xf32> to vector<16xf32>
        %parallel_loop3A_427 = arith.constant 0 : i32
        %parallel_loop3A_428 = arith.index_cast %parallel_loop3A_427 : i32 to index
        %parallel_loop3A_429 = arith.index_cast %parallel_loop3A_353 : i32 to index
        %parallel_loop3A_430 = arith.constant 96 : index
        %parallel_loop3A_431 = tpu.vector_load %arg8[%parallel_loop3A_428, %parallel_loop3A_429, %parallel_loop3A_430] {strides = array<i32>} : memref<5x128x128xf32, #tpu.memory_space<vmem>>, vector<1x1x16xf32>,
        %parallel_loop3A_432 = vector.shape_cast %parallel_loop3A_431 : vector<1x1x16xf32> to vector<16xf32>
        %parallel_loop3A_433 = vector.shape_cast %parallel_loop3A_426 : vector<16xf32> to vector<1x1x16xf32>
        tpu.vector_store %arg8[%parallel_loop3A_428, %parallel_loop3A_429, %parallel_loop3A_430], %parallel_loop3A_433 {add = true, strides = array<i32>} : memref<5x128x128xf32, #tpu.memory_space<vmem>>, vector<1x1x16xf32>,
        %parallel_loop3A_434 = arith.index_cast %parallel_loop3A_356 : i32 to index
        %parallel_loop3A_435 = arith.constant 112 : index
        %parallel_loop3A_436 = tpu.vector_load %arg7[%parallel_loop3A_434, %parallel_loop3A_435] {strides = array<i32>} : memref<200x128xf32, #tpu.memory_space<vmem>>, vector<1x16xf32>,
        %parallel_loop3A_437 = vector.shape_cast %parallel_loop3A_436 : vector<1x16xf32> to vector<16xf32>
        %parallel_loop3A_438 = arith.constant 0 : i32
        %parallel_loop3A_439 = arith.index_cast %parallel_loop3A_438 : i32 to index
        %parallel_loop3A_440 = arith.index_cast %parallel_loop3A_353 : i32 to index
        %parallel_loop3A_441 = arith.constant 112 : index
        %parallel_loop3A_442 = tpu.vector_load %arg8[%parallel_loop3A_439, %parallel_loop3A_440, %parallel_loop3A_441] {strides = array<i32>} : memref<5x128x128xf32, #tpu.memory_space<vmem>>, vector<1x1x16xf32>,
        %parallel_loop3A_443 = vector.shape_cast %parallel_loop3A_442 : vector<1x1x16xf32> to vector<16xf32>
        %parallel_loop3A_444 = vector.shape_cast %parallel_loop3A_437 : vector<16xf32> to vector<1x1x16xf32>
        tpu.vector_store %arg8[%parallel_loop3A_439, %parallel_loop3A_440, %parallel_loop3A_441], %parallel_loop3A_444 {add = true, strides = array<i32>} : memref<5x128x128xf32, #tpu.memory_space<vmem>>, vector<1x1x16xf32>,
      } {sc.loop_unroll_factor = 4 : i64, sc.parallel_access}
      %add3A_138 = arith.addi %mul3A_2, %add3A_121 : i32
      %mul3A_139 = arith.constant 128 : i32
      %mul3A_140 = arith.muli %add3A_138, %mul3A_139 : i32
      %dma_start3A_141 = arith.constant 0 : i32
      %dma_start3A_142 = arith.constant 0 : i32
      %dma_start3A_143 = arith.constant 0 : i32
      %dma_start3A_144 = tpu.memref_slice %arg8[%dma_start3A_141, %dma_start3A_142, %dma_start3A_143] : memref<5x128x128xf32, #tpu.memory_space<vmem>> -> memref<1x128x128xf32, #tpu.memory_space<vmem>>
      %dma_start3A_145 = tpu.memref_squeeze %dma_start3A_144 : memref<1x128x128xf32, #tpu.memory_space<vmem>> -> memref<128x128xf32, #tpu.memory_space<vmem>>
      %dma_start3A_146 = arith.constant 0 : i32
      %dma_start3A_147 = tpu.memref_slice %arg5[%mul3A_140, %dma_start3A_146] : memref<204800x128xf32, #tpu.memory_space<hbm>> -> memref<128x128xf32, #tpu.memory_space<hbm>>
      %dma_start3A_148 = arith.constant 0 : i32
      %dma_start3A_149 = tpu.memref_slice %arg5[%mul3A_140, %dma_start3A_148] : memref<204800x128xf32, #tpu.memory_space<hbm>> -> memref<128x128xf32, #tpu.memory_space<hbm>>
      %dma_start3A_150 = arith.constant 0 : i32
      %dma_start3A_151 = arith.constant 0 : i32
      %dma_start3A_152 = tpu.memref_slice %arg8[%dma_start3A_141, %dma_start3A_150, %dma_start3A_151] : memref<5x128x128xf32, #tpu.memory_space<vmem>> -> memref<1x128x128xf32, #tpu.memory_space<vmem>>
      %dma_start3A_153 = tpu.memref_squeeze %dma_start3A_152 : memref<1x128x128xf32, #tpu.memory_space<vmem>> -> memref<128x128xf32, #tpu.memory_space<vmem>>
      tpu.enqueue_dma source(%dma_start3A_153 : memref<128x128xf32, #tpu.memory_space<vmem>>) target(%dma_start3A_149 : memref<128x128xf32, #tpu.memory_space<hbm>>) target_semaphore(%arg14 : memref<!tpu.dma_semaphore, #tpu.memory_space<semaphore_mem>>)
      %ge3A = arith.constant 1 : i32
      %ge3A_154 = arith.cmpi sge, %scan3A_117, %ge3A : i32
      %convert_element_type3A = arith.extui %ge3A_154 : i1 to i32
      %cond3A = arith.constant 0 : i32
      %cond3A_155 = arith.cmpi ne, %convert_element_type3A, %cond3A : i32
      scf.if %cond3A_155 {
        %dma_wait3A_353 = arith.constant 3 : i32
        %dma_wait3A_354 = arith.constant 0 : i32
        %dma_wait3A_355 = arith.constant 0 : i32
        %dma_wait3A_356 = tpu.memref_slice %arg8[%dma_wait3A_353, %dma_wait3A_354, %dma_wait3A_355] : memref<5x128x128xf32, #tpu.memory_space<vmem>> -> memref<1x128x128xf32, #tpu.memory_space<vmem>>
        %dma_wait3A_357 = tpu.memref_squeeze %dma_wait3A_356 : memref<1x128x128xf32, #tpu.memory_space<vmem>> -> memref<128x128xf32, #tpu.memory_space<vmem>>
        %dma_wait3A_358 = arith.constant 0 : i32
        %dma_wait3A_359 = arith.constant 0 : i32
        %dma_wait3A_360 = tpu.memref_slice %arg5[%dma_wait3A_358, %dma_wait3A_359] : memref<204800x128xf32, #tpu.memory_space<hbm>> -> memref<128x128xf32, #tpu.memory_space<hbm>>
        %dma_wait3A_361 = arith.constant 0 : i32
        %dma_wait3A_362 = arith.constant 0 : i32
        %dma_wait3A_363 = tpu.memref_slice %arg5[%dma_wait3A_361, %dma_wait3A_362] : memref<204800x128xf32, #tpu.memory_space<hbm>> -> memref<128x128xf32, #tpu.memory_space<hbm>>
        %dma_wait3A_364 = arith.constant 0 : i32
        %dma_wait3A_365 = arith.constant 0 : i32
        %dma_wait3A_366 = tpu.memref_slice %arg8[%dma_wait3A_353, %dma_wait3A_364, %dma_wait3A_365] : memref<5x128x128xf32, #tpu.memory_space<vmem>> -> memref<1x128x128xf32, #tpu.memory_space<vmem>>
        %dma_wait3A_367 = tpu.memref_squeeze %dma_wait3A_366 : memref<1x128x128xf32, #tpu.memory_space<vmem>> -> memref<128x128xf32, #tpu.memory_space<vmem>>
        tpu.wait_dma2 semaphore(%arg17 : memref<!tpu.dma_semaphore, #tpu.memory_space<semaphore_mem>>) src(%dma_wait3A_367 : memref<128x128xf32, #tpu.memory_space<vmem>>) dst(%dma_wait3A_363 : memref<128x128xf32, #tpu.memory_space<hbm>>)
      } else {
      }
      %add3A_156 = arith.constant 3 : i32
      %add3A_157 = arith.addi %add3A_121, %add3A_156 : i32
      %dma_start3A_158 = arith.constant 3 : i32
      %dma_start3A_159 = arith.constant 0 : i32
      %dma_start3A_160 = arith.constant 0 : i32
      %dma_start3A_161 = tpu.memref_slice %arg8[%dma_start3A_158, %dma_start3A_159, %dma_start3A_160] : memref<5x128x128xf32, #tpu.memory_space<vmem>> -> memref<1x128x128xf32, #tpu.memory_space<vmem>>
      %dma_start3A_162 = tpu.memref_squeeze %dma_start3A_161 : memref<1x128x128xf32, #tpu.memory_space<vmem>> -> memref<128x128xf32, #tpu.memory_space<vmem>>
      %dma_start3A_163 = arith.constant 0 : i32
      %dma_start3A_164 = tpu.memref_slice %arg6[%add3A_157, %dma_start3A_163] : memref<50x128xi32, #tpu.memory_space<vmem>> -> memref<1x128xi32, #tpu.memory_space<vmem>>
      %dma_start3A_165 = tpu.memref_squeeze %dma_start3A_164 : memref<1x128xi32, #tpu.memory_space<vmem>> -> memref<128xi32, #tpu.memory_space<vmem>>
      %dma_start3A_166 = arith.constant 0 : i32
      %dma_start3A_167 = arith.constant 0 : i32
      %dma_start3A_168 = tpu.memref_slice %arg3[%dma_start3A_166, %dma_start3A_167] : memref<100000x128xf32, #tpu.memory_space<hbm>> -> memref<100000x128xf32, #tpu.memory_space<hbm>>
      tpu.enqueue_indirect_dma source(%dma_start3A_168 : memref<100000x128xf32, #tpu.memory_space<hbm>>) target(%dma_start3A_162 : memref<128x128xf32, #tpu.memory_space<vmem>>) offsets(%dma_start3A_165 : memref<128xi32, #tpu.memory_space<vmem>>) semaphore(%arg12 : memref<!tpu.dma_semaphore, #tpu.memory_space<semaphore_mem>>)
      %mul3A_169 = arith.constant 5 : i32
      %mul3A_170 = arith.muli %mul3A_169, %scan3A_117 : i32
      %add3A_171 = arith.constant 1 : i32
      %add3A_172 = arith.addi %mul3A_170, %add3A_171 : i32
      %dma_wait3A_173 = arith.constant 1 : i32
      %dma_wait3A_174 = arith.constant 0 : i32
      %dma_wait3A_175 = arith.constant 0 : i32
      %dma_wait3A_176 = tpu.memref_slice %arg8[%dma_wait3A_173, %dma_wait3A_174, %dma_wait3A_175] : memref<5x128x128xf32, #tpu.memory_space<vmem>> -> memref<1x128x128xf32, #tpu.memory_space<vmem>>
      %dma_wait3A_177 = tpu.memref_squeeze %dma_wait3A_176 : memref<1x128x128xf32, #tpu.memory_space<vmem>> -> memref<128x128xf32, #tpu.memory_space<vmem>>
      %dma_wait3A_178 = arith.constant 0 : i32
      %dma_wait3A_179 = tpu.memref_slice %arg6[%add3A_172, %dma_wait3A_178] : memref<50x128xi32, #tpu.memory_space<vmem>> -> memref<1x128xi32, #tpu.memory_space<vmem>>
      %dma_wait3A_180 = tpu.memref_squeeze %dma_wait3A_179 : memref<1x128xi32, #tpu.memory_space<vmem>> -> memref<128xi32, #tpu.memory_space<vmem>>
      %dma_wait3A_181 = arith.constant 0 : i32
      %dma_wait3A_182 = arith.constant 0 : i32
      %dma_wait3A_183 = tpu.memref_slice %arg3[%dma_wait3A_181, %dma_wait3A_182] : memref<100000x128xf32, #tpu.memory_space<hbm>> -> memref<100000x128xf32, #tpu.memory_space<hbm>>
      tpu.wait_indirect_dma semaphore(%arg10 : memref<!tpu.dma_semaphore, #tpu.memory_space<semaphore_mem>>) src(%dma_wait3A_183 : memref<100000x128xf32, #tpu.memory_space<hbm>>) dst(%dma_wait3A_177 : memref<128x128xf32, #tpu.memory_space<vmem>>)
      %mul3A_184 = arith.constant 128 : i32
      %mul3A_185 = arith.muli %add3A_172, %mul3A_184 : i32
      %rem3A_186 = arith.constant 200 : i32
      %rem3A_187 = arith.remsi %mul3A_185, %rem3A_186 : i32
      %parallel_loop3A_188 = arith.constant 0 : i32
      %parallel_loop3A_189 = arith.constant 128 : i32
      %parallel_loop3A_190 = arith.constant 1 : i32
      scf.for %parallel_loop3A_353 = %parallel_loop3A_188 to %parallel_loop3A_189 step %parallel_loop3A_190  : i32 {
        %parallel_loop3A_354 = arith.addi %rem3A_187, %parallel_loop3A_353 : i32
        %parallel_loop3A_355 = arith.constant 200 : i32
        %parallel_loop3A_356 = arith.remsi %parallel_loop3A_354, %parallel_loop3A_355 : i32
        %parallel_loop3A_357 = arith.index_cast %parallel_loop3A_356 : i32 to index
        %parallel_loop3A_358 = arith.constant 0 : index
        %parallel_loop3A_359 = tpu.vector_load %arg7[%parallel_loop3A_357, %parallel_loop3A_358] {strides = array<i32>} : memref<200x128xf32, #tpu.memory_space<vmem>>, vector<1x16xf32>,
        %parallel_loop3A_360 = vector.shape_cast %parallel_loop3A_359 : vector<1x16xf32> to vector<16xf32>
        %parallel_loop3A_361 = arith.constant 1 : i32
        %parallel_loop3A_362 = arith.index_cast %parallel_loop3A_361 : i32 to index
        %parallel_loop3A_363 = arith.index_cast %parallel_loop3A_353 : i32 to index
        %parallel_loop3A_364 = arith.constant 0 : index
        %parallel_loop3A_365 = tpu.vector_load %arg8[%parallel_loop3A_362, %parallel_loop3A_363, %parallel_loop3A_364] {strides = array<i32>} : memref<5x128x128xf32, #tpu.memory_space<vmem>>, vector<1x1x16xf32>,
        %parallel_loop3A_366 = vector.shape_cast %parallel_loop3A_365 : vector<1x1x16xf32> to vector<16xf32>
        %parallel_loop3A_367 = vector.shape_cast %parallel_loop3A_360 : vector<16xf32> to vector<1x1x16xf32>
        tpu.vector_store %arg8[%parallel_loop3A_362, %parallel_loop3A_363, %parallel_loop3A_364], %parallel_loop3A_367 {add = true, strides = array<i32>} : memref<5x128x128xf32, #tpu.memory_space<vmem>>, vector<1x1x16xf32>,
        %parallel_loop3A_368 = arith.index_cast %parallel_loop3A_356 : i32 to index
        %parallel_loop3A_369 = arith.constant 16 : index
        %parallel_loop3A_370 = tpu.vector_load %arg7[%parallel_loop3A_368, %parallel_loop3A_369] {strides = array<i32>} : memref<200x128xf32, #tpu.memory_space<vmem>>, vector<1x16xf32>,
        %parallel_loop3A_371 = vector.shape_cast %parallel_loop3A_370 : vector<1x16xf32> to vector<16xf32>
        %parallel_loop3A_372 = arith.constant 1 : i32
        %parallel_loop3A_373 = arith.index_cast %parallel_loop3A_372 : i32 to index
        %parallel_loop3A_374 = arith.index_cast %parallel_loop3A_353 : i32 to index
        %parallel_loop3A_375 = arith.constant 16 : index
        %parallel_loop3A_376 = tpu.vector_load %arg8[%parallel_loop3A_373, %parallel_loop3A_374, %parallel_loop3A_375] {strides = array<i32>} : memref<5x128x128xf32, #tpu.memory_space<vmem>>, vector<1x1x16xf32>,
        %parallel_loop3A_377 = vector.shape_cast %parallel_loop3A_376 : vector<1x1x16xf32> to vector<16xf32>
        %parallel_loop3A_378 = vector.shape_cast %parallel_loop3A_371 : vector<16xf32> to vector<1x1x16xf32>
        tpu.vector_store %arg8[%parallel_loop3A_373, %parallel_loop3A_374, %parallel_loop3A_375], %parallel_loop3A_378 {add = true, strides = array<i32>} : memref<5x128x128xf32, #tpu.memory_space<vmem>>, vector<1x1x16xf32>,
        %parallel_loop3A_379 = arith.index_cast %parallel_loop3A_356 : i32 to index
        %parallel_loop3A_380 = arith.constant 32 : index
        %parallel_loop3A_381 = tpu.vector_load %arg7[%parallel_loop3A_379, %parallel_loop3A_380] {strides = array<i32>} : memref<200x128xf32, #tpu.memory_space<vmem>>, vector<1x16xf32>,
        %parallel_loop3A_382 = vector.shape_cast %parallel_loop3A_381 : vector<1x16xf32> to vector<16xf32>
        %parallel_loop3A_383 = arith.constant 1 : i32
        %parallel_loop3A_384 = arith.index_cast %parallel_loop3A_383 : i32 to index
        %parallel_loop3A_385 = arith.index_cast %parallel_loop3A_353 : i32 to index
        %parallel_loop3A_386 = arith.constant 32 : index
        %parallel_loop3A_387 = tpu.vector_load %arg8[%parallel_loop3A_384, %parallel_loop3A_385, %parallel_loop3A_386] {strides = array<i32>} : memref<5x128x128xf32, #tpu.memory_space<vmem>>, vector<1x1x16xf32>,
        %parallel_loop3A_388 = vector.shape_cast %parallel_loop3A_387 : vector<1x1x16xf32> to vector<16xf32>
        %parallel_loop3A_389 = vector.shape_cast %parallel_loop3A_382 : vector<16xf32> to vector<1x1x16xf32>
        tpu.vector_store %arg8[%parallel_loop3A_384, %parallel_loop3A_385, %parallel_loop3A_386], %parallel_loop3A_389 {add = true, strides = array<i32>} : memref<5x128x128xf32, #tpu.memory_space<vmem>>, vector<1x1x16xf32>,
        %parallel_loop3A_390 = arith.index_cast %parallel_loop3A_356 : i32 to index
        %parallel_loop3A_391 = arith.constant 48 : index
        %parallel_loop3A_392 = tpu.vector_load %arg7[%parallel_loop3A_390, %parallel_loop3A_391] {strides = array<i32>} : memref<200x128xf32, #tpu.memory_space<vmem>>, vector<1x16xf32>,
        %parallel_loop3A_393 = vector.shape_cast %parallel_loop3A_392 : vector<1x16xf32> to vector<16xf32>
        %parallel_loop3A_394 = arith.constant 1 : i32
        %parallel_loop3A_395 = arith.index_cast %parallel_loop3A_394 : i32 to index
        %parallel_loop3A_396 = arith.index_cast %parallel_loop3A_353 : i32 to index
        %parallel_loop3A_397 = arith.constant 48 : index
        %parallel_loop3A_398 = tpu.vector_load %arg8[%parallel_loop3A_395, %parallel_loop3A_396, %parallel_loop3A_397] {strides = array<i32>} : memref<5x128x128xf32, #tpu.memory_space<vmem>>, vector<1x1x16xf32>,
        %parallel_loop3A_399 = vector.shape_cast %parallel_loop3A_398 : vector<1x1x16xf32> to vector<16xf32>
        %parallel_loop3A_400 = vector.shape_cast %parallel_loop3A_393 : vector<16xf32> to vector<1x1x16xf32>
        tpu.vector_store %arg8[%parallel_loop3A_395, %parallel_loop3A_396, %parallel_loop3A_397], %parallel_loop3A_400 {add = true, strides = array<i32>} : memref<5x128x128xf32, #tpu.memory_space<vmem>>, vector<1x1x16xf32>,
        %parallel_loop3A_401 = arith.index_cast %parallel_loop3A_356 : i32 to index
        %parallel_loop3A_402 = arith.constant 64 : index
        %parallel_loop3A_403 = tpu.vector_load %arg7[%parallel_loop3A_401, %parallel_loop3A_402] {strides = array<i32>} : memref<200x128xf32, #tpu.memory_space<vmem>>, vector<1x16xf32>,
        %parallel_loop3A_404 = vector.shape_cast %parallel_loop3A_403 : vector<1x16xf32> to vector<16xf32>
        %parallel_loop3A_405 = arith.constant 1 : i32
        %parallel_loop3A_406 = arith.index_cast %parallel_loop3A_405 : i32 to index
        %parallel_loop3A_407 = arith.index_cast %parallel_loop3A_353 : i32 to index
        %parallel_loop3A_408 = arith.constant 64 : index
        %parallel_loop3A_409 = tpu.vector_load %arg8[%parallel_loop3A_406, %parallel_loop3A_407, %parallel_loop3A_408] {strides = array<i32>} : memref<5x128x128xf32, #tpu.memory_space<vmem>>, vector<1x1x16xf32>,
        %parallel_loop3A_410 = vector.shape_cast %parallel_loop3A_409 : vector<1x1x16xf32> to vector<16xf32>
        %parallel_loop3A_411 = vector.shape_cast %parallel_loop3A_404 : vector<16xf32> to vector<1x1x16xf32>
        tpu.vector_store %arg8[%parallel_loop3A_406, %parallel_loop3A_407, %parallel_loop3A_408], %parallel_loop3A_411 {add = true, strides = array<i32>} : memref<5x128x128xf32, #tpu.memory_space<vmem>>, vector<1x1x16xf32>,
        %parallel_loop3A_412 = arith.index_cast %parallel_loop3A_356 : i32 to index
        %parallel_loop3A_413 = arith.constant 80 : index
        %parallel_loop3A_414 = tpu.vector_load %arg7[%parallel_loop3A_412, %parallel_loop3A_413] {strides = array<i32>} : memref<200x128xf32, #tpu.memory_space<vmem>>, vector<1x16xf32>,
        %parallel_loop3A_415 = vector.shape_cast %parallel_loop3A_414 : vector<1x16xf32> to vector<16xf32>
        %parallel_loop3A_416 = arith.constant 1 : i32
        %parallel_loop3A_417 = arith.index_cast %parallel_loop3A_416 : i32 to index
        %parallel_loop3A_418 = arith.index_cast %parallel_loop3A_353 : i32 to index
        %parallel_loop3A_419 = arith.constant 80 : index
        %parallel_loop3A_420 = tpu.vector_load %arg8[%parallel_loop3A_417, %parallel_loop3A_418, %parallel_loop3A_419] {strides = array<i32>} : memref<5x128x128xf32, #tpu.memory_space<vmem>>, vector<1x1x16xf32>,
        %parallel_loop3A_421 = vector.shape_cast %parallel_loop3A_420 : vector<1x1x16xf32> to vector<16xf32>
        %parallel_loop3A_422 = vector.shape_cast %parallel_loop3A_415 : vector<16xf32> to vector<1x1x16xf32>
        tpu.vector_store %arg8[%parallel_loop3A_417, %parallel_loop3A_418, %parallel_loop3A_419], %parallel_loop3A_422 {add = true, strides = array<i32>} : memref<5x128x128xf32, #tpu.memory_space<vmem>>, vector<1x1x16xf32>,
        %parallel_loop3A_423 = arith.index_cast %parallel_loop3A_356 : i32 to index
        %parallel_loop3A_424 = arith.constant 96 : index
        %parallel_loop3A_425 = tpu.vector_load %arg7[%parallel_loop3A_423, %parallel_loop3A_424] {strides = array<i32>} : memref<200x128xf32, #tpu.memory_space<vmem>>, vector<1x16xf32>,
        %parallel_loop3A_426 = vector.shape_cast %parallel_loop3A_425 : vector<1x16xf32> to vector<16xf32>
        %parallel_loop3A_427 = arith.constant 1 : i32
        %parallel_loop3A_428 = arith.index_cast %parallel_loop3A_427 : i32 to index
        %parallel_loop3A_429 = arith.index_cast %parallel_loop3A_353 : i32 to index
        %parallel_loop3A_430 = arith.constant 96 : index
        %parallel_loop3A_431 = tpu.vector_load %arg8[%parallel_loop3A_428, %parallel_loop3A_429, %parallel_loop3A_430] {strides = array<i32>} : memref<5x128x128xf32, #tpu.memory_space<vmem>>, vector<1x1x16xf32>,
        %parallel_loop3A_432 = vector.shape_cast %parallel_loop3A_431 : vector<1x1x16xf32> to vector<16xf32>
        %parallel_loop3A_433 = vector.shape_cast %parallel_loop3A_426 : vector<16xf32> to vector<1x1x16xf32>
        tpu.vector_store %arg8[%parallel_loop3A_428, %parallel_loop3A_429, %parallel_loop3A_430], %parallel_loop3A_433 {add = true, strides = array<i32>} : memref<5x128x128xf32, #tpu.memory_space<vmem>>, vector<1x1x16xf32>,
        %parallel_loop3A_434 = arith.index_cast %parallel_loop3A_356 : i32 to index
        %parallel_loop3A_435 = arith.constant 112 : index
        %parallel_loop3A_436 = tpu.vector_load %arg7[%parallel_loop3A_434, %parallel_loop3A_435] {strides = array<i32>} : memref<200x128xf32, #tpu.memory_space<vmem>>, vector<1x16xf32>,
        %parallel_loop3A_437 = vector.shape_cast %parallel_loop3A_436 : vector<1x16xf32> to vector<16xf32>
        %parallel_loop3A_438 = arith.constant 1 : i32
        %parallel_loop3A_439 = arith.index_cast %parallel_loop3A_438 : i32 to index
        %parallel_loop3A_440 = arith.index_cast %parallel_loop3A_353 : i32 to index
        %parallel_loop3A_441 = arith.constant 112 : index
        %parallel_loop3A_442 = tpu.vector_load %arg8[%parallel_loop3A_439, %parallel_loop3A_440, %parallel_loop3A_441] {strides = array<i32>} : memref<5x128x128xf32, #tpu.memory_space<vmem>>, vector<1x1x16xf32>,
        %parallel_loop3A_443 = vector.shape_cast %parallel_loop3A_442 : vector<1x1x16xf32> to vector<16xf32>
        %parallel_loop3A_444 = vector.shape_cast %parallel_loop3A_437 : vector<16xf32> to vector<1x1x16xf32>
        tpu.vector_store %arg8[%parallel_loop3A_439, %parallel_loop3A_440, %parallel_loop3A_441], %parallel_loop3A_444 {add = true, strides = array<i32>} : memref<5x128x128xf32, #tpu.memory_space<vmem>>, vector<1x1x16xf32>,
      } {sc.loop_unroll_factor = 4 : i64, sc.parallel_access}
      %add3A_191 = arith.addi %mul3A_2, %add3A_172 : i32
      %mul3A_192 = arith.constant 128 : i32
      %mul3A_193 = arith.muli %add3A_191, %mul3A_192 : i32
      %dma_start3A_194 = arith.constant 1 : i32
      %dma_start3A_195 = arith.constant 0 : i32
      %dma_start3A_196 = arith.constant 0 : i32
      %dma_start3A_197 = tpu.memref_slice %arg8[%dma_start3A_194, %dma_start3A_195, %dma_start3A_196] : memref<5x128x128xf32, #tpu.memory_space<vmem>> -> memref<1x128x128xf32, #tpu.memory_space<vmem>>
      %dma_start3A_198 = tpu.memref_squeeze %dma_start3A_197 : memref<1x128x128xf32, #tpu.memory_space<vmem>> -> memref<128x128xf32, #tpu.memory_space<vmem>>
      %dma_start3A_199 = arith.constant 0 : i32
      %dma_start3A_200 = tpu.memref_slice %arg5[%mul3A_193, %dma_start3A_199] : memref<204800x128xf32, #tpu.memory_space<hbm>> -> memref<128x128xf32, #tpu.memory_space<hbm>>
      %dma_start3A_201 = arith.constant 0 : i32
      %dma_start3A_202 = tpu.memref_slice %arg5[%mul3A_193, %dma_start3A_201] : memref<204800x128xf32, #tpu.memory_space<hbm>> -> memref<128x128xf32, #tpu.memory_space<hbm>>
      %dma_start3A_203 = arith.constant 0 : i32
      %dma_start3A_204 = arith.constant 0 : i32
      %dma_start3A_205 = tpu.memref_slice %arg8[%dma_start3A_194, %dma_start3A_203, %dma_start3A_204] : memref<5x128x128xf32, #tpu.memory_space<vmem>> -> memref<1x128x128xf32, #tpu.memory_space<vmem>>
      %dma_start3A_206 = tpu.memref_squeeze %dma_start3A_205 : memref<1x128x128xf32, #tpu.memory_space<vmem>> -> memref<128x128xf32, #tpu.memory_space<vmem>>
      tpu.enqueue_dma source(%dma_start3A_206 : memref<128x128xf32, #tpu.memory_space<vmem>>) target(%dma_start3A_202 : memref<128x128xf32, #tpu.memory_space<hbm>>) target_semaphore(%arg15 : memref<!tpu.dma_semaphore, #tpu.memory_space<semaphore_mem>>)
      %ge3A_207 = arith.constant 1 : i32
      %ge3A_208 = arith.cmpi sge, %scan3A_117, %ge3A_207 : i32
      %convert_element_type3A_209 = arith.extui %ge3A_208 : i1 to i32
      %cond3A_210 = arith.constant 0 : i32
      %cond3A_211 = arith.cmpi ne, %convert_element_type3A_209, %cond3A_210 : i32
      scf.if %cond3A_211 {
        %dma_wait3A_353 = arith.constant 4 : i32
        %dma_wait3A_354 = arith.constant 0 : i32
        %dma_wait3A_355 = arith.constant 0 : i32
        %dma_wait3A_356 = tpu.memref_slice %arg8[%dma_wait3A_353, %dma_wait3A_354, %dma_wait3A_355] : memref<5x128x128xf32, #tpu.memory_space<vmem>> -> memref<1x128x128xf32, #tpu.memory_space<vmem>>
        %dma_wait3A_357 = tpu.memref_squeeze %dma_wait3A_356 : memref<1x128x128xf32, #tpu.memory_space<vmem>> -> memref<128x128xf32, #tpu.memory_space<vmem>>
        %dma_wait3A_358 = arith.constant 0 : i32
        %dma_wait3A_359 = arith.constant 0 : i32
        %dma_wait3A_360 = tpu.memref_slice %arg5[%dma_wait3A_358, %dma_wait3A_359] : memref<204800x128xf32, #tpu.memory_space<hbm>> -> memref<128x128xf32, #tpu.memory_space<hbm>>
        %dma_wait3A_361 = arith.constant 0 : i32
        %dma_wait3A_362 = arith.constant 0 : i32
        %dma_wait3A_363 = tpu.memref_slice %arg5[%dma_wait3A_361, %dma_wait3A_362] : memref<204800x128xf32, #tpu.memory_space<hbm>> -> memref<128x128xf32, #tpu.memory_space<hbm>>
        %dma_wait3A_364 = arith.constant 0 : i32
        %dma_wait3A_365 = arith.constant 0 : i32
        %dma_wait3A_366 = tpu.memref_slice %arg8[%dma_wait3A_353, %dma_wait3A_364, %dma_wait3A_365] : memref<5x128x128xf32, #tpu.memory_space<vmem>> -> memref<1x128x128xf32, #tpu.memory_space<vmem>>
        %dma_wait3A_367 = tpu.memref_squeeze %dma_wait3A_366 : memref<1x128x128xf32, #tpu.memory_space<vmem>> -> memref<128x128xf32, #tpu.memory_space<vmem>>
        tpu.wait_dma2 semaphore(%arg18 : memref<!tpu.dma_semaphore, #tpu.memory_space<semaphore_mem>>) src(%dma_wait3A_367 : memref<128x128xf32, #tpu.memory_space<vmem>>) dst(%dma_wait3A_363 : memref<128x128xf32, #tpu.memory_space<hbm>>)
      } else {
      }
      %add3A_212 = arith.constant 3 : i32
      %add3A_213 = arith.addi %add3A_172, %add3A_212 : i32
      %dma_start3A_214 = arith.constant 4 : i32
      %dma_start3A_215 = arith.constant 0 : i32
      %dma_start3A_216 = arith.constant 0 : i32
      %dma_start3A_217 = tpu.memref_slice %arg8[%dma_start3A_214, %dma_start3A_215, %dma_start3A_216] : memref<5x128x128xf32, #tpu.memory_space<vmem>> -> memref<1x128x128xf32, #tpu.memory_space<vmem>>
      %dma_start3A_218 = tpu.memref_squeeze %dma_start3A_217 : memref<1x128x128xf32, #tpu.memory_space<vmem>> -> memref<128x128xf32, #tpu.memory_space<vmem>>
      %dma_start3A_219 = arith.constant 0 : i32
      %dma_start3A_220 = tpu.memref_slice %arg6[%add3A_213, %dma_start3A_219] : memref<50x128xi32, #tpu.memory_space<vmem>> -> memref<1x128xi32, #tpu.memory_space<vmem>>
      %dma_start3A_221 = tpu.memref_squeeze %dma_start3A_220 : memref<1x128xi32, #tpu.memory_space<vmem>> -> memref<128xi32, #tpu.memory_space<vmem>>
      %dma_start3A_222 = arith.constant 0 : i32
      %dma_start3A_223 = arith.constant 0 : i32
      %dma_start3A_224 = tpu.memref_slice %arg3[%dma_start3A_222, %dma_start3A_223] : memref<100000x128xf32, #tpu.memory_space<hbm>> -> memref<100000x128xf32, #tpu.memory_space<hbm>>
      tpu.enqueue_indirect_dma source(%dma_start3A_224 : memref<100000x128xf32, #tpu.memory_space<hbm>>) target(%dma_start3A_218 : memref<128x128xf32, #tpu.memory_space<vmem>>) offsets(%dma_start3A_221 : memref<128xi32, #tpu.memory_space<vmem>>) semaphore(%arg13 : memref<!tpu.dma_semaphore, #tpu.memory_space<semaphore_mem>>)
      %mul3A_225 = arith.constant 5 : i32
      %mul3A_226 = arith.muli %mul3A_225, %scan3A_117 : i32
      %add3A_227 = arith.constant 2 : i32
      %add3A_228 = arith.addi %mul3A_226, %add3A_227 : i32
      %dma_wait3A_229 = arith.constant 2 : i32
      %dma_wait3A_230 = arith.constant 0 : i32
      %dma_wait3A_231 = arith.constant 0 : i32
      %dma_wait3A_232 = tpu.memref_slice %arg8[%dma_wait3A_229, %dma_wait3A_230, %dma_wait3A_231] : memref<5x128x128xf32, #tpu.memory_space<vmem>> -> memref<1x128x128xf32, #tpu.memory_space<vmem>>
      %dma_wait3A_233 = tpu.memref_squeeze %dma_wait3A_232 : memref<1x128x128xf32, #tpu.memory_space<vmem>> -> memref<128x128xf32, #tpu.memory_space<vmem>>
      %dma_wait3A_234 = arith.constant 0 : i32
      %dma_wait3A_235 = tpu.memref_slice %arg6[%add3A_228, %dma_wait3A_234] : memref<50x128xi32, #tpu.memory_space<vmem>> -> memref<1x128xi32, #tpu.memory_space<vmem>>
      %dma_wait3A_236 = tpu.memref_squeeze %dma_wait3A_235 : memref<1x128xi32, #tpu.memory_space<vmem>> -> memref<128xi32, #tpu.memory_space<vmem>>
      %dma_wait3A_237 = arith.constant 0 : i32
      %dma_wait3A_238 = arith.constant 0 : i32
      %dma_wait3A_239 = tpu.memref_slice %arg3[%dma_wait3A_237, %dma_wait3A_238] : memref<100000x128xf32, #tpu.memory_space<hbm>> -> memref<100000x128xf32, #tpu.memory_space<hbm>>
      tpu.wait_indirect_dma semaphore(%arg11 : memref<!tpu.dma_semaphore, #tpu.memory_space<semaphore_mem>>) src(%dma_wait3A_239 : memref<100000x128xf32, #tpu.memory_space<hbm>>) dst(%dma_wait3A_233 : memref<128x128xf32, #tpu.memory_space<vmem>>)
      %mul3A_240 = arith.constant 128 : i32
      %mul3A_241 = arith.muli %add3A_228, %mul3A_240 : i32
      %rem3A_242 = arith.constant 200 : i32
      %rem3A_243 = arith.remsi %mul3A_241, %rem3A_242 : i32
      %parallel_loop3A_244 = arith.constant 0 : i32
      %parallel_loop3A_245 = arith.constant 128 : i32
      %parallel_loop3A_246 = arith.constant 1 : i32
      scf.for %parallel_loop3A_353 = %parallel_loop3A_244 to %parallel_loop3A_245 step %parallel_loop3A_246  : i32 {
        %parallel_loop3A_354 = arith.addi %rem3A_243, %parallel_loop3A_353 : i32
        %parallel_loop3A_355 = arith.constant 200 : i32
        %parallel_loop3A_356 = arith.remsi %parallel_loop3A_354, %parallel_loop3A_355 : i32
        %parallel_loop3A_357 = arith.index_cast %parallel_loop3A_356 : i32 to index
        %parallel_loop3A_358 = arith.constant 0 : index
        %parallel_loop3A_359 = tpu.vector_load %arg7[%parallel_loop3A_357, %parallel_loop3A_358] {strides = array<i32>} : memref<200x128xf32, #tpu.memory_space<vmem>>, vector<1x16xf32>,
        %parallel_loop3A_360 = vector.shape_cast %parallel_loop3A_359 : vector<1x16xf32> to vector<16xf32>
        %parallel_loop3A_361 = arith.constant 2 : i32
        %parallel_loop3A_362 = arith.index_cast %parallel_loop3A_361 : i32 to index
        %parallel_loop3A_363 = arith.index_cast %parallel_loop3A_353 : i32 to index
        %parallel_loop3A_364 = arith.constant 0 : index
        %parallel_loop3A_365 = tpu.vector_load %arg8[%parallel_loop3A_362, %parallel_loop3A_363, %parallel_loop3A_364] {strides = array<i32>} : memref<5x128x128xf32, #tpu.memory_space<vmem>>, vector<1x1x16xf32>,
        %parallel_loop3A_366 = vector.shape_cast %parallel_loop3A_365 : vector<1x1x16xf32> to vector<16xf32>
        %parallel_loop3A_367 = vector.shape_cast %parallel_loop3A_360 : vector<16xf32> to vector<1x1x16xf32>
        tpu.vector_store %arg8[%parallel_loop3A_362, %parallel_loop3A_363, %parallel_loop3A_364], %parallel_loop3A_367 {add = true, strides = array<i32>} : memref<5x128x128xf32, #tpu.memory_space<vmem>>, vector<1x1x16xf32>,
        %parallel_loop3A_368 = arith.index_cast %parallel_loop3A_356 : i32 to index
        %parallel_loop3A_369 = arith.constant 16 : index
        %parallel_loop3A_370 = tpu.vector_load %arg7[%parallel_loop3A_368, %parallel_loop3A_369] {strides = array<i32>} : memref<200x128xf32, #tpu.memory_space<vmem>>, vector<1x16xf32>,
        %parallel_loop3A_371 = vector.shape_cast %parallel_loop3A_370 : vector<1x16xf32> to vector<16xf32>
        %parallel_loop3A_372 = arith.constant 2 : i32
        %parallel_loop3A_373 = arith.index_cast %parallel_loop3A_372 : i32 to index
        %parallel_loop3A_374 = arith.index_cast %parallel_loop3A_353 : i32 to index
        %parallel_loop3A_375 = arith.constant 16 : index
        %parallel_loop3A_376 = tpu.vector_load %arg8[%parallel_loop3A_373, %parallel_loop3A_374, %parallel_loop3A_375] {strides = array<i32>} : memref<5x128x128xf32, #tpu.memory_space<vmem>>, vector<1x1x16xf32>,
        %parallel_loop3A_377 = vector.shape_cast %parallel_loop3A_376 : vector<1x1x16xf32> to vector<16xf32>
        %parallel_loop3A_378 = vector.shape_cast %parallel_loop3A_371 : vector<16xf32> to vector<1x1x16xf32>
        tpu.vector_store %arg8[%parallel_loop3A_373, %parallel_loop3A_374, %parallel_loop3A_375], %parallel_loop3A_378 {add = true, strides = array<i32>} : memref<5x128x128xf32, #tpu.memory_space<vmem>>, vector<1x1x16xf32>,
        %parallel_loop3A_379 = arith.index_cast %parallel_loop3A_356 : i32 to index
        %parallel_loop3A_380 = arith.constant 32 : index
        %parallel_loop3A_381 = tpu.vector_load %arg7[%parallel_loop3A_379, %parallel_loop3A_380] {strides = array<i32>} : memref<200x128xf32, #tpu.memory_space<vmem>>, vector<1x16xf32>,
        %parallel_loop3A_382 = vector.shape_cast %parallel_loop3A_381 : vector<1x16xf32> to vector<16xf32>
        %parallel_loop3A_383 = arith.constant 2 : i32
        %parallel_loop3A_384 = arith.index_cast %parallel_loop3A_383 : i32 to index
        %parallel_loop3A_385 = arith.index_cast %parallel_loop3A_353 : i32 to index
        %parallel_loop3A_386 = arith.constant 32 : index
        %parallel_loop3A_387 = tpu.vector_load %arg8[%parallel_loop3A_384, %parallel_loop3A_385, %parallel_loop3A_386] {strides = array<i32>} : memref<5x128x128xf32, #tpu.memory_space<vmem>>, vector<1x1x16xf32>,
        %parallel_loop3A_388 = vector.shape_cast %parallel_loop3A_387 : vector<1x1x16xf32> to vector<16xf32>
        %parallel_loop3A_389 = vector.shape_cast %parallel_loop3A_382 : vector<16xf32> to vector<1x1x16xf32>
        tpu.vector_store %arg8[%parallel_loop3A_384, %parallel_loop3A_385, %parallel_loop3A_386], %parallel_loop3A_389 {add = true, strides = array<i32>} : memref<5x128x128xf32, #tpu.memory_space<vmem>>, vector<1x1x16xf32>,
        %parallel_loop3A_390 = arith.index_cast %parallel_loop3A_356 : i32 to index
        %parallel_loop3A_391 = arith.constant 48 : index
        %parallel_loop3A_392 = tpu.vector_load %arg7[%parallel_loop3A_390, %parallel_loop3A_391] {strides = array<i32>} : memref<200x128xf32, #tpu.memory_space<vmem>>, vector<1x16xf32>,
        %parallel_loop3A_393 = vector.shape_cast %parallel_loop3A_392 : vector<1x16xf32> to vector<16xf32>
        %parallel_loop3A_394 = arith.constant 2 : i32
        %parallel_loop3A_395 = arith.index_cast %parallel_loop3A_394 : i32 to index
        %parallel_loop3A_396 = arith.index_cast %parallel_loop3A_353 : i32 to index
        %parallel_loop3A_397 = arith.constant 48 : index
        %parallel_loop3A_398 = tpu.vector_load %arg8[%parallel_loop3A_395, %parallel_loop3A_396, %parallel_loop3A_397] {strides = array<i32>} : memref<5x128x128xf32, #tpu.memory_space<vmem>>, vector<1x1x16xf32>,
        %parallel_loop3A_399 = vector.shape_cast %parallel_loop3A_398 : vector<1x1x16xf32> to vector<16xf32>
        %parallel_loop3A_400 = vector.shape_cast %parallel_loop3A_393 : vector<16xf32> to vector<1x1x16xf32>
        tpu.vector_store %arg8[%parallel_loop3A_395, %parallel_loop3A_396, %parallel_loop3A_397], %parallel_loop3A_400 {add = true, strides = array<i32>} : memref<5x128x128xf32, #tpu.memory_space<vmem>>, vector<1x1x16xf32>,
        %parallel_loop3A_401 = arith.index_cast %parallel_loop3A_356 : i32 to index
        %parallel_loop3A_402 = arith.constant 64 : index
        %parallel_loop3A_403 = tpu.vector_load %arg7[%parallel_loop3A_401, %parallel_loop3A_402] {strides = array<i32>} : memref<200x128xf32, #tpu.memory_space<vmem>>, vector<1x16xf32>,
        %parallel_loop3A_404 = vector.shape_cast %parallel_loop3A_403 : vector<1x16xf32> to vector<16xf32>
        %parallel_loop3A_405 = arith.constant 2 : i32
        %parallel_loop3A_406 = arith.index_cast %parallel_loop3A_405 : i32 to index
        %parallel_loop3A_407 = arith.index_cast %parallel_loop3A_353 : i32 to index
        %parallel_loop3A_408 = arith.constant 64 : index
        %parallel_loop3A_409 = tpu.vector_load %arg8[%parallel_loop3A_406, %parallel_loop3A_407, %parallel_loop3A_408] {strides = array<i32>} : memref<5x128x128xf32, #tpu.memory_space<vmem>>, vector<1x1x16xf32>,
        %parallel_loop3A_410 = vector.shape_cast %parallel_loop3A_409 : vector<1x1x16xf32> to vector<16xf32>
        %parallel_loop3A_411 = vector.shape_cast %parallel_loop3A_404 : vector<16xf32> to vector<1x1x16xf32>
        tpu.vector_store %arg8[%parallel_loop3A_406, %parallel_loop3A_407, %parallel_loop3A_408], %parallel_loop3A_411 {add = true, strides = array<i32>} : memref<5x128x128xf32, #tpu.memory_space<vmem>>, vector<1x1x16xf32>,
        %parallel_loop3A_412 = arith.index_cast %parallel_loop3A_356 : i32 to index
        %parallel_loop3A_413 = arith.constant 80 : index
        %parallel_loop3A_414 = tpu.vector_load %arg7[%parallel_loop3A_412, %parallel_loop3A_413] {strides = array<i32>} : memref<200x128xf32, #tpu.memory_space<vmem>>, vector<1x16xf32>,
        %parallel_loop3A_415 = vector.shape_cast %parallel_loop3A_414 : vector<1x16xf32> to vector<16xf32>
        %parallel_loop3A_416 = arith.constant 2 : i32
        %parallel_loop3A_417 = arith.index_cast %parallel_loop3A_416 : i32 to index
        %parallel_loop3A_418 = arith.index_cast %parallel_loop3A_353 : i32 to index
        %parallel_loop3A_419 = arith.constant 80 : index
        %parallel_loop3A_420 = tpu.vector_load %arg8[%parallel_loop3A_417, %parallel_loop3A_418, %parallel_loop3A_419] {strides = array<i32>} : memref<5x128x128xf32, #tpu.memory_space<vmem>>, vector<1x1x16xf32>,
        %parallel_loop3A_421 = vector.shape_cast %parallel_loop3A_420 : vector<1x1x16xf32> to vector<16xf32>
        %parallel_loop3A_422 = vector.shape_cast %parallel_loop3A_415 : vector<16xf32> to vector<1x1x16xf32>
        tpu.vector_store %arg8[%parallel_loop3A_417, %parallel_loop3A_418, %parallel_loop3A_419], %parallel_loop3A_422 {add = true, strides = array<i32>} : memref<5x128x128xf32, #tpu.memory_space<vmem>>, vector<1x1x16xf32>,
        %parallel_loop3A_423 = arith.index_cast %parallel_loop3A_356 : i32 to index
        %parallel_loop3A_424 = arith.constant 96 : index
        %parallel_loop3A_425 = tpu.vector_load %arg7[%parallel_loop3A_423, %parallel_loop3A_424] {strides = array<i32>} : memref<200x128xf32, #tpu.memory_space<vmem>>, vector<1x16xf32>,
        %parallel_loop3A_426 = vector.shape_cast %parallel_loop3A_425 : vector<1x16xf32> to vector<16xf32>
        %parallel_loop3A_427 = arith.constant 2 : i32
        %parallel_loop3A_428 = arith.index_cast %parallel_loop3A_427 : i32 to index
        %parallel_loop3A_429 = arith.index_cast %parallel_loop3A_353 : i32 to index
        %parallel_loop3A_430 = arith.constant 96 : index
        %parallel_loop3A_431 = tpu.vector_load %arg8[%parallel_loop3A_428, %parallel_loop3A_429, %parallel_loop3A_430] {strides = array<i32>} : memref<5x128x128xf32, #tpu.memory_space<vmem>>, vector<1x1x16xf32>,
        %parallel_loop3A_432 = vector.shape_cast %parallel_loop3A_431 : vector<1x1x16xf32> to vector<16xf32>
        %parallel_loop3A_433 = vector.shape_cast %parallel_loop3A_426 : vector<16xf32> to vector<1x1x16xf32>
        tpu.vector_store %arg8[%parallel_loop3A_428, %parallel_loop3A_429, %parallel_loop3A_430], %parallel_loop3A_433 {add = true, strides = array<i32>} : memref<5x128x128xf32, #tpu.memory_space<vmem>>, vector<1x1x16xf32>,
        %parallel_loop3A_434 = arith.index_cast %parallel_loop3A_356 : i32 to index
        %parallel_loop3A_435 = arith.constant 112 : index
        %parallel_loop3A_436 = tpu.vector_load %arg7[%parallel_loop3A_434, %parallel_loop3A_435] {strides = array<i32>} : memref<200x128xf32, #tpu.memory_space<vmem>>, vector<1x16xf32>,
        %parallel_loop3A_437 = vector.shape_cast %parallel_loop3A_436 : vector<1x16xf32> to vector<16xf32>
        %parallel_loop3A_438 = arith.constant 2 : i32
        %parallel_loop3A_439 = arith.index_cast %parallel_loop3A_438 : i32 to index
        %parallel_loop3A_440 = arith.index_cast %parallel_loop3A_353 : i32 to index
        %parallel_loop3A_441 = arith.constant 112 : index
        %parallel_loop3A_442 = tpu.vector_load %arg8[%parallel_loop3A_439, %parallel_loop3A_440, %parallel_loop3A_441] {strides = array<i32>} : memref<5x128x128xf32, #tpu.memory_space<vmem>>, vector<1x1x16xf32>,
        %parallel_loop3A_443 = vector.shape_cast %parallel_loop3A_442 : vector<1x1x16xf32> to vector<16xf32>
        %parallel_loop3A_444 = vector.shape_cast %parallel_loop3A_437 : vector<16xf32> to vector<1x1x16xf32>
        tpu.vector_store %arg8[%parallel_loop3A_439, %parallel_loop3A_440, %parallel_loop3A_441], %parallel_loop3A_444 {add = true, strides = array<i32>} : memref<5x128x128xf32, #tpu.memory_space<vmem>>, vector<1x1x16xf32>,
      } {sc.loop_unroll_factor = 4 : i64, sc.parallel_access}
      %add3A_247 = arith.addi %mul3A_2, %add3A_228 : i32
      %mul3A_248 = arith.constant 128 : i32
      %mul3A_249 = arith.muli %add3A_247, %mul3A_248 : i32
      %dma_start3A_250 = arith.constant 2 : i32
      %dma_start3A_251 = arith.constant 0 : i32
      %dma_start3A_252 = arith.constant 0 : i32
      %dma_start3A_253 = tpu.memref_slice %arg8[%dma_start3A_250, %dma_start3A_251, %dma_start3A_252] : memref<5x128x128xf32, #tpu.memory_space<vmem>> -> memref<1x128x128xf32, #tpu.memory_space<vmem>>
      %dma_start3A_254 = tpu.memref_squeeze %dma_start3A_253 : memref<1x128x128xf32, #tpu.memory_space<vmem>> -> memref<128x128xf32, #tpu.memory_space<vmem>>
      %dma_start3A_255 = arith.constant 0 : i32
      %dma_start3A_256 = tpu.memref_slice %arg5[%mul3A_249, %dma_start3A_255] : memref<204800x128xf32, #tpu.memory_space<hbm>> -> memref<128x128xf32, #tpu.memory_space<hbm>>
      %dma_start3A_257 = arith.constant 0 : i32
      %dma_start3A_258 = tpu.memref_slice %arg5[%mul3A_249, %dma_start3A_257] : memref<204800x128xf32, #tpu.memory_space<hbm>> -> memref<128x128xf32, #tpu.memory_space<hbm>>
      %dma_start3A_259 = arith.constant 0 : i32
      %dma_start3A_260 = arith.constant 0 : i32
      %dma_start3A_261 = tpu.memref_slice %arg8[%dma_start3A_250, %dma_start3A_259, %dma_start3A_260] : memref<5x128x128xf32, #tpu.memory_space<vmem>> -> memref<1x128x128xf32, #tpu.memory_space<vmem>>
      %dma_start3A_262 = tpu.memref_squeeze %dma_start3A_261 : memref<1x128x128xf32, #tpu.memory_space<vmem>> -> memref<128x128xf32, #tpu.memory_space<vmem>>
      tpu.enqueue_dma source(%dma_start3A_262 : memref<128x128xf32, #tpu.memory_space<vmem>>) target(%dma_start3A_258 : memref<128x128xf32, #tpu.memory_space<hbm>>) target_semaphore(%arg16 : memref<!tpu.dma_semaphore, #tpu.memory_space<semaphore_mem>>)
      %lt3A = arith.constant 9 : i32
      %lt3A_263 = arith.cmpi slt, %scan3A_117, %lt3A : i32
      %convert_element_type3A_264 = arith.extui %lt3A_263 : i1 to i32
      %cond3A_265 = arith.constant 0 : i32
      %cond3A_266 = arith.cmpi ne, %convert_element_type3A_264, %cond3A_265 : i32
      scf.if %cond3A_266 {
        %dma_wait3A_353 = arith.constant 0 : i32
        %dma_wait3A_354 = arith.constant 0 : i32
        %dma_wait3A_355 = arith.constant 0 : i32
        %dma_wait3A_356 = tpu.memref_slice %arg8[%dma_wait3A_353, %dma_wait3A_354, %dma_wait3A_355] : memref<5x128x128xf32, #tpu.memory_space<vmem>> -> memref<1x128x128xf32, #tpu.memory_space<vmem>>
        %dma_wait3A_357 = tpu.memref_squeeze %dma_wait3A_356 : memref<1x128x128xf32, #tpu.memory_space<vmem>> -> memref<128x128xf32, #tpu.memory_space<vmem>>
        %dma_wait3A_358 = arith.constant 0 : i32
        %dma_wait3A_359 = arith.constant 0 : i32
        %dma_wait3A_360 = tpu.memref_slice %arg5[%dma_wait3A_358, %dma_wait3A_359] : memref<204800x128xf32, #tpu.memory_space<hbm>> -> memref<128x128xf32, #tpu.memory_space<hbm>>
        %dma_wait3A_361 = arith.constant 0 : i32
        %dma_wait3A_362 = arith.constant 0 : i32
        %dma_wait3A_363 = tpu.memref_slice %arg5[%dma_wait3A_361, %dma_wait3A_362] : memref<204800x128xf32, #tpu.memory_space<hbm>> -> memref<128x128xf32, #tpu.memory_space<hbm>>
        %dma_wait3A_364 = arith.constant 0 : i32
        %dma_wait3A_365 = arith.constant 0 : i32
        %dma_wait3A_366 = tpu.memref_slice %arg8[%dma_wait3A_353, %dma_wait3A_364, %dma_wait3A_365] : memref<5x128x128xf32, #tpu.memory_space<vmem>> -> memref<1x128x128xf32, #tpu.memory_space<vmem>>
        %dma_wait3A_367 = tpu.memref_squeeze %dma_wait3A_366 : memref<1x128x128xf32, #tpu.memory_space<vmem>> -> memref<128x128xf32, #tpu.memory_space<vmem>>
        tpu.wait_dma2 semaphore(%arg14 : memref<!tpu.dma_semaphore, #tpu.memory_space<semaphore_mem>>) src(%dma_wait3A_367 : memref<128x128xf32, #tpu.memory_space<vmem>>) dst(%dma_wait3A_363 : memref<128x128xf32, #tpu.memory_space<hbm>>)
        %add3A_368 = arith.constant 3 : i32
        %add3A_369 = arith.addi %add3A_228, %add3A_368 : i32
        %dma_start3A_370 = arith.constant 0 : i32
        %dma_start3A_371 = arith.constant 0 : i32
        %dma_start3A_372 = arith.constant 0 : i32
        %dma_start3A_373 = tpu.memref_slice %arg8[%dma_start3A_370, %dma_start3A_371, %dma_start3A_372] : memref<5x128x128xf32, #tpu.memory_space<vmem>> -> memref<1x128x128xf32, #tpu.memory_space<vmem>>
        %dma_start3A_374 = tpu.memref_squeeze %dma_start3A_373 : memref<1x128x128xf32, #tpu.memory_space<vmem>> -> memref<128x128xf32, #tpu.memory_space<vmem>>
        %dma_start3A_375 = arith.constant 0 : i32
        %dma_start3A_376 = tpu.memref_slice %arg6[%add3A_369, %dma_start3A_375] : memref<50x128xi32, #tpu.memory_space<vmem>> -> memref<1x128xi32, #tpu.memory_space<vmem>>
        %dma_start3A_377 = tpu.memref_squeeze %dma_start3A_376 : memref<1x128xi32, #tpu.memory_space<vmem>> -> memref<128xi32, #tpu.memory_space<vmem>>
        %dma_start3A_378 = arith.constant 0 : i32
        %dma_start3A_379 = arith.constant 0 : i32
        %dma_start3A_380 = tpu.memref_slice %arg3[%dma_start3A_378, %dma_start3A_379] : memref<100000x128xf32, #tpu.memory_space<hbm>> -> memref<100000x128xf32, #tpu.memory_space<hbm>>
        tpu.enqueue_indirect_dma source(%dma_start3A_380 : memref<100000x128xf32, #tpu.memory_space<hbm>>) target(%dma_start3A_374 : memref<128x128xf32, #tpu.memory_space<vmem>>) offsets(%dma_start3A_377 : memref<128xi32, #tpu.memory_space<vmem>>) semaphore(%arg9 : memref<!tpu.dma_semaphore, #tpu.memory_space<semaphore_mem>>)
      } else {
      }
      %mul3A_267 = arith.constant 5 : i32
      %mul3A_268 = arith.muli %mul3A_267, %scan3A_117 : i32
      %add3A_269 = arith.constant 3 : i32
      %add3A_270 = arith.addi %mul3A_268, %add3A_269 : i32
      %dma_wait3A_271 = arith.constant 3 : i32
      %dma_wait3A_272 = arith.constant 0 : i32
      %dma_wait3A_273 = arith.constant 0 : i32
      %dma_wait3A_274 = tpu.memref_slice %arg8[%dma_wait3A_271, %dma_wait3A_272, %dma_wait3A_273] : memref<5x128x128xf32, #tpu.memory_space<vmem>> -> memref<1x128x128xf32, #tpu.memory_space<vmem>>
      %dma_wait3A_275 = tpu.memref_squeeze %dma_wait3A_274 : memref<1x128x128xf32, #tpu.memory_space<vmem>> -> memref<128x128xf32, #tpu.memory_space<vmem>>
      %dma_wait3A_276 = arith.constant 0 : i32
      %dma_wait3A_277 = tpu.memref_slice %arg6[%add3A_270, %dma_wait3A_276] : memref<50x128xi32, #tpu.memory_space<vmem>> -> memref<1x128xi32, #tpu.memory_space<vmem>>
      %dma_wait3A_278 = tpu.memref_squeeze %dma_wait3A_277 : memref<1x128xi32, #tpu.memory_space<vmem>> -> memref<128xi32, #tpu.memory_space<vmem>>
      %dma_wait3A_279 = arith.constant 0 : i32
      %dma_wait3A_280 = arith.constant 0 : i32
      %dma_wait3A_281 = tpu.memref_slice %arg3[%dma_wait3A_279, %dma_wait3A_280] : memref<100000x128xf32, #tpu.memory_space<hbm>> -> memref<100000x128xf32, #tpu.memory_space<hbm>>
      tpu.wait_indirect_dma semaphore(%arg12 : memref<!tpu.dma_semaphore, #tpu.memory_space<semaphore_mem>>) src(%dma_wait3A_281 : memref<100000x128xf32, #tpu.memory_space<hbm>>) dst(%dma_wait3A_275 : memref<128x128xf32, #tpu.memory_space<vmem>>)
      %mul3A_282 = arith.constant 128 : i32
      %mul3A_283 = arith.muli %add3A_270, %mul3A_282 : i32
      %rem3A_284 = arith.constant 200 : i32
      %rem3A_285 = arith.remsi %mul3A_283, %rem3A_284 : i32
      %parallel_loop3A_286 = arith.constant 0 : i32
      %parallel_loop3A_287 = arith.constant 128 : i32
      %parallel_loop3A_288 = arith.constant 1 : i32
      scf.for %parallel_loop3A_353 = %parallel_loop3A_286 to %parallel_loop3A_287 step %parallel_loop3A_288  : i32 {
        %parallel_loop3A_354 = arith.addi %rem3A_285, %parallel_loop3A_353 : i32
        %parallel_loop3A_355 = arith.constant 200 : i32
        %parallel_loop3A_356 = arith.remsi %parallel_loop3A_354, %parallel_loop3A_355 : i32
        %parallel_loop3A_357 = arith.index_cast %parallel_loop3A_356 : i32 to index
        %parallel_loop3A_358 = arith.constant 0 : index
        %parallel_loop3A_359 = tpu.vector_load %arg7[%parallel_loop3A_357, %parallel_loop3A_358] {strides = array<i32>} : memref<200x128xf32, #tpu.memory_space<vmem>>, vector<1x16xf32>,
        %parallel_loop3A_360 = vector.shape_cast %parallel_loop3A_359 : vector<1x16xf32> to vector<16xf32>
        %parallel_loop3A_361 = arith.constant 3 : i32
        %parallel_loop3A_362 = arith.index_cast %parallel_loop3A_361 : i32 to index
        %parallel_loop3A_363 = arith.index_cast %parallel_loop3A_353 : i32 to index
        %parallel_loop3A_364 = arith.constant 0 : index
        %parallel_loop3A_365 = tpu.vector_load %arg8[%parallel_loop3A_362, %parallel_loop3A_363, %parallel_loop3A_364] {strides = array<i32>} : memref<5x128x128xf32, #tpu.memory_space<vmem>>, vector<1x1x16xf32>,
        %parallel_loop3A_366 = vector.shape_cast %parallel_loop3A_365 : vector<1x1x16xf32> to vector<16xf32>
        %parallel_loop3A_367 = vector.shape_cast %parallel_loop3A_360 : vector<16xf32> to vector<1x1x16xf32>
        tpu.vector_store %arg8[%parallel_loop3A_362, %parallel_loop3A_363, %parallel_loop3A_364], %parallel_loop3A_367 {add = true, strides = array<i32>} : memref<5x128x128xf32, #tpu.memory_space<vmem>>, vector<1x1x16xf32>,
        %parallel_loop3A_368 = arith.index_cast %parallel_loop3A_356 : i32 to index
        %parallel_loop3A_369 = arith.constant 16 : index
        %parallel_loop3A_370 = tpu.vector_load %arg7[%parallel_loop3A_368, %parallel_loop3A_369] {strides = array<i32>} : memref<200x128xf32, #tpu.memory_space<vmem>>, vector<1x16xf32>,
        %parallel_loop3A_371 = vector.shape_cast %parallel_loop3A_370 : vector<1x16xf32> to vector<16xf32>
        %parallel_loop3A_372 = arith.constant 3 : i32
        %parallel_loop3A_373 = arith.index_cast %parallel_loop3A_372 : i32 to index
        %parallel_loop3A_374 = arith.index_cast %parallel_loop3A_353 : i32 to index
        %parallel_loop3A_375 = arith.constant 16 : index
        %parallel_loop3A_376 = tpu.vector_load %arg8[%parallel_loop3A_373, %parallel_loop3A_374, %parallel_loop3A_375] {strides = array<i32>} : memref<5x128x128xf32, #tpu.memory_space<vmem>>, vector<1x1x16xf32>,
        %parallel_loop3A_377 = vector.shape_cast %parallel_loop3A_376 : vector<1x1x16xf32> to vector<16xf32>
        %parallel_loop3A_378 = vector.shape_cast %parallel_loop3A_371 : vector<16xf32> to vector<1x1x16xf32>
        tpu.vector_store %arg8[%parallel_loop3A_373, %parallel_loop3A_374, %parallel_loop3A_375], %parallel_loop3A_378 {add = true, strides = array<i32>} : memref<5x128x128xf32, #tpu.memory_space<vmem>>, vector<1x1x16xf32>,
        %parallel_loop3A_379 = arith.index_cast %parallel_loop3A_356 : i32 to index
        %parallel_loop3A_380 = arith.constant 32 : index
        %parallel_loop3A_381 = tpu.vector_load %arg7[%parallel_loop3A_379, %parallel_loop3A_380] {strides = array<i32>} : memref<200x128xf32, #tpu.memory_space<vmem>>, vector<1x16xf32>,
        %parallel_loop3A_382 = vector.shape_cast %parallel_loop3A_381 : vector<1x16xf32> to vector<16xf32>
        %parallel_loop3A_383 = arith.constant 3 : i32
        %parallel_loop3A_384 = arith.index_cast %parallel_loop3A_383 : i32 to index
        %parallel_loop3A_385 = arith.index_cast %parallel_loop3A_353 : i32 to index
        %parallel_loop3A_386 = arith.constant 32 : index
        %parallel_loop3A_387 = tpu.vector_load %arg8[%parallel_loop3A_384, %parallel_loop3A_385, %parallel_loop3A_386] {strides = array<i32>} : memref<5x128x128xf32, #tpu.memory_space<vmem>>, vector<1x1x16xf32>,
        %parallel_loop3A_388 = vector.shape_cast %parallel_loop3A_387 : vector<1x1x16xf32> to vector<16xf32>
        %parallel_loop3A_389 = vector.shape_cast %parallel_loop3A_382 : vector<16xf32> to vector<1x1x16xf32>
        tpu.vector_store %arg8[%parallel_loop3A_384, %parallel_loop3A_385, %parallel_loop3A_386], %parallel_loop3A_389 {add = true, strides = array<i32>} : memref<5x128x128xf32, #tpu.memory_space<vmem>>, vector<1x1x16xf32>,
        %parallel_loop3A_390 = arith.index_cast %parallel_loop3A_356 : i32 to index
        %parallel_loop3A_391 = arith.constant 48 : index
        %parallel_loop3A_392 = tpu.vector_load %arg7[%parallel_loop3A_390, %parallel_loop3A_391] {strides = array<i32>} : memref<200x128xf32, #tpu.memory_space<vmem>>, vector<1x16xf32>,
        %parallel_loop3A_393 = vector.shape_cast %parallel_loop3A_392 : vector<1x16xf32> to vector<16xf32>
        %parallel_loop3A_394 = arith.constant 3 : i32
        %parallel_loop3A_395 = arith.index_cast %parallel_loop3A_394 : i32 to index
        %parallel_loop3A_396 = arith.index_cast %parallel_loop3A_353 : i32 to index
        %parallel_loop3A_397 = arith.constant 48 : index
        %parallel_loop3A_398 = tpu.vector_load %arg8[%parallel_loop3A_395, %parallel_loop3A_396, %parallel_loop3A_397] {strides = array<i32>} : memref<5x128x128xf32, #tpu.memory_space<vmem>>, vector<1x1x16xf32>,
        %parallel_loop3A_399 = vector.shape_cast %parallel_loop3A_398 : vector<1x1x16xf32> to vector<16xf32>
        %parallel_loop3A_400 = vector.shape_cast %parallel_loop3A_393 : vector<16xf32> to vector<1x1x16xf32>
        tpu.vector_store %arg8[%parallel_loop3A_395, %parallel_loop3A_396, %parallel_loop3A_397], %parallel_loop3A_400 {add = true, strides = array<i32>} : memref<5x128x128xf32, #tpu.memory_space<vmem>>, vector<1x1x16xf32>,
        %parallel_loop3A_401 = arith.index_cast %parallel_loop3A_356 : i32 to index
        %parallel_loop3A_402 = arith.constant 64 : index
        %parallel_loop3A_403 = tpu.vector_load %arg7[%parallel_loop3A_401, %parallel_loop3A_402] {strides = array<i32>} : memref<200x128xf32, #tpu.memory_space<vmem>>, vector<1x16xf32>,
        %parallel_loop3A_404 = vector.shape_cast %parallel_loop3A_403 : vector<1x16xf32> to vector<16xf32>
        %parallel_loop3A_405 = arith.constant 3 : i32
        %parallel_loop3A_406 = arith.index_cast %parallel_loop3A_405 : i32 to index
        %parallel_loop3A_407 = arith.index_cast %parallel_loop3A_353 : i32 to index
        %parallel_loop3A_408 = arith.constant 64 : index
        %parallel_loop3A_409 = tpu.vector_load %arg8[%parallel_loop3A_406, %parallel_loop3A_407, %parallel_loop3A_408] {strides = array<i32>} : memref<5x128x128xf32, #tpu.memory_space<vmem>>, vector<1x1x16xf32>,
        %parallel_loop3A_410 = vector.shape_cast %parallel_loop3A_409 : vector<1x1x16xf32> to vector<16xf32>
        %parallel_loop3A_411 = vector.shape_cast %parallel_loop3A_404 : vector<16xf32> to vector<1x1x16xf32>
        tpu.vector_store %arg8[%parallel_loop3A_406, %parallel_loop3A_407, %parallel_loop3A_408], %parallel_loop3A_411 {add = true, strides = array<i32>} : memref<5x128x128xf32, #tpu.memory_space<vmem>>, vector<1x1x16xf32>,
        %parallel_loop3A_412 = arith.index_cast %parallel_loop3A_356 : i32 to index
        %parallel_loop3A_413 = arith.constant 80 : index
        %parallel_loop3A_414 = tpu.vector_load %arg7[%parallel_loop3A_412, %parallel_loop3A_413] {strides = array<i32>} : memref<200x128xf32, #tpu.memory_space<vmem>>, vector<1x16xf32>,
        %parallel_loop3A_415 = vector.shape_cast %parallel_loop3A_414 : vector<1x16xf32> to vector<16xf32>
        %parallel_loop3A_416 = arith.constant 3 : i32
        %parallel_loop3A_417 = arith.index_cast %parallel_loop3A_416 : i32 to index
        %parallel_loop3A_418 = arith.index_cast %parallel_loop3A_353 : i32 to index
        %parallel_loop3A_419 = arith.constant 80 : index
        %parallel_loop3A_420 = tpu.vector_load %arg8[%parallel_loop3A_417, %parallel_loop3A_418, %parallel_loop3A_419] {strides = array<i32>} : memref<5x128x128xf32, #tpu.memory_space<vmem>>, vector<1x1x16xf32>,
        %parallel_loop3A_421 = vector.shape_cast %parallel_loop3A_420 : vector<1x1x16xf32> to vector<16xf32>
        %parallel_loop3A_422 = vector.shape_cast %parallel_loop3A_415 : vector<16xf32> to vector<1x1x16xf32>
        tpu.vector_store %arg8[%parallel_loop3A_417, %parallel_loop3A_418, %parallel_loop3A_419], %parallel_loop3A_422 {add = true, strides = array<i32>} : memref<5x128x128xf32, #tpu.memory_space<vmem>>, vector<1x1x16xf32>,
        %parallel_loop3A_423 = arith.index_cast %parallel_loop3A_356 : i32 to index
        %parallel_loop3A_424 = arith.constant 96 : index
        %parallel_loop3A_425 = tpu.vector_load %arg7[%parallel_loop3A_423, %parallel_loop3A_424] {strides = array<i32>} : memref<200x128xf32, #tpu.memory_space<vmem>>, vector<1x16xf32>,
        %parallel_loop3A_426 = vector.shape_cast %parallel_loop3A_425 : vector<1x16xf32> to vector<16xf32>
        %parallel_loop3A_427 = arith.constant 3 : i32
        %parallel_loop3A_428 = arith.index_cast %parallel_loop3A_427 : i32 to index
        %parallel_loop3A_429 = arith.index_cast %parallel_loop3A_353 : i32 to index
        %parallel_loop3A_430 = arith.constant 96 : index
        %parallel_loop3A_431 = tpu.vector_load %arg8[%parallel_loop3A_428, %parallel_loop3A_429, %parallel_loop3A_430] {strides = array<i32>} : memref<5x128x128xf32, #tpu.memory_space<vmem>>, vector<1x1x16xf32>,
        %parallel_loop3A_432 = vector.shape_cast %parallel_loop3A_431 : vector<1x1x16xf32> to vector<16xf32>
        %parallel_loop3A_433 = vector.shape_cast %parallel_loop3A_426 : vector<16xf32> to vector<1x1x16xf32>
        tpu.vector_store %arg8[%parallel_loop3A_428, %parallel_loop3A_429, %parallel_loop3A_430], %parallel_loop3A_433 {add = true, strides = array<i32>} : memref<5x128x128xf32, #tpu.memory_space<vmem>>, vector<1x1x16xf32>,
        %parallel_loop3A_434 = arith.index_cast %parallel_loop3A_356 : i32 to index
        %parallel_loop3A_435 = arith.constant 112 : index
        %parallel_loop3A_436 = tpu.vector_load %arg7[%parallel_loop3A_434, %parallel_loop3A_435] {strides = array<i32>} : memref<200x128xf32, #tpu.memory_space<vmem>>, vector<1x16xf32>,
        %parallel_loop3A_437 = vector.shape_cast %parallel_loop3A_436 : vector<1x16xf32> to vector<16xf32>
        %parallel_loop3A_438 = arith.constant 3 : i32
        %parallel_loop3A_439 = arith.index_cast %parallel_loop3A_438 : i32 to index
        %parallel_loop3A_440 = arith.index_cast %parallel_loop3A_353 : i32 to index
        %parallel_loop3A_441 = arith.constant 112 : index
        %parallel_loop3A_442 = tpu.vector_load %arg8[%parallel_loop3A_439, %parallel_loop3A_440, %parallel_loop3A_441] {strides = array<i32>} : memref<5x128x128xf32, #tpu.memory_space<vmem>>, vector<1x1x16xf32>,
        %parallel_loop3A_443 = vector.shape_cast %parallel_loop3A_442 : vector<1x1x16xf32> to vector<16xf32>
        %parallel_loop3A_444 = vector.shape_cast %parallel_loop3A_437 : vector<16xf32> to vector<1x1x16xf32>
        tpu.vector_store %arg8[%parallel_loop3A_439, %parallel_loop3A_440, %parallel_loop3A_441], %parallel_loop3A_444 {add = true, strides = array<i32>} : memref<5x128x128xf32, #tpu.memory_space<vmem>>, vector<1x1x16xf32>,
      } {sc.loop_unroll_factor = 4 : i64, sc.parallel_access}
      %add3A_289 = arith.addi %mul3A_2, %add3A_270 : i32
      %mul3A_290 = arith.constant 128 : i32
      %mul3A_291 = arith.muli %add3A_289, %mul3A_290 : i32
      %dma_start3A_292 = arith.constant 3 : i32
      %dma_start3A_293 = arith.constant 0 : i32
      %dma_start3A_294 = arith.constant 0 : i32
      %dma_start3A_295 = tpu.memref_slice %arg8[%dma_start3A_292, %dma_start3A_293, %dma_start3A_294] : memref<5x128x128xf32, #tpu.memory_space<vmem>> -> memref<1x128x128xf32, #tpu.memory_space<vmem>>
      %dma_start3A_296 = tpu.memref_squeeze %dma_start3A_295 : memref<1x128x128xf32, #tpu.memory_space<vmem>> -> memref<128x128xf32, #tpu.memory_space<vmem>>
      %dma_start3A_297 = arith.constant 0 : i32
      %dma_start3A_298 = tpu.memref_slice %arg5[%mul3A_291, %dma_start3A_297] : memref<204800x128xf32, #tpu.memory_space<hbm>> -> memref<128x128xf32, #tpu.memory_space<hbm>>
      %dma_start3A_299 = arith.constant 0 : i32
      %dma_start3A_300 = tpu.memref_slice %arg5[%mul3A_291, %dma_start3A_299] : memref<204800x128xf32, #tpu.memory_space<hbm>> -> memref<128x128xf32, #tpu.memory_space<hbm>>
      %dma_start3A_301 = arith.constant 0 : i32
      %dma_start3A_302 = arith.constant 0 : i32
      %dma_start3A_303 = tpu.memref_slice %arg8[%dma_start3A_292, %dma_start3A_301, %dma_start3A_302] : memref<5x128x128xf32, #tpu.memory_space<vmem>> -> memref<1x128x128xf32, #tpu.memory_space<vmem>>
      %dma_start3A_304 = tpu.memref_squeeze %dma_start3A_303 : memref<1x128x128xf32, #tpu.memory_space<vmem>> -> memref<128x128xf32, #tpu.memory_space<vmem>>
      tpu.enqueue_dma source(%dma_start3A_304 : memref<128x128xf32, #tpu.memory_space<vmem>>) target(%dma_start3A_300 : memref<128x128xf32, #tpu.memory_space<hbm>>) target_semaphore(%arg17 : memref<!tpu.dma_semaphore, #tpu.memory_space<semaphore_mem>>)
      %lt3A_305 = arith.constant 9 : i32
      %lt3A_306 = arith.cmpi slt, %scan3A_117, %lt3A_305 : i32
      %convert_element_type3A_307 = arith.extui %lt3A_306 : i1 to i32
      %cond3A_308 = arith.constant 0 : i32
      %cond3A_309 = arith.cmpi ne, %convert_element_type3A_307, %cond3A_308 : i32
      scf.if %cond3A_309 {
        %dma_wait3A_353 = arith.constant 1 : i32
        %dma_wait3A_354 = arith.constant 0 : i32
        %dma_wait3A_355 = arith.constant 0 : i32
        %dma_wait3A_356 = tpu.memref_slice %arg8[%dma_wait3A_353, %dma_wait3A_354, %dma_wait3A_355] : memref<5x128x128xf32, #tpu.memory_space<vmem>> -> memref<1x128x128xf32, #tpu.memory_space<vmem>>
        %dma_wait3A_357 = tpu.memref_squeeze %dma_wait3A_356 : memref<1x128x128xf32, #tpu.memory_space<vmem>> -> memref<128x128xf32, #tpu.memory_space<vmem>>
        %dma_wait3A_358 = arith.constant 0 : i32
        %dma_wait3A_359 = arith.constant 0 : i32
        %dma_wait3A_360 = tpu.memref_slice %arg5[%dma_wait3A_358, %dma_wait3A_359] : memref<204800x128xf32, #tpu.memory_space<hbm>> -> memref<128x128xf32, #tpu.memory_space<hbm>>
        %dma_wait3A_361 = arith.constant 0 : i32
        %dma_wait3A_362 = arith.constant 0 : i32
        %dma_wait3A_363 = tpu.memref_slice %arg5[%dma_wait3A_361, %dma_wait3A_362] : memref<204800x128xf32, #tpu.memory_space<hbm>> -> memref<128x128xf32, #tpu.memory_space<hbm>>
        %dma_wait3A_364 = arith.constant 0 : i32
        %dma_wait3A_365 = arith.constant 0 : i32
        %dma_wait3A_366 = tpu.memref_slice %arg8[%dma_wait3A_353, %dma_wait3A_364, %dma_wait3A_365] : memref<5x128x128xf32, #tpu.memory_space<vmem>> -> memref<1x128x128xf32, #tpu.memory_space<vmem>>
        %dma_wait3A_367 = tpu.memref_squeeze %dma_wait3A_366 : memref<1x128x128xf32, #tpu.memory_space<vmem>> -> memref<128x128xf32, #tpu.memory_space<vmem>>
        tpu.wait_dma2 semaphore(%arg15 : memref<!tpu.dma_semaphore, #tpu.memory_space<semaphore_mem>>) src(%dma_wait3A_367 : memref<128x128xf32, #tpu.memory_space<vmem>>) dst(%dma_wait3A_363 : memref<128x128xf32, #tpu.memory_space<hbm>>)
        %add3A_368 = arith.constant 3 : i32
        %add3A_369 = arith.addi %add3A_270, %add3A_368 : i32
        %dma_start3A_370 = arith.constant 1 : i32
        %dma_start3A_371 = arith.constant 0 : i32
        %dma_start3A_372 = arith.constant 0 : i32
        %dma_start3A_373 = tpu.memref_slice %arg8[%dma_start3A_370, %dma_start3A_371, %dma_start3A_372] : memref<5x128x128xf32, #tpu.memory_space<vmem>> -> memref<1x128x128xf32, #tpu.memory_space<vmem>>
        %dma_start3A_374 = tpu.memref_squeeze %dma_start3A_373 : memref<1x128x128xf32, #tpu.memory_space<vmem>> -> memref<128x128xf32, #tpu.memory_space<vmem>>
        %dma_start3A_375 = arith.constant 0 : i32
        %dma_start3A_376 = tpu.memref_slice %arg6[%add3A_369, %dma_start3A_375] : memref<50x128xi32, #tpu.memory_space<vmem>> -> memref<1x128xi32, #tpu.memory_space<vmem>>
        %dma_start3A_377 = tpu.memref_squeeze %dma_start3A_376 : memref<1x128xi32, #tpu.memory_space<vmem>> -> memref<128xi32, #tpu.memory_space<vmem>>
        %dma_start3A_378 = arith.constant 0 : i32
        %dma_start3A_379 = arith.constant 0 : i32
        %dma_start3A_380 = tpu.memref_slice %arg3[%dma_start3A_378, %dma_start3A_379] : memref<100000x128xf32, #tpu.memory_space<hbm>> -> memref<100000x128xf32, #tpu.memory_space<hbm>>
        tpu.enqueue_indirect_dma source(%dma_start3A_380 : memref<100000x128xf32, #tpu.memory_space<hbm>>) target(%dma_start3A_374 : memref<128x128xf32, #tpu.memory_space<vmem>>) offsets(%dma_start3A_377 : memref<128xi32, #tpu.memory_space<vmem>>) semaphore(%arg10 : memref<!tpu.dma_semaphore, #tpu.memory_space<semaphore_mem>>)
      } else {
      }
      %mul3A_310 = arith.constant 5 : i32
      %mul3A_311 = arith.muli %mul3A_310, %scan3A_117 : i32
      %add3A_312 = arith.constant 4 : i32
      %add3A_313 = arith.addi %mul3A_311, %add3A_312 : i32
      %dma_wait3A_314 = arith.constant 4 : i32
      %dma_wait3A_315 = arith.constant 0 : i32
      %dma_wait3A_316 = arith.constant 0 : i32
      %dma_wait3A_317 = tpu.memref_slice %arg8[%dma_wait3A_314, %dma_wait3A_315, %dma_wait3A_316] : memref<5x128x128xf32, #tpu.memory_space<vmem>> -> memref<1x128x128xf32, #tpu.memory_space<vmem>>
      %dma_wait3A_318 = tpu.memref_squeeze %dma_wait3A_317 : memref<1x128x128xf32, #tpu.memory_space<vmem>> -> memref<128x128xf32, #tpu.memory_space<vmem>>
      %dma_wait3A_319 = arith.constant 0 : i32
      %dma_wait3A_320 = tpu.memref_slice %arg6[%add3A_313, %dma_wait3A_319] : memref<50x128xi32, #tpu.memory_space<vmem>> -> memref<1x128xi32, #tpu.memory_space<vmem>>
      %dma_wait3A_321 = tpu.memref_squeeze %dma_wait3A_320 : memref<1x128xi32, #tpu.memory_space<vmem>> -> memref<128xi32, #tpu.memory_space<vmem>>
      %dma_wait3A_322 = arith.constant 0 : i32
      %dma_wait3A_323 = arith.constant 0 : i32
      %dma_wait3A_324 = tpu.memref_slice %arg3[%dma_wait3A_322, %dma_wait3A_323] : memref<100000x128xf32, #tpu.memory_space<hbm>> -> memref<100000x128xf32, #tpu.memory_space<hbm>>
      tpu.wait_indirect_dma semaphore(%arg13 : memref<!tpu.dma_semaphore, #tpu.memory_space<semaphore_mem>>) src(%dma_wait3A_324 : memref<100000x128xf32, #tpu.memory_space<hbm>>) dst(%dma_wait3A_318 : memref<128x128xf32, #tpu.memory_space<vmem>>)
      %mul3A_325 = arith.constant 128 : i32
      %mul3A_326 = arith.muli %add3A_313, %mul3A_325 : i32
      %rem3A_327 = arith.constant 200 : i32
      %rem3A_328 = arith.remsi %mul3A_326, %rem3A_327 : i32
      %parallel_loop3A_329 = arith.constant 0 : i32
      %parallel_loop3A_330 = arith.constant 128 : i32
      %parallel_loop3A_331 = arith.constant 1 : i32
      scf.for %parallel_loop3A_353 = %parallel_loop3A_329 to %parallel_loop3A_330 step %parallel_loop3A_331  : i32 {
        %parallel_loop3A_354 = arith.addi %rem3A_328, %parallel_loop3A_353 : i32
        %parallel_loop3A_355 = arith.constant 200 : i32
        %parallel_loop3A_356 = arith.remsi %parallel_loop3A_354, %parallel_loop3A_355 : i32
        %parallel_loop3A_357 = arith.index_cast %parallel_loop3A_356 : i32 to index
        %parallel_loop3A_358 = arith.constant 0 : index
        %parallel_loop3A_359 = tpu.vector_load %arg7[%parallel_loop3A_357, %parallel_loop3A_358] {strides = array<i32>} : memref<200x128xf32, #tpu.memory_space<vmem>>, vector<1x16xf32>,
        %parallel_loop3A_360 = vector.shape_cast %parallel_loop3A_359 : vector<1x16xf32> to vector<16xf32>
        %parallel_loop3A_361 = arith.constant 4 : i32
        %parallel_loop3A_362 = arith.index_cast %parallel_loop3A_361 : i32 to index
        %parallel_loop3A_363 = arith.index_cast %parallel_loop3A_353 : i32 to index
        %parallel_loop3A_364 = arith.constant 0 : index
        %parallel_loop3A_365 = tpu.vector_load %arg8[%parallel_loop3A_362, %parallel_loop3A_363, %parallel_loop3A_364] {strides = array<i32>} : memref<5x128x128xf32, #tpu.memory_space<vmem>>, vector<1x1x16xf32>,
        %parallel_loop3A_366 = vector.shape_cast %parallel_loop3A_365 : vector<1x1x16xf32> to vector<16xf32>
        %parallel_loop3A_367 = vector.shape_cast %parallel_loop3A_360 : vector<16xf32> to vector<1x1x16xf32>
        tpu.vector_store %arg8[%parallel_loop3A_362, %parallel_loop3A_363, %parallel_loop3A_364], %parallel_loop3A_367 {add = true, strides = array<i32>} : memref<5x128x128xf32, #tpu.memory_space<vmem>>, vector<1x1x16xf32>,
        %parallel_loop3A_368 = arith.index_cast %parallel_loop3A_356 : i32 to index
        %parallel_loop3A_369 = arith.constant 16 : index
        %parallel_loop3A_370 = tpu.vector_load %arg7[%parallel_loop3A_368, %parallel_loop3A_369] {strides = array<i32>} : memref<200x128xf32, #tpu.memory_space<vmem>>, vector<1x16xf32>,
        %parallel_loop3A_371 = vector.shape_cast %parallel_loop3A_370 : vector<1x16xf32> to vector<16xf32>
        %parallel_loop3A_372 = arith.constant 4 : i32
        %parallel_loop3A_373 = arith.index_cast %parallel_loop3A_372 : i32 to index
        %parallel_loop3A_374 = arith.index_cast %parallel_loop3A_353 : i32 to index
        %parallel_loop3A_375 = arith.constant 16 : index
        %parallel_loop3A_376 = tpu.vector_load %arg8[%parallel_loop3A_373, %parallel_loop3A_374, %parallel_loop3A_375] {strides = array<i32>} : memref<5x128x128xf32, #tpu.memory_space<vmem>>, vector<1x1x16xf32>,
        %parallel_loop3A_377 = vector.shape_cast %parallel_loop3A_376 : vector<1x1x16xf32> to vector<16xf32>
        %parallel_loop3A_378 = vector.shape_cast %parallel_loop3A_371 : vector<16xf32> to vector<1x1x16xf32>
        tpu.vector_store %arg8[%parallel_loop3A_373, %parallel_loop3A_374, %parallel_loop3A_375], %parallel_loop3A_378 {add = true, strides = array<i32>} : memref<5x128x128xf32, #tpu.memory_space<vmem>>, vector<1x1x16xf32>,
        %parallel_loop3A_379 = arith.index_cast %parallel_loop3A_356 : i32 to index
        %parallel_loop3A_380 = arith.constant 32 : index
        %parallel_loop3A_381 = tpu.vector_load %arg7[%parallel_loop3A_379, %parallel_loop3A_380] {strides = array<i32>} : memref<200x128xf32, #tpu.memory_space<vmem>>, vector<1x16xf32>,
        %parallel_loop3A_382 = vector.shape_cast %parallel_loop3A_381 : vector<1x16xf32> to vector<16xf32>
        %parallel_loop3A_383 = arith.constant 4 : i32
        %parallel_loop3A_384 = arith.index_cast %parallel_loop3A_383 : i32 to index
        %parallel_loop3A_385 = arith.index_cast %parallel_loop3A_353 : i32 to index
        %parallel_loop3A_386 = arith.constant 32 : index
        %parallel_loop3A_387 = tpu.vector_load %arg8[%parallel_loop3A_384, %parallel_loop3A_385, %parallel_loop3A_386] {strides = array<i32>} : memref<5x128x128xf32, #tpu.memory_space<vmem>>, vector<1x1x16xf32>,
        %parallel_loop3A_388 = vector.shape_cast %parallel_loop3A_387 : vector<1x1x16xf32> to vector<16xf32>
        %parallel_loop3A_389 = vector.shape_cast %parallel_loop3A_382 : vector<16xf32> to vector<1x1x16xf32>
        tpu.vector_store %arg8[%parallel_loop3A_384, %parallel_loop3A_385, %parallel_loop3A_386], %parallel_loop3A_389 {add = true, strides = array<i32>} : memref<5x128x128xf32, #tpu.memory_space<vmem>>, vector<1x1x16xf32>,
        %parallel_loop3A_390 = arith.index_cast %parallel_loop3A_356 : i32 to index
        %parallel_loop3A_391 = arith.constant 48 : index
        %parallel_loop3A_392 = tpu.vector_load %arg7[%parallel_loop3A_390, %parallel_loop3A_391] {strides = array<i32>} : memref<200x128xf32, #tpu.memory_space<vmem>>, vector<1x16xf32>,
        %parallel_loop3A_393 = vector.shape_cast %parallel_loop3A_392 : vector<1x16xf32> to vector<16xf32>
        %parallel_loop3A_394 = arith.constant 4 : i32
        %parallel_loop3A_395 = arith.index_cast %parallel_loop3A_394 : i32 to index
        %parallel_loop3A_396 = arith.index_cast %parallel_loop3A_353 : i32 to index
        %parallel_loop3A_397 = arith.constant 48 : index
        %parallel_loop3A_398 = tpu.vector_load %arg8[%parallel_loop3A_395, %parallel_loop3A_396, %parallel_loop3A_397] {strides = array<i32>} : memref<5x128x128xf32, #tpu.memory_space<vmem>>, vector<1x1x16xf32>,
        %parallel_loop3A_399 = vector.shape_cast %parallel_loop3A_398 : vector<1x1x16xf32> to vector<16xf32>
        %parallel_loop3A_400 = vector.shape_cast %parallel_loop3A_393 : vector<16xf32> to vector<1x1x16xf32>
        tpu.vector_store %arg8[%parallel_loop3A_395, %parallel_loop3A_396, %parallel_loop3A_397], %parallel_loop3A_400 {add = true, strides = array<i32>} : memref<5x128x128xf32, #tpu.memory_space<vmem>>, vector<1x1x16xf32>,
        %parallel_loop3A_401 = arith.index_cast %parallel_loop3A_356 : i32 to index
        %parallel_loop3A_402 = arith.constant 64 : index
        %parallel_loop3A_403 = tpu.vector_load %arg7[%parallel_loop3A_401, %parallel_loop3A_402] {strides = array<i32>} : memref<200x128xf32, #tpu.memory_space<vmem>>, vector<1x16xf32>,
        %parallel_loop3A_404 = vector.shape_cast %parallel_loop3A_403 : vector<1x16xf32> to vector<16xf32>
        %parallel_loop3A_405 = arith.constant 4 : i32
        %parallel_loop3A_406 = arith.index_cast %parallel_loop3A_405 : i32 to index
        %parallel_loop3A_407 = arith.index_cast %parallel_loop3A_353 : i32 to index
        %parallel_loop3A_408 = arith.constant 64 : index
        %parallel_loop3A_409 = tpu.vector_load %arg8[%parallel_loop3A_406, %parallel_loop3A_407, %parallel_loop3A_408] {strides = array<i32>} : memref<5x128x128xf32, #tpu.memory_space<vmem>>, vector<1x1x16xf32>,
        %parallel_loop3A_410 = vector.shape_cast %parallel_loop3A_409 : vector<1x1x16xf32> to vector<16xf32>
        %parallel_loop3A_411 = vector.shape_cast %parallel_loop3A_404 : vector<16xf32> to vector<1x1x16xf32>
        tpu.vector_store %arg8[%parallel_loop3A_406, %parallel_loop3A_407, %parallel_loop3A_408], %parallel_loop3A_411 {add = true, strides = array<i32>} : memref<5x128x128xf32, #tpu.memory_space<vmem>>, vector<1x1x16xf32>,
        %parallel_loop3A_412 = arith.index_cast %parallel_loop3A_356 : i32 to index
        %parallel_loop3A_413 = arith.constant 80 : index
        %parallel_loop3A_414 = tpu.vector_load %arg7[%parallel_loop3A_412, %parallel_loop3A_413] {strides = array<i32>} : memref<200x128xf32, #tpu.memory_space<vmem>>, vector<1x16xf32>,
        %parallel_loop3A_415 = vector.shape_cast %parallel_loop3A_414 : vector<1x16xf32> to vector<16xf32>
        %parallel_loop3A_416 = arith.constant 4 : i32
        %parallel_loop3A_417 = arith.index_cast %parallel_loop3A_416 : i32 to index
        %parallel_loop3A_418 = arith.index_cast %parallel_loop3A_353 : i32 to index
        %parallel_loop3A_419 = arith.constant 80 : index
        %parallel_loop3A_420 = tpu.vector_load %arg8[%parallel_loop3A_417, %parallel_loop3A_418, %parallel_loop3A_419] {strides = array<i32>} : memref<5x128x128xf32, #tpu.memory_space<vmem>>, vector<1x1x16xf32>,
        %parallel_loop3A_421 = vector.shape_cast %parallel_loop3A_420 : vector<1x1x16xf32> to vector<16xf32>
        %parallel_loop3A_422 = vector.shape_cast %parallel_loop3A_415 : vector<16xf32> to vector<1x1x16xf32>
        tpu.vector_store %arg8[%parallel_loop3A_417, %parallel_loop3A_418, %parallel_loop3A_419], %parallel_loop3A_422 {add = true, strides = array<i32>} : memref<5x128x128xf32, #tpu.memory_space<vmem>>, vector<1x1x16xf32>,
        %parallel_loop3A_423 = arith.index_cast %parallel_loop3A_356 : i32 to index
        %parallel_loop3A_424 = arith.constant 96 : index
        %parallel_loop3A_425 = tpu.vector_load %arg7[%parallel_loop3A_423, %parallel_loop3A_424] {strides = array<i32>} : memref<200x128xf32, #tpu.memory_space<vmem>>, vector<1x16xf32>,
        %parallel_loop3A_426 = vector.shape_cast %parallel_loop3A_425 : vector<1x16xf32> to vector<16xf32>
        %parallel_loop3A_427 = arith.constant 4 : i32
        %parallel_loop3A_428 = arith.index_cast %parallel_loop3A_427 : i32 to index
        %parallel_loop3A_429 = arith.index_cast %parallel_loop3A_353 : i32 to index
        %parallel_loop3A_430 = arith.constant 96 : index
        %parallel_loop3A_431 = tpu.vector_load %arg8[%parallel_loop3A_428, %parallel_loop3A_429, %parallel_loop3A_430] {strides = array<i32>} : memref<5x128x128xf32, #tpu.memory_space<vmem>>, vector<1x1x16xf32>,
        %parallel_loop3A_432 = vector.shape_cast %parallel_loop3A_431 : vector<1x1x16xf32> to vector<16xf32>
        %parallel_loop3A_433 = vector.shape_cast %parallel_loop3A_426 : vector<16xf32> to vector<1x1x16xf32>
        tpu.vector_store %arg8[%parallel_loop3A_428, %parallel_loop3A_429, %parallel_loop3A_430], %parallel_loop3A_433 {add = true, strides = array<i32>} : memref<5x128x128xf32, #tpu.memory_space<vmem>>, vector<1x1x16xf32>,
        %parallel_loop3A_434 = arith.index_cast %parallel_loop3A_356 : i32 to index
        %parallel_loop3A_435 = arith.constant 112 : index
        %parallel_loop3A_436 = tpu.vector_load %arg7[%parallel_loop3A_434, %parallel_loop3A_435] {strides = array<i32>} : memref<200x128xf32, #tpu.memory_space<vmem>>, vector<1x16xf32>,
        %parallel_loop3A_437 = vector.shape_cast %parallel_loop3A_436 : vector<1x16xf32> to vector<16xf32>
        %parallel_loop3A_438 = arith.constant 4 : i32
        %parallel_loop3A_439 = arith.index_cast %parallel_loop3A_438 : i32 to index
        %parallel_loop3A_440 = arith.index_cast %parallel_loop3A_353 : i32 to index
        %parallel_loop3A_441 = arith.constant 112 : index
        %parallel_loop3A_442 = tpu.vector_load %arg8[%parallel_loop3A_439, %parallel_loop3A_440, %parallel_loop3A_441] {strides = array<i32>} : memref<5x128x128xf32, #tpu.memory_space<vmem>>, vector<1x1x16xf32>,
        %parallel_loop3A_443 = vector.shape_cast %parallel_loop3A_442 : vector<1x1x16xf32> to vector<16xf32>
        %parallel_loop3A_444 = vector.shape_cast %parallel_loop3A_437 : vector<16xf32> to vector<1x1x16xf32>
        tpu.vector_store %arg8[%parallel_loop3A_439, %parallel_loop3A_440, %parallel_loop3A_441], %parallel_loop3A_444 {add = true, strides = array<i32>} : memref<5x128x128xf32, #tpu.memory_space<vmem>>, vector<1x1x16xf32>,
      } {sc.loop_unroll_factor = 4 : i64, sc.parallel_access}
      %add3A_332 = arith.addi %mul3A_2, %add3A_313 : i32
      %mul3A_333 = arith.constant 128 : i32
      %mul3A_334 = arith.muli %add3A_332, %mul3A_333 : i32
      %dma_start3A_335 = arith.constant 4 : i32
      %dma_start3A_336 = arith.constant 0 : i32
      %dma_start3A_337 = arith.constant 0 : i32
      %dma_start3A_338 = tpu.memref_slice %arg8[%dma_start3A_335, %dma_start3A_336, %dma_start3A_337] : memref<5x128x128xf32, #tpu.memory_space<vmem>> -> memref<1x128x128xf32, #tpu.memory_space<vmem>>
      %dma_start3A_339 = tpu.memref_squeeze %dma_start3A_338 : memref<1x128x128xf32, #tpu.memory_space<vmem>> -> memref<128x128xf32, #tpu.memory_space<vmem>>
      %dma_start3A_340 = arith.constant 0 : i32
      %dma_start3A_341 = tpu.memref_slice %arg5[%mul3A_334, %dma_start3A_340] : memref<204800x128xf32, #tpu.memory_space<hbm>> -> memref<128x128xf32, #tpu.memory_space<hbm>>
      %dma_start3A_342 = arith.constant 0 : i32
      %dma_start3A_343 = tpu.memref_slice %arg5[%mul3A_334, %dma_start3A_342] : memref<204800x128xf32, #tpu.memory_space<hbm>> -> memref<128x128xf32, #tpu.memory_space<hbm>>
      %dma_start3A_344 = arith.constant 0 : i32
      %dma_start3A_345 = arith.constant 0 : i32
      %dma_start3A_346 = tpu.memref_slice %arg8[%dma_start3A_335, %dma_start3A_344, %dma_start3A_345] : memref<5x128x128xf32, #tpu.memory_space<vmem>> -> memref<1x128x128xf32, #tpu.memory_space<vmem>>
      %dma_start3A_347 = tpu.memref_squeeze %dma_start3A_346 : memref<1x128x128xf32, #tpu.memory_space<vmem>> -> memref<128x128xf32, #tpu.memory_space<vmem>>
      tpu.enqueue_dma source(%dma_start3A_347 : memref<128x128xf32, #tpu.memory_space<vmem>>) target(%dma_start3A_343 : memref<128x128xf32, #tpu.memory_space<hbm>>) target_semaphore(%arg18 : memref<!tpu.dma_semaphore, #tpu.memory_space<semaphore_mem>>)
      %lt3A_348 = arith.constant 9 : i32
      %lt3A_349 = arith.cmpi slt, %scan3A_117, %lt3A_348 : i32
      %convert_element_type3A_350 = arith.extui %lt3A_349 : i1 to i32
      %cond3A_351 = arith.constant 0 : i32
      %cond3A_352 = arith.cmpi ne, %convert_element_type3A_350, %cond3A_351 : i32
      scf.if %cond3A_352 {
        %dma_wait3A_353 = arith.constant 2 : i32
        %dma_wait3A_354 = arith.constant 0 : i32
        %dma_wait3A_355 = arith.constant 0 : i32
        %dma_wait3A_356 = tpu.memref_slice %arg8[%dma_wait3A_353, %dma_wait3A_354, %dma_wait3A_355] : memref<5x128x128xf32, #tpu.memory_space<vmem>> -> memref<1x128x128xf32, #tpu.memory_space<vmem>>
        %dma_wait3A_357 = tpu.memref_squeeze %dma_wait3A_356 : memref<1x128x128xf32, #tpu.memory_space<vmem>> -> memref<128x128xf32, #tpu.memory_space<vmem>>
        %dma_wait3A_358 = arith.constant 0 : i32
        %dma_wait3A_359 = arith.constant 0 : i32
        %dma_wait3A_360 = tpu.memref_slice %arg5[%dma_wait3A_358, %dma_wait3A_359] : memref<204800x128xf32, #tpu.memory_space<hbm>> -> memref<128x128xf32, #tpu.memory_space<hbm>>
        %dma_wait3A_361 = arith.constant 0 : i32
        %dma_wait3A_362 = arith.constant 0 : i32
        %dma_wait3A_363 = tpu.memref_slice %arg5[%dma_wait3A_361, %dma_wait3A_362] : memref<204800x128xf32, #tpu.memory_space<hbm>> -> memref<128x128xf32, #tpu.memory_space<hbm>>
        %dma_wait3A_364 = arith.constant 0 : i32
        %dma_wait3A_365 = arith.constant 0 : i32
        %dma_wait3A_366 = tpu.memref_slice %arg8[%dma_wait3A_353, %dma_wait3A_364, %dma_wait3A_365] : memref<5x128x128xf32, #tpu.memory_space<vmem>> -> memref<1x128x128xf32, #tpu.memory_space<vmem>>
        %dma_wait3A_367 = tpu.memref_squeeze %dma_wait3A_366 : memref<1x128x128xf32, #tpu.memory_space<vmem>> -> memref<128x128xf32, #tpu.memory_space<vmem>>
        tpu.wait_dma2 semaphore(%arg16 : memref<!tpu.dma_semaphore, #tpu.memory_space<semaphore_mem>>) src(%dma_wait3A_367 : memref<128x128xf32, #tpu.memory_space<vmem>>) dst(%dma_wait3A_363 : memref<128x128xf32, #tpu.memory_space<hbm>>)
        %add3A_368 = arith.constant 3 : i32
        %add3A_369 = arith.addi %add3A_313, %add3A_368 : i32
        %dma_start3A_370 = arith.constant 2 : i32
        %dma_start3A_371 = arith.constant 0 : i32
        %dma_start3A_372 = arith.constant 0 : i32
        %dma_start3A_373 = tpu.memref_slice %arg8[%dma_start3A_370, %dma_start3A_371, %dma_start3A_372] : memref<5x128x128xf32, #tpu.memory_space<vmem>> -> memref<1x128x128xf32, #tpu.memory_space<vmem>>
        %dma_start3A_374 = tpu.memref_squeeze %dma_start3A_373 : memref<1x128x128xf32, #tpu.memory_space<vmem>> -> memref<128x128xf32, #tpu.memory_space<vmem>>
        %dma_start3A_375 = arith.constant 0 : i32
        %dma_start3A_376 = tpu.memref_slice %arg6[%add3A_369, %dma_start3A_375] : memref<50x128xi32, #tpu.memory_space<vmem>> -> memref<1x128xi32, #tpu.memory_space<vmem>>
        %dma_start3A_377 = tpu.memref_squeeze %dma_start3A_376 : memref<1x128xi32, #tpu.memory_space<vmem>> -> memref<128xi32, #tpu.memory_space<vmem>>
        %dma_start3A_378 = arith.constant 0 : i32
        %dma_start3A_379 = arith.constant 0 : i32
        %dma_start3A_380 = tpu.memref_slice %arg3[%dma_start3A_378, %dma_start3A_379] : memref<100000x128xf32, #tpu.memory_space<hbm>> -> memref<100000x128xf32, #tpu.memory_space<hbm>>
        tpu.enqueue_indirect_dma source(%dma_start3A_380 : memref<100000x128xf32, #tpu.memory_space<hbm>>) target(%dma_start3A_374 : memref<128x128xf32, #tpu.memory_space<vmem>>) offsets(%dma_start3A_377 : memref<128xi32, #tpu.memory_space<vmem>>) semaphore(%arg11 : memref<!tpu.dma_semaphore, #tpu.memory_space<semaphore_mem>>)
      } else {
      }
    }
    %scan3A_42 = arith.constant 10 : i32
    %dma_wait3A = arith.constant 0 : i32
    %dma_wait3A_43 = arith.constant 0 : i32
    %dma_wait3A_44 = arith.constant 0 : i32
    %dma_wait3A_45 = tpu.memref_slice %arg8[%dma_wait3A, %dma_wait3A_43, %dma_wait3A_44] : memref<5x128x128xf32, #tpu.memory_space<vmem>> -> memref<1x128x128xf32, #tpu.memory_space<vmem>>
    %dma_wait3A_46 = tpu.memref_squeeze %dma_wait3A_45 : memref<1x128x128xf32, #tpu.memory_space<vmem>> -> memref<128x128xf32, #tpu.memory_space<vmem>>
    %dma_wait3A_47 = arith.constant 0 : i32
    %dma_wait3A_48 = arith.constant 0 : i32
    %dma_wait3A_49 = tpu.memref_slice %arg5[%dma_wait3A_47, %dma_wait3A_48] : memref<204800x128xf32, #tpu.memory_space<hbm>> -> memref<128x128xf32, #tpu.memory_space<hbm>>
    %dma_wait3A_50 = arith.constant 0 : i32
    %dma_wait3A_51 = arith.constant 0 : i32
    %dma_wait3A_52 = tpu.memref_slice %arg5[%dma_wait3A_50, %dma_wait3A_51] : memref<204800x128xf32, #tpu.memory_space<hbm>> -> memref<128x128xf32, #tpu.memory_space<hbm>>
    %dma_wait3A_53 = arith.constant 0 : i32
    %dma_wait3A_54 = arith.constant 0 : i32
    %dma_wait3A_55 = tpu.memref_slice %arg8[%dma_wait3A, %dma_wait3A_53, %dma_wait3A_54] : memref<5x128x128xf32, #tpu.memory_space<vmem>> -> memref<1x128x128xf32, #tpu.memory_space<vmem>>
    %dma_wait3A_56 = tpu.memref_squeeze %dma_wait3A_55 : memref<1x128x128xf32, #tpu.memory_space<vmem>> -> memref<128x128xf32, #tpu.memory_space<vmem>>
    tpu.wait_dma2 semaphore(%arg14 : memref<!tpu.dma_semaphore, #tpu.memory_space<semaphore_mem>>) src(%dma_wait3A_56 : memref<128x128xf32, #tpu.memory_space<vmem>>) dst(%dma_wait3A_52 : memref<128x128xf32, #tpu.memory_space<hbm>>)
    %dma_wait3A_57 = arith.constant 1 : i32
    %dma_wait3A_58 = arith.constant 0 : i32
    %dma_wait3A_59 = arith.constant 0 : i32
    %dma_wait3A_60 = tpu.memref_slice %arg8[%dma_wait3A_57, %dma_wait3A_58, %dma_wait3A_59] : memref<5x128x128xf32, #tpu.memory_space<vmem>> -> memref<1x128x128xf32, #tpu.memory_space<vmem>>
    %dma_wait3A_61 = tpu.memref_squeeze %dma_wait3A_60 : memref<1x128x128xf32, #tpu.memory_space<vmem>> -> memref<128x128xf32, #tpu.memory_space<vmem>>
    %dma_wait3A_62 = arith.constant 0 : i32
    %dma_wait3A_63 = arith.constant 0 : i32
    %dma_wait3A_64 = tpu.memref_slice %arg5[%dma_wait3A_62, %dma_wait3A_63] : memref<204800x128xf32, #tpu.memory_space<hbm>> -> memref<128x128xf32, #tpu.memory_space<hbm>>
    %dma_wait3A_65 = arith.constant 0 : i32
    %dma_wait3A_66 = arith.constant 0 : i32
    %dma_wait3A_67 = tpu.memref_slice %arg5[%dma_wait3A_65, %dma_wait3A_66] : memref<204800x128xf32, #tpu.memory_space<hbm>> -> memref<128x128xf32, #tpu.memory_space<hbm>>
    %dma_wait3A_68 = arith.constant 0 : i32
    %dma_wait3A_69 = arith.constant 0 : i32
    %dma_wait3A_70 = tpu.memref_slice %arg8[%dma_wait3A_57, %dma_wait3A_68, %dma_wait3A_69] : memref<5x128x128xf32, #tpu.memory_space<vmem>> -> memref<1x128x128xf32, #tpu.memory_space<vmem>>
    %dma_wait3A_71 = tpu.memref_squeeze %dma_wait3A_70 : memref<1x128x128xf32, #tpu.memory_space<vmem>> -> memref<128x128xf32, #tpu.memory_space<vmem>>
    tpu.wait_dma2 semaphore(%arg15 : memref<!tpu.dma_semaphore, #tpu.memory_space<semaphore_mem>>) src(%dma_wait3A_71 : memref<128x128xf32, #tpu.memory_space<vmem>>) dst(%dma_wait3A_67 : memref<128x128xf32, #tpu.memory_space<hbm>>)
    %dma_wait3A_72 = arith.constant 2 : i32
    %dma_wait3A_73 = arith.constant 0 : i32
    %dma_wait3A_74 = arith.constant 0 : i32
    %dma_wait3A_75 = tpu.memref_slice %arg8[%dma_wait3A_72, %dma_wait3A_73, %dma_wait3A_74] : memref<5x128x128xf32, #tpu.memory_space<vmem>> -> memref<1x128x128xf32, #tpu.memory_space<vmem>>
    %dma_wait3A_76 = tpu.memref_squeeze %dma_wait3A_75 : memref<1x128x128xf32, #tpu.memory_space<vmem>> -> memref<128x128xf32, #tpu.memory_space<vmem>>
    %dma_wait3A_77 = arith.constant 0 : i32
    %dma_wait3A_78 = arith.constant 0 : i32
    %dma_wait3A_79 = tpu.memref_slice %arg5[%dma_wait3A_77, %dma_wait3A_78] : memref<204800x128xf32, #tpu.memory_space<hbm>> -> memref<128x128xf32, #tpu.memory_space<hbm>>
    %dma_wait3A_80 = arith.constant 0 : i32
    %dma_wait3A_81 = arith.constant 0 : i32
    %dma_wait3A_82 = tpu.memref_slice %arg5[%dma_wait3A_80, %dma_wait3A_81] : memref<204800x128xf32, #tpu.memory_space<hbm>> -> memref<128x128xf32, #tpu.memory_space<hbm>>
    %dma_wait3A_83 = arith.constant 0 : i32
    %dma_wait3A_84 = arith.constant 0 : i32
    %dma_wait3A_85 = tpu.memref_slice %arg8[%dma_wait3A_72, %dma_wait3A_83, %dma_wait3A_84] : memref<5x128x128xf32, #tpu.memory_space<vmem>> -> memref<1x128x128xf32, #tpu.memory_space<vmem>>
    %dma_wait3A_86 = tpu.memref_squeeze %dma_wait3A_85 : memref<1x128x128xf32, #tpu.memory_space<vmem>> -> memref<128x128xf32, #tpu.memory_space<vmem>>
    tpu.wait_dma2 semaphore(%arg16 : memref<!tpu.dma_semaphore, #tpu.memory_space<semaphore_mem>>) src(%dma_wait3A_86 : memref<128x128xf32, #tpu.memory_space<vmem>>) dst(%dma_wait3A_82 : memref<128x128xf32, #tpu.memory_space<hbm>>)
    %dma_wait3A_87 = arith.constant 3 : i32
    %dma_wait3A_88 = arith.constant 0 : i32
    %dma_wait3A_89 = arith.constant 0 : i32
    %dma_wait3A_90 = tpu.memref_slice %arg8[%dma_wait3A_87, %dma_wait3A_88, %dma_wait3A_89] : memref<5x128x128xf32, #tpu.memory_space<vmem>> -> memref<1x128x128xf32, #tpu.memory_space<vmem>>
    %dma_wait3A_91 = tpu.memref_squeeze %dma_wait3A_90 : memref<1x128x128xf32, #tpu.memory_space<vmem>> -> memref<128x128xf32, #tpu.memory_space<vmem>>
    %dma_wait3A_92 = arith.constant 0 : i32
    %dma_wait3A_93 = arith.constant 0 : i32
    %dma_wait3A_94 = tpu.memref_slice %arg5[%dma_wait3A_92, %dma_wait3A_93] : memref<204800x128xf32, #tpu.memory_space<hbm>> -> memref<128x128xf32, #tpu.memory_space<hbm>>
    %dma_wait3A_95 = arith.constant 0 : i32
    %dma_wait3A_96 = arith.constant 0 : i32
    %dma_wait3A_97 = tpu.memref_slice %arg5[%dma_wait3A_95, %dma_wait3A_96] : memref<204800x128xf32, #tpu.memory_space<hbm>> -> memref<128x128xf32, #tpu.memory_space<hbm>>
    %dma_wait3A_98 = arith.constant 0 : i32
    %dma_wait3A_99 = arith.constant 0 : i32
    %dma_wait3A_100 = tpu.memref_slice %arg8[%dma_wait3A_87, %dma_wait3A_98, %dma_wait3A_99] : memref<5x128x128xf32, #tpu.memory_space<vmem>> -> memref<1x128x128xf32, #tpu.memory_space<vmem>>
    %dma_wait3A_101 = tpu.memref_squeeze %dma_wait3A_100 : memref<1x128x128xf32, #tpu.memory_space<vmem>> -> memref<128x128xf32, #tpu.memory_space<vmem>>
    tpu.wait_dma2 semaphore(%arg17 : memref<!tpu.dma_semaphore, #tpu.memory_space<semaphore_mem>>) src(%dma_wait3A_101 : memref<128x128xf32, #tpu.memory_space<vmem>>) dst(%dma_wait3A_97 : memref<128x128xf32, #tpu.memory_space<hbm>>)
    %dma_wait3A_102 = arith.constant 4 : i32
    %dma_wait3A_103 = arith.constant 0 : i32
    %dma_wait3A_104 = arith.constant 0 : i32
    %dma_wait3A_105 = tpu.memref_slice %arg8[%dma_wait3A_102, %dma_wait3A_103, %dma_wait3A_104] : memref<5x128x128xf32, #tpu.memory_space<vmem>> -> memref<1x128x128xf32, #tpu.memory_space<vmem>>
    %dma_wait3A_106 = tpu.memref_squeeze %dma_wait3A_105 : memref<1x128x128xf32, #tpu.memory_space<vmem>> -> memref<128x128xf32, #tpu.memory_space<vmem>>
    %dma_wait3A_107 = arith.constant 0 : i32
    %dma_wait3A_108 = arith.constant 0 : i32
    %dma_wait3A_109 = tpu.memref_slice %arg5[%dma_wait3A_107, %dma_wait3A_108] : memref<204800x128xf32, #tpu.memory_space<hbm>> -> memref<128x128xf32, #tpu.memory_space<hbm>>
    %dma_wait3A_110 = arith.constant 0 : i32
    %dma_wait3A_111 = arith.constant 0 : i32
    %dma_wait3A_112 = tpu.memref_slice %arg5[%dma_wait3A_110, %dma_wait3A_111] : memref<204800x128xf32, #tpu.memory_space<hbm>> -> memref<128x128xf32, #tpu.memory_space<hbm>>
    %dma_wait3A_113 = arith.constant 0 : i32
    %dma_wait3A_114 = arith.constant 0 : i32
    %dma_wait3A_115 = tpu.memref_slice %arg8[%dma_wait3A_102, %dma_wait3A_113, %dma_wait3A_114] : memref<5x128x128xf32, #tpu.memory_space<vmem>> -> memref<1x128x128xf32, #tpu.memory_space<vmem>>
    %dma_wait3A_116 = tpu.memref_squeeze %dma_wait3A_115 : memref<1x128x128xf32, #tpu.memory_space<vmem>> -> memref<128x128xf32, #tpu.memory_space<vmem>>
    tpu.wait_dma2 semaphore(%arg18 : memref<!tpu.dma_semaphore, #tpu.memory_space<semaphore_mem>>) src(%dma_wait3A_116 : memref<128x128xf32, #tpu.memory_space<vmem>>) dst(%dma_wait3A_112 : memref<128x128xf32, #tpu.memory_space<hbm>>)
    return
  }
}

</mosaic_0001>

<sc_bundles>
// kernel: kernel.3.cloned.1.call-start
scs
__scs_entry_jumppad:
0x0: {  	(pc) =	sbr.rel $0x88, $3  }
0x1: {  	(tag) =	ssettag $0x0;
	lr =	simm.s32 $0x1  }
0x2: {  	[smem:$0x3F9E] =	sst lr;
	_ =	strace $0xD0000000  }
0x3: {  	_ = 	snop  }
0x4: {  	_ = 	snop  }
0x5: {  	_ = 	snop  }
0x6: {  	_ = 	snop  }
0x7: {  	_ = 	snop  }
__scs_overlays_trampoline_lowered:
0x8: {  	[smem:$0x3FAD] =	sst s0  }
0x9: {  	[smem:$0x3FAE] =	sst s1  }
0xa: {  	[smem:$0x3FAF] =	sst s2  }
0xb: {  	[smem:$0x3FB0] =	sst s3  }
0xc: {  	[smem:$0x3FB1] =	sst s4  }
0xd: {  	[smem:$0x3FB2] =	sst s5  }
0xe: {  	[smem:$0x3FB3] =	sst s6  }
0xf: {  	[smem:$0x3FB4] =	sst s7  }
0x10: {  	[smem:$0x3FB5] =	sst s8  }
0x11: {  	[smem:$0x3FB6] =	sst s9;
	s0 =	simm.s32 @!p0 $0x0  }
0x12: {  	s1 =	sld [smem:$0x3F9C];
	s0 =	simm.s32 @p0 $0x1  }
0x13: {  	[smem:$0x3FB7] =	sst s0;
	s0 =	simm.s32 @!p1 $0x0  }
0x14: {  	s2 =	sld [smem:$0x3F9B];
	s0 =	simm.s32 @p1 $0x1  }
0x15: {  	[smem:$0x3FB8] =	sst s0;
	s0 =	simm.s32 @!p2 $0x0  }
0x16: {  	s3 =	sld [smem:$0x3FDB];
	s0 =	simm.s32 @p2 $0x1  }
0x17: {  	s4 =	simm.s32 $0x1BF5;
	[smem:$0x3FBA] =	sst s0  }
0x18: {  	s0 =	sld [smem:$0x3F9D];
	_ =	swait.ge [sflag:s4], $0x0  }
0x19: {  	s7 =	sld [smem:$0x3F9E]  }
0x1a: {  	s8 =	sadd.s32 $0xFFFFE003, lr  }
0x1b: {  	s9 =	sadd.s32 $0xFFFFFEF7, lr;
	s5 =	simm.s32 $0xFFFFFFFF;
	p2 =	slt.u32 s8, $0xFFFFF086  }
0x1c: {  	p1 =	slt.u32 s9, $0xF7A;
	s5 =	simm.s32 @!p2 $0x0  }
0x1d: {  	s5 =	simm.s32 @p1 $0x1;
	p0 =	seq.s32 s7, s2  }
0x1e: {  	s7 =	smul.u32 @!p0 $0xF7A, s2;
	p2 =	seq.s32 @!p0 s5, $0x0  }
0x1f: {  	s9 =	smul.u32 $0xF7A, s1;
	s8 =	simm.s32 @!p0 $0x1BF5;
	p2 =	por !p2, p0  }
0x20: {  	[sflag:s8] =	ssyncset.s32 @!p0 $0xFFFFF086;
	s6 =	sadd.s32 @!p0 s3, s7;
	s7 =	simm.s32 @!p0 $0x108  }
0x21: {  	s3 =	sadd.s32 s3, s9;
	s6 =	sadd.s32 @!p0 $0x88, s6;
	s7 =	simm.s32 @p2 $0x1082  }
0x22: {  	[simem:s7], [sflag:s8] =	dma.local @!p0 [hbm:s6], $0xF7A  }
0x23: {  	s9 =	sor.u32 $0xD0000000, s2;
	s6 =	simm.s32 $0x108;
	_ =	swait.ge @!p0 [sflag:s8], $0x0  }
0x24: {  	s3 =	sadd.s32 $0x88, s3;
	s6 =	simm.s32 @!p1 $0x1082;
	[sflag:s4] =	ssyncset.s32 $0xFFFFF086  }
0x25: {  	[simem:s6], [sflag:s4] =	dma.local [hbm:s3], $0xF7A  }
0x26: {  	[smem:$0x3F9E] =	sst s1;
	(tag) =	ssettag s2;
	_ =	strace s9  }
0x27: {  	s1 =	sld [smem:$0x3FAE]  }
0x28: {  	s2 =	sld [smem:$0x3FAF]  }
0x29: {  	s4 =	sld [smem:$0x3FB1]  }
0x2a: {  	p0 =	seq.s32 s5, $0x0;
	s5 =	sld [smem:$0x3FB2]  }
0x2b: {  	s6 =	sld [smem:$0x3FB3]  }
0x2c: {  	s7 =	sld [smem:$0x3FB4]  }
0x2d: {  	s3 =	simm.s32 $0x108;
	s8 =	sld [smem:$0x3FB5]  }
0x2e: {  	s3 =	simm.s32 @!p0 $0x1082;
	s9 =	sld [smem:$0x3FB6]  }
0x2f: {  	lr =	sadd.s32 s0, s3;
	s0 =	sld [smem:$0x3FAD]  }
0x30: {  	s3 =	sld [smem:$0x3FB0]  }
0x31: {  	[smem:$0x3FB9] =	sst s10  }
0x32: {  	s10 =	sld [smem:$0x3FB7];
	_ =	sdelay $0x3  }
0x33: {  	p0 =	seq.s32 s10, $0x1;
	s10 =	sld [smem:$0x3FB9];
	_ =	sdelay $0x3  }
0x34: {  	[smem:$0x3FB9] =	sst s10  }
0x35: {  	s10 =	sld [smem:$0x3FB8];
	_ =	sdelay $0x3  }
0x36: {  	p1 =	seq.s32 s10, $0x1;
	s10 =	sld [smem:$0x3FB9];
	_ =	sdelay $0x3  }
0x37: {  	[smem:$0x3FB9] =	sst s10  }
0x38: {  	s10 =	sld [smem:$0x3FBA]  }
0x39: {  	_ = 	snop;
	(pc) =	sbr.ind lr, $3  }
0x3a: {  	_ = 	snop  }
0x3b: {  	_ = 	snop  }
0x3c: {  	p2 =	seq.s32 s10, $0x1;
	s10 =	sld [smem:$0x3FB9]  }
0x3d: {  	_ =	shalt  }
0x3e: {  	_ =	shalt  }
0x3f: {  	_ =	shalt  }
0x40: {  	_ =	shalt  }
0x41: {  	_ =	shalt  }
0x42: {  	_ =	shalt  }
0x43: {  	_ =	shalt  }
0x44: {  	_ =	shalt  }
0x45: {  	_ =	shalt  }
0x46: {  	_ =	shalt  }
0x47: {  	_ =	shalt  }
0x48: {  	_ =	shalt  }
0x49: {  	_ =	shalt  }
0x4a: {  	_ =	shalt  }
0x4b: {  	_ =	shalt  }
0x4c: {  	_ =	shalt  }
0x4d: {  	_ =	shalt  }
0x4e: {  	_ =	shalt  }
0x4f: {  	_ =	shalt  }
0x50: {  	_ =	shalt  }
0x51: {  	_ =	shalt  }
0x52: {  	_ =	shalt  }
0x53: {  	_ =	shalt  }
0x54: {  	_ =	shalt  }
0x55: {  	_ =	shalt  }
0x56: {  	_ =	shalt  }
0x57: {  	_ =	shalt  }
0x58: {  	_ =	shalt  }
0x59: {  	_ =	shalt  }
0x5a: {  	_ =	shalt  }
0x5b: {  	_ =	shalt  }
0x5c: {  	_ =	shalt  }
0x5d: {  	_ =	shalt  }
0x5e: {  	_ =	shalt  }
0x5f: {  	_ =	shalt  }
0x60: {  	_ =	shalt  }
0x61: {  	_ =	shalt  }
0x62: {  	_ =	shalt  }
0x63: {  	_ =	shalt  }
0x64: {  	_ =	shalt  }
0x65: {  	_ =	shalt  }
0x66: {  	_ =	shalt  }
0x67: {  	_ =	shalt  }
0x68: {  	_ =	shalt  }
0x69: {  	_ =	shalt  }
0x6a: {  	_ =	shalt  }
0x6b: {  	_ =	shalt  }
0x6c: {  	_ =	shalt  }
0x6d: {  	_ =	shalt  }
0x6e: {  	_ =	shalt  }
0x6f: {  	_ =	shalt  }
0x70: {  	_ =	shalt  }
0x71: {  	_ =	shalt  }
0x72: {  	_ =	shalt  }
0x73: {  	_ =	shalt  }
0x74: {  	_ =	shalt  }
0x75: {  	_ =	shalt  }
0x76: {  	_ =	shalt  }
0x77: {  	_ =	shalt  }
0x78: {  	_ =	shalt  }
0x79: {  	_ =	shalt  }
0x7a: {  	_ =	shalt  }
0x7b: {  	_ =	shalt  }
0x7c: {  	_ =	shalt  }
0x7d: {  	_ =	shalt  }
0x7e: {  	_ =	shalt  }
0x7f: {  	_ =	shalt  }
0x80: {  	_ =	shalt  }
0x81: {  	_ =	shalt  }
0x82: {  	_ =	shalt  }
0x83: {  	_ =	shalt  }
0x84: {  	_ =	shalt  }
0x85: {  	_ =	shalt  }
0x86: {  	_ =	shalt  }
0x87: {  	_ =	shalt  }
.Lfunc_end0:
.L_simem_size_0:
called_computation_lowered:
.L_overlay_start_0:
0x88: {  	s2 =	sld [smem:$0x3FD9]  }
0x89: {  	s3 =	sld [smem:$0x3FFE];
	_ =	sdelay $0x1  }
0x8a: {  	s1 =	srdreg.scid  }
0x8b: {  	s0 =	sand.u32 $0x1, s1  }
0x8c: {  	s17 =	sshll.u32 s0, $0xA;
	s2 =	sadd.s32 s3, s2  }
0x8d: {  	s2 =	sadd.s32 s2, s17  }
0x8e: {  	[smem:$0x3FC5] =	sst s2  }
0x8f: {  	_ = 	snop  }
0x90: {  	s2 =	sld [smem:$0x3FC8]  }
0x91: {  	s18 =	sld [smem:$0x3FC7]  }
0x92: {  	s4 =	sld [smem:$0x3FD0];
	(tm) =	ssettm $0x1  }
0x93: {  	s5 =	sld [smem:$0x3FFB];
	_ =	sdelay $0x3  }
0x94: {  	_ =	strace s5  }
0x95: {  	s5 =	sld [smem:$0x3FFC];
	_ =	sdelay $0x3  }
0x96: {  	_ =	strace s5  }
0x97: {  	s5 =	sld [smem:$0x3FFD];
	_ =	sdelay $0x3  }
0x98: {  	_ =	strace s5  }
0x99: {  	_ =	strace $0x8FFFFFFF  }
0x9a: {  	s19 =	sld [smem:$0x3FDB];
	_ =	sdelay $0x1  }
0x9b: {  	s6 =	simm.s32 $_scs_section_size  }
0x9c: {  	s7 =	simm.s32 $_size__tile_overlayer_lowered;
	s8 =	simm.s32 $_tile_overlayer_lowered  }
0x9d: {  	s22 =	simm.s32 $0x1BFF;
	s21 =	sshll.u32 s8, $0x1;
	s5 =	sadd.s32 s6, s19  }
0x9e: {  	s9 =	simm.s32 $0x0;
	s20 =	sshll.u32 s7, $0x1;
	s7 =	sadd.s32 s21, s5  }
0x9f: {  	[timem:s9], [sflag:s22] =	dma.local [hbm:s7], s20  }
0xa0: {  	_ =	swait.ge [sflag:s22], s20  }
0xa1: {  	s6 =	ssub.s32 $0x0, s20;
	[sflag:s22] =	ssyncset.done $0x0  }
0xa2: {  	[sflag:s22] =	ssyncadd.s32 s6;
	_ =	sdelay $0x1  }
0xa3: {  	s23 =	simm.s32 $0x1B8B  }
0xa4: {  	_ =	swait.ge [sflag:s23], $0x1  }
0xa5: {  	[sflag:s23] =	ssyncset.done $0x0  }
0xa6: {  	s25 =	simm.s32 $0x1B8E;
	s24 =	sld [smem:$0x3FFE];
	[sflag:s23] =	ssyncadd.s32 $0xFFFFFFFF  }
0xa7: {  	s26 =	simm.s32 $execute0_lowered;
	[smem:$0x3FD2] =	sst s25  }
0xa8: {  	s7 =	sshll.u32 s26, $0x1;
	_ =	strace $0x80000046;
	[dreg:$0x1] =	wrdreg $0xFFFFFFFF  }
0xa9: {  	s28 =	simm.s32 $_size_execute0_lowered;
	s5 =	sadd.s32 s5, s7;
	[dreg:$0x0] =	wrdreg $0x0  }
0xaa: {  	s7 =	sshll.u32 s28, $0x1;
	[dreg:$0x2] =	wrdreg s5  }
0xab: {  	[dreg:$0x3] =	wrdreg s7  }
0xac: {  	[dreg:$0x4] =	wrdreg $0xC0  }
0xad: {  	_ =	task [dreg:s9], $0x5FFFF  }
0xae: {  	[dreg:$0x1] =	wrdreg $0xFFFFFFFF  }
0xaf: {  	[dreg:$0x0] =	wrdreg $0x60  }
0xb0: {  	[dreg:$0x2] =	wrdreg s24  }
0xb1: {  	[dreg:$0x3] =	wrdreg s2  }
0xb2: {  	[dreg:$0x4] =	wrdreg s18  }
0xb3: {  	[dreg:$0x5] =	wrdreg s4  }
0xb4: {  	[dreg:$0x6] =	wrdreg $0x9  }
0xb5: {  	_ =	task.clear_ibuf [dreg:s9], $0x7FFFF;
	_ =	strace $0x90000046  }
0xb6: {  	s29 =	simm.s32 $0x9;
	_ =	strace $0x80000048  }
0xb7: {  	_ =	swait.ge [sflag:s29], $0x1  }
0xb8: {  	[sflag:s29] =	ssyncadd.s32 $0xFFFFFFFF  }
0xb9: {  	_ =	strace $0x90000048  }
0xba: {  	_ =	sfence  }
0xbb: {  	s30 =	sld [smem:$0x0];
	_ =	sdelay $0x2  }
0xbc: {  	s31 =	sshll.u32 s1, $0xD;
	s1 =	sshrl.u32 s1, $0x2  }
0xbd: {  	s3 =	sand.u32 $0x4000, s31;
	s1 =	sadd.s32 s1, s30  }
0xbe: {  	s0 =	sor.u32 s3, s0;
	s1 =	sshll.u32 s1, $0x11  }
0xbf: {  	s0 =	sor.u32 s1, s0  }
0xc0: {  	s0 =	sadd.s32 $0x8F2B, s0  }
0xc1: {  	[sflag:s0] =	ssyncadd.remote.s32 $0x1  }
0xc2: {  	_ =	sfence.sel $0xFFFF  }
0xc3: {  	[dreg:$0x0] =	wrdreg $0xFFFFFFFF;
	(pc) =	sbr.abs _section_cstart, $3  }
0xc4: {  	[dreg:$0x1] =	wrdreg $0xFFFFFFFF  }
0xc5: {  	_ =	task.clear_ibuf [dreg:s9], $0x2FFFF;
	_ =	strace $0x9FFFFFFF  }
0xc6: {  	(tm) =	ssettm $0x7FFFFFFF  }
0xc7: {  	_ =	shalt  }
tec
execute0_lowered:
.L_overlay_start_1:
0x0: {  	(tag) =	ssettag $0x1  }
0x1: {  	s0 =	rddreg [dreg:$0x0]  }
0x2: {  	s2 =	srdreg.scid;
	s3 =	stileid.u32  }
0x3: {  	s1 =	rddreg [dreg:$0x1];
	s2 =	sand.u32 $0x1, s2;
	s3 =	sshll.u32 s3, $0x1  }
0x4: {  	s4 =	rddreg [dreg:$0x3];
	s3 =	sor.u32 s2, s3  }
0x5: {  	s5 =	simm.s32 $0x0;
	s2 =	ssub.s32 $0x2, s2;
	s6 =	smul.u32 $0x380, s3  }
.Ltmp0:
0x6: {  	s28 =	simm.s32 $0x10000;
	s7 =	sshrl.u32 s2, $0x1;
	(pc) =	sbr.rel .LBB2_1-.Ltmp0, $4  }
0x7: {  	s15 =	simm.s32 $0x80;
	s24 =	simm.s32 $0x14000;
	s2 =	ssub.s32 s2, s7  }
0x8: {  	[smem:$0x7FF] =	sst s5;
	s0 =	sadd.s32 s6, s0;
	s31 =	smax.u32 s2, $0x1  }
0x9: {  	_ =	strace $0x80000047;
	s0 =	sadd.s32 $0x400, s0;
	[dreg:$0x6] =	wrdreg s31  }
0xa: {  	s6 =	smul.u32 $0x32, s3;
	s3 =	simm.s32 $0x0;
	[dreg:$0x5] =	wrdreg s0  }
.LBB2_14:
0xb: {  	s0 =	simm.s32 $0x6  }
0xc: {  	_ =	swait.ge [sflag:s0], $0x4000  }
0xd: {  	[sflag:s0] =	ssyncset.done $0x0  }
0xe: {  	s26 =	simm.s32 $0x7;
	[sflag:s0] =	ssyncadd.s32 $0xFFFFC000  }
0xf: {  	_ =	swait.ge [sflag:s26], $0x4000  }
0x10: {  	[sflag:s26] =	ssyncset.done $0x0  }
0x11: {  	s29 =	simm.s32 $0x8;
	[sflag:s26] =	ssyncadd.s32 $0xFFFFC000  }
0x12: {  	_ =	swait.ge [sflag:s29], $0x4000  }
0x13: {  	[sflag:s29] =	ssyncset.done $0x0  }
0x14: {  	s30 =	simm.s32 $0x9;
	[sflag:s29] =	ssyncadd.s32 $0xFFFFC000  }
0x15: {  	_ =	swait.ge [sflag:s30], $0x4000  }
0x16: {  	[sflag:s30] =	ssyncset.done $0x0  }
0x17: {  	s2 =	simm.s32 $0xA;
	[sflag:s30] =	ssyncadd.s32 $0xFFFFC000  }
0x18: {  	_ =	swait.ge [sflag:s2], $0x4000  }
0x19: {  	s3 =	rddreg [dreg:$0x7]  }
0x1a: {  	s31 =	rddreg [dreg:$0x6];
	s3 =	sadd.s32 $0x1, s3  }
0x1b: {  	p0 =	sne.s32 s3, s31  }
.Ltmp1:
0x1c: {  	_ = 	snop;
	(pc) =	sbr.rel @!p0 .LBB2_15-.Ltmp1, $3  }
0x1d: {  	_ =	sdelay $0x1  }
0x1e: {  	[sflag:s2] =	ssyncset.done $0x0  }
0x1f: {  	[sflag:s2] =	ssyncadd.s32 $0xFFFFC000  }
.LBB2_1:
0x20: {  	[dreg:$0x7] =	wrdreg s3  }
0x21: {  	s0 =	rddreg [dreg:$0x5];
	s2 =	simm.s32 $0xB  }
0x22: {  	[tilespmem:s5], [sflag:$0xB] =	stream.linear.gather [hbm4b:s0+s5], $0x1900, $0x38;
	[tilespmem:$0x1C000] =	vst v63  }
0x23: {  	_ =	swait.ge [sflag:s2], $0x1900  }
0x24: {  	[sflag:s2] =	ssyncset.done $0x0  }
0x25: {  	[sflag:s2] =	ssyncadd.s32 $0xFFFFE700  }
0x26: {  	s23 =	simm.s32 $0x1C00;
	s22 =	rddreg [dreg:$0x2]  }
0x27: {  	[tilespmem:s23], [sflag:$0xB] =	stream.linear.gather [hbm4b:s22+s5], $0x6400, $0x38;
	[tilespmem:$0x1C000] =	vst v63  }
0x28: {  	_ =	swait.ge [sflag:s2], $0x6400  }
0x29: {  	[sflag:s2] =	ssyncset.done $0x0  }
0x2a: {  	s25 =	simm.s32 $0x8000;
	s26 =	simm.s32 $0xC000;
	[sflag:s2] =	ssyncadd.s32 $0xFFFF9C00  }
0x2b: {  	[tilespmem:s25], [sflag:$0x1] =	stream.indirect.gather [hbm4b:s1+s15], $0x80, s5, s15, $0xb8;
	[tilespmem:$0x1C000] =	vst v63  }
0x2c: {  	s29 =	simm.s32 $0x100;
	s30 =	simm.s32 $0x180;
	s31 =	simm.s32 $0x200  }
0x2d: {  	[tilespmem:s26], [sflag:$0x2] =	stream.indirect.gather [hbm4b:s1+s15], $0x80, s15, s15, $0xb8;
	[tilespmem:$0x1C000] =	vst v63  }
0x2e: {  	s3 =	simm.s32 $0x0;
	s0 =	simm.s32 $0x0;
	s2 =	simm.s32 $0x80  }
0x2f: {  	[tilespmem:s28], [sflag:$0x3] =	stream.indirect.gather [hbm4b:s1+s15], $0x80, s29, s15, $0xb8;
	[tilespmem:$0x1C000] =	vst v63  }
.LBB2_2:
0x30: {  	s7 =	smulhi.u32 $0x51EB851F, s0;
	_ =	sdelay $0x1  }
0x31: {  	s7 =	sshrl.u32 s7, $0x6  }
0x32: {  	s7 =	smul.u32 $0xC8, s7;
	_ =	sdelay $0x1  }
0x33: {  	s8 =	ssub.s32 s0, s7  }
0x34: {  	s11 =	simm.s32 $0x1;
	s7 =	sadd.s32 $0xFFFFFFFC, s8  }
0x35: {  	_ =	swait.ge [sflag:s11], $0x4000;
	s9 =	sadd.s32 $0x7, s7  }
0x36: {  	[sflag:s11] =	ssyncset.done $0x0;
	s10 =	sshll.u32 s9, $0x9  }
0x37: {  	[sflag:s11] =	ssyncadd.s32 $0xFFFFC000;
	p0 =	slt.u32 s9, $0xC8;
	s9 =	sadd.s32 $0xFFFE7000, s10  }
0x38: {  	s12 =	sadd.s32 $0x4, s7;
	s17 =	sadd.s32 $0x5, s7;
	s9 =	smov.u32 @p0 s10  }
0x39: {  	s19 =	sadd.s32 $0x6, s7;
	s13 =	sshll.u32 s12, $0x9;
	s18 =	sshra.s32 s9, $0x2  }
0x3a: {  	s16 =	sadd.s32 $0xFFFE7000, s13;
	p0 =	slt.u32 s12, $0xC8;
	s9 =	sshll.u32 s17, $0x9;
	v0 =	vld [tilespmem:s18+$0x1C00]  }
0x3b: {  	p1 =	slt.u32 s17, $0xC8;
	s16 =	smov.u32 @p0 s13;
	s12 =	sadd.s32 $0xFFFE7000, s9  }
0x3c: {  	s20 =	sshra.s32 s16, $0x2;
	s12 =	smov.u32 @p1 s9;
	s9 =	sshll.u32 s19, $0x9  }
0x3d: {  	p0 =	slt.u32 s19, $0xC8;
	v1 =	vld [tilespmem:s20+$0x1C00];
	s21 =	sshra.s32 s12, $0x2;
	s12 =	sadd.s32 $0xFFFE7000, s9  }
0x3e: {  	s26 =	simm.s32 $0x81F0;
	v2 =	vld [tilespmem:s21+$0x1C00];
	s12 =	smov.u32 @p0 s9  }
0x3f: {  	s9 =	sshra.s32 s12, $0x2;
	[tilespmem:s26+$0xFFFFFF90] =	vst.add.f32.msk $0xffff, v0  }
0x40: {  	v3 =	vld [tilespmem:s9+$0x1C00]  }
0x41: {  	v0 =	vld [tilespmem:s18+$0x1C10]  }
0x42: {  	[tilespmem:s26+$0xFFFFFE10] =	vst.add.f32.msk $0xffff, v1  }
0x43: {  	v1 =	vld [tilespmem:s20+$0x1C10]  }
0x44: {  	[tilespmem:s26+$0xFFFFFE90] =	vst.add.f32.msk $0xffff, v2  }
0x45: {  	v2 =	vld [tilespmem:s21+$0x1C10]  }
0x46: {  	[tilespmem:s26+$0xFFFFFF10] =	vst.add.f32.msk $0xffff, v3  }
0x47: {  	[tilespmem:s26+$0xFFFFFFA0] =	vst.add.f32.msk $0xffff, v0  }
0x48: {  	v3 =	vld [tilespmem:s9+$0x1C10]  }
0x49: {  	v0 =	vld [tilespmem:s18+$0x1C20]  }
0x4a: {  	[tilespmem:s26+$0xFFFFFE20] =	vst.add.f32.msk $0xffff, v1  }
0x4b: {  	v1 =	vld [tilespmem:s20+$0x1C20]  }
0x4c: {  	[tilespmem:s26+$0xFFFFFEA0] =	vst.add.f32.msk $0xffff, v2  }
0x4d: {  	v2 =	vld [tilespmem:s21+$0x1C20]  }
0x4e: {  	[tilespmem:s26+$0xFFFFFF20] =	vst.add.f32.msk $0xffff, v3  }
0x4f: {  	[tilespmem:s26+$0xFFFFFFB0] =	vst.add.f32.msk $0xffff, v0  }
0x50: {  	v3 =	vld [tilespmem:s9+$0x1C20]  }
0x51: {  	v0 =	vld [tilespmem:s18+$0x1C30]  }
0x52: {  	[tilespmem:s26+$0xFFFFFE30] =	vst.add.f32.msk $0xffff, v1  }
0x53: {  	v1 =	vld [tilespmem:s20+$0x1C30]  }
0x54: {  	[tilespmem:s26+$0xFFFFFEB0] =	vst.add.f32.msk $0xffff, v2  }
0x55: {  	v2 =	vld [tilespmem:s21+$0x1C30]  }
0x56: {  	[tilespmem:s26+$0xFFFFFF30] =	vst.add.f32.msk $0xffff, v3  }
0x57: {  	[tilespmem:s26+$0xFFFFFFC0] =	vst.add.f32.msk $0xffff, v0  }
0x58: {  	v3 =	vld [tilespmem:s9+$0x1C30]  }
0x59: {  	v0 =	vld [tilespmem:s18+$0x1C40]  }
0x5a: {  	[tilespmem:s26+$0xFFFFFE40] =	vst.add.f32.msk $0xffff, v1  }
0x5b: {  	v1 =	vld [tilespmem:s20+$0x1C40]  }
0x5c: {  	[tilespmem:s26+$0xFFFFFEC0] =	vst.add.f32.msk $0xffff, v2  }
0x5d: {  	v2 =	vld [tilespmem:s21+$0x1C40]  }
0x5e: {  	[tilespmem:s26+$0xFFFFFF40] =	vst.add.f32.msk $0xffff, v3  }
0x5f: {  	[tilespmem:s26+$0xFFFFFFD0] =	vst.add.f32.msk $0xffff, v0  }
0x60: {  	v3 =	vld [tilespmem:s9+$0x1C40]  }
0x61: {  	v0 =	vld [tilespmem:s18+$0x1C50]  }
0x62: {  	[tilespmem:s26+$0xFFFFFE50] =	vst.add.f32.msk $0xffff, v1  }
0x63: {  	[tilespmem:s26+$0xFFFFFED0] =	vst.add.f32.msk $0xffff, v2  }
0x64: {  	v1 =	vld [tilespmem:s21+$0x1C50]  }
0x65: {  	[tilespmem:s26+$0xFFFFFF50] =	vst.add.f32.msk $0xffff, v3  }
0x66: {  	[tilespmem:s26+$0xFFFFFFE0] =	vst.add.f32.msk $0xffff, v0  }
0x67: {  	v2 =	vld [tilespmem:s9+$0x1C50]  }
0x68: {  	v0 =	vld [tilespmem:s18+$0x1C60];
	_ =	sdelay $0x1  }
0x69: {  	s22 =	sadd.s32 $0x0, s8;
	[tilespmem:s26+$0xFFFFFEE0] =	vst.add.f32.msk $0xffff, v1  }
0x6a: {  	s23 =	sadd.s32 $0x7, s22;
	s14 =	sadd.s32 $0x5, s22;
	v1 =	vld [tilespmem:s21+$0x1C60]  }
0x6b: {  	s25 =	sadd.s32 $0x4, s22;
	s7 =	sshll.u32 s14, $0x9;
	s10 =	sshll.u32 s23, $0x9;
	[tilespmem:s26+$0xFFFFFF60] =	vst.add.f32.msk $0xffff, v2  }
0x6c: {  	s13 =	sadd.s32 $0xFFFE7000, s7;
	s16 =	sshll.u32 s25, $0x9;
	p1 =	slt.u32 s14, $0xC8;
	[tilespmem:s26+$0xFFFFFFF0] =	vst.add.f32.msk $0xffff, v0  }
0x6d: {  	s13 =	smov.u32 @p1 s7;
	p0 =	slt.u32 s23, $0xC8;
	s12 =	sadd.s32 $0xFFFE7000, s10;
	v0 =	vld [tilespmem:s20+$0x1C50]  }
0x6e: {  	s12 =	smov.u32 @p0 s10;
	p0 =	slt.u32 s25, $0xC8;
	s25 =	sshra.s32 s13, $0x2;
	v2 =	vld [tilespmem:s9+$0x1C60]  }
0x6f: {  	v4 =	vld [tilespmem:s25+$0x1C00]  }
0x70: {  	v3 =	vld [tilespmem:s18+$0x1C70]  }
0x71: {  	[tilespmem:s26+$0xFFFFFEF0] =	vst.add.f32.msk $0xffff, v1  }
0x72: {  	s18 =	sadd.s32 $0xFFFE7000, s16;
	[tilespmem:s26+$0xFFFFFE60] =	vst.add.f32.msk $0xffff, v0  }
0x73: {  	s18 =	smov.u32 @p0 s16;
	s16 =	sadd.s32 $0x6, s22;
	[tilespmem:s26+$0xFFFFFF70] =	vst.add.f32.msk $0xffff, v2  }
0x74: {  	s7 =	sshll.u32 s16, $0x9;
	v2 =	vld [tilespmem:s21+$0x1C70]  }
0x75: {  	s12 =	sshra.s32 s12, $0x2;
	p0 =	slt.u32 s16, $0xC8;
	s10 =	sadd.s32 $0xFFFE7000, s7;
	v0 =	vld [tilespmem:s20+$0x1C60]  }
0x76: {  	v1 =	vld [tilespmem:s12+$0x1C00];
	s10 =	smov.u32 @p0 s7  }
0x77: {  	[tilespmem:s26+$0x0] =	vst.add.f32.msk $0xffff, v3;
	s28 =	sshra.s32 s10, $0x2  }
0x78: {  	v5 =	vld [tilespmem:s28+$0x1C00]  }
0x79: {  	[tilespmem:s26+$0xFFFFFF00] =	vst.add.f32.msk $0xffff, v2  }
0x7a: {  	[tilespmem:s26+$0xFFFFFE70] =	vst.add.f32.msk $0xffff, v0  }
0x7b: {  	v0 =	vld [tilespmem:s9+$0x1C70]  }
0x7c: {  	s9 =	simm.s32 $0x83F0;
	v3 =	vld [tilespmem:s20+$0x1C70]  }
0x7d: {  	[tilespmem:s9+$0xFFFFFF90] =	vst.add.f32.msk $0xffff, v1  }
0x7e: {  	[tilespmem:s9+$0xFFFFFE90] =	vst.add.f32.msk $0xffff, v4  }
0x7f: {  	[tilespmem:s9+$0xFFFFFF10] =	vst.add.f32.msk $0xffff, v5  }
0x80: {  	v1 =	vld [tilespmem:s12+$0x1C10]  }
0x81: {  	v4 =	vld [tilespmem:s25+$0x1C10]  }
0x82: {  	v5 =	vld [tilespmem:s28+$0x1C10]  }
0x83: {  	s11 =	sshra.s32 s18, $0x2;
	[tilespmem:s26+$0xFFFFFE80] =	vst.add.f32.msk $0xffff, v3  }
0x84: {  	v3 =	vld [tilespmem:s11+$0x1C00]  }
0x85: {  	[tilespmem:s9+$0xFFFFFFA0] =	vst.add.f32.msk $0xffff, v1  }
0x86: {  	[tilespmem:s9+$0xFFFFFEA0] =	vst.add.f32.msk $0xffff, v4  }
0x87: {  	[tilespmem:s9+$0xFFFFFF20] =	vst.add.f32.msk $0xffff, v5  }
0x88: {  	v1 =	vld [tilespmem:s12+$0x1C20]  }
0x89: {  	v4 =	vld [tilespmem:s25+$0x1C20]  }
0x8a: {  	v5 =	vld [tilespmem:s28+$0x1C20]  }
0x8b: {  	[tilespmem:s9+$0xFFFFFE10] =	vst.add.f32.msk $0xffff, v3  }
0x8c: {  	v3 =	vld [tilespmem:s11+$0x1C10]  }
0x8d: {  	[tilespmem:s9+$0xFFFFFFB0] =	vst.add.f32.msk $0xffff, v1  }
0x8e: {  	[tilespmem:s9+$0xFFFFFEB0] =	vst.add.f32.msk $0xffff, v4  }
0x8f: {  	v1 =	vld [tilespmem:s12+$0x1C30]  }
0x90: {  	[tilespmem:s9+$0xFFFFFF30] =	vst.add.f32.msk $0xffff, v5  }
0x91: {  	v4 =	vld [tilespmem:s25+$0x1C30]  }
0x92: {  	[tilespmem:s9+$0xFFFFFE20] =	vst.add.f32.msk $0xffff, v3  }
0x93: {  	v3 =	vld [tilespmem:s11+$0x1C20]  }
0x94: {  	[tilespmem:s9+$0xFFFFFFC0] =	vst.add.f32.msk $0xffff, v1  }
0x95: {  	v1 =	vld [tilespmem:s12+$0x1C40]  }
0x96: {  	v5 =	vld [tilespmem:s28+$0x1C30]  }
0x97: {  	[tilespmem:s9+$0xFFFFFEC0] =	vst.add.f32.msk $0xffff, v4  }
0x98: {  	[tilespmem:s9+$0xFFFFFE30] =	vst.add.f32.msk $0xffff, v3  }
0x99: {  	v3 =	vld [tilespmem:s11+$0x1C30]  }
0x9a: {  	[tilespmem:s9+$0xFFFFFFD0] =	vst.add.f32.msk $0xffff, v1  }
0x9b: {  	v1 =	vld [tilespmem:s12+$0x1C50]  }
0x9c: {  	[tilespmem:s9+$0xFFFFFF40] =	vst.add.f32.msk $0xffff, v5  }
0x9d: {  	v4 =	vld [tilespmem:s25+$0x1C40]  }
0x9e: {  	[tilespmem:s9+$0xFFFFFE40] =	vst.add.f32.msk $0xffff, v3  }
0x9f: {  	v3 =	vld [tilespmem:s11+$0x1C40]  }
0xa0: {  	[tilespmem:s9+$0xFFFFFFE0] =	vst.add.f32.msk $0xffff, v1  }
0xa1: {  	v1 =	vld [tilespmem:s12+$0x1C60]  }
0xa2: {  	v5 =	vld [tilespmem:s28+$0x1C40]  }
0xa3: {  	[tilespmem:s9+$0xFFFFFED0] =	vst.add.f32.msk $0xffff, v4  }
0xa4: {  	[tilespmem:s9+$0xFFFFFE50] =	vst.add.f32.msk $0xffff, v3  }
0xa5: {  	v3 =	vld [tilespmem:s11+$0x1C50]  }
0xa6: {  	[tilespmem:s9+$0xFFFFFFF0] =	vst.add.f32.msk $0xffff, v1  }
0xa7: {  	v1 =	vld [tilespmem:s12+$0x1C70]  }
0xa8: {  	s17 =	smulhi.u32 $0x51EB851F, s31;
	[tilespmem:s9+$0xFFFFFF50] =	vst.add.f32.msk $0xffff, v5  }
0xa9: {  	s19 =	smulhi.u32 $0x51EB851F, s29;
	v4 =	vld [tilespmem:s25+$0x1C50]  }
0xaa: {  	s18 =	smulhi.u32 $0x51EB851F, s30;
	v5 =	vld [tilespmem:s28+$0x1C50]  }
0xab: {  	s7 =	sshrl.u32 s17, $0x6;
	s20 =	smulhi.u32 $0x51EB851F, s2;
	[tilespmem:s9+$0xFFFFFE60] =	vst.add.f32.msk $0xffff, v3  }
0xac: {  	s7 =	smul.u32 $0xC8, s7;
	s10 =	sshrl.u32 s18, $0x6;
	[tilespmem:s9+$0x0] =	vst.add.f32.msk $0xffff, v1  }
0xad: {  	s21 =	smul.u32 $0xC8, s10;
	s23 =	sshrl.u32 s20, $0x6;
	v1 =	vld [tilespmem:s11+$0x1C60]  }
0xae: {  	s22 =	sshrl.u32 s19, $0x6;
	s13 =	smul.u32 $0xC8, s23;
	[tilespmem:s9+$0xFFFFFEE0] =	vst.add.f32.msk $0xffff, v4  }
0xaf: {  	[tilespmem:s9+$0xFFFFFF60] =	vst.add.f32.msk $0xffff, v5;
	s12 =	smul.u32 $0xC8, s22  }
0xb0: {  	s10 =	ssub.s32 s0, s7;
	s7 =	ssub.s32 s0, s21;
	v2 =	vld [tilespmem:s25+$0x1C60]  }
0xb1: {  	s22 =	ssub.s32 s0, s13;
	s23 =	ssub.s32 s0, s12;
	s12 =	simm.s32 $0x4;
	v3 =	vld [tilespmem:s28+$0x1C60]  }
.LBB2_3:
0xb2: {  	s13 =	sadd.s32 s12, s8;
	s12 =	sadd.s32 $0x4, s12;
	[tilespmem:s9+$0xFFFFFE70] =	vst.add.f32.msk $0xffff, v1  }
0xb3: {  	s16 =	sadd.s32 $0x4, s13;
	s18 =	sadd.s32 $0x7, s13;
	p0 =	slt.u32 s12, $0x7C;
	v1 =	vld [tilespmem:s11+$0x1C70]  }
0xb4: {  	s11 =	sadd.s32 $0x5, s13;
	s14 =	sadd.s32 $0x6, s13;
	s13 =	sshll.u32 s18, $0x9;
	[tilespmem:s26+$0xFFFFFF80] =	vst.add.f32.msk $0xffff, v0  }
0xb5: {  	s26 =	sshll.u32 s16, $0x9;
	p1 =	slt.u32 s18, $0xC8;
	s18 =	sadd.s32 $0xFFFE7000, s13;
	[tilespmem:s9+$0xFFFFFEF0] =	vst.add.f32.msk $0xffff, v2  }
0xb6: {  	s17 =	sshll.u32 s11, $0x9;
	s19 =	sshll.u32 s14, $0x9;
	s18 =	smov.u32 @p1 s13;
	[tilespmem:s9+$0xFFFFFF70] =	vst.add.f32.msk $0xffff, v3  }
0xb7: {  	s20 =	sadd.s32 $0xFFFE7000, s26;
	s21 =	sadd.s32 $0xFFFE7000, s17;
	s13 =	sshra.s32 s18, $0x2;
	v2 =	vld [tilespmem:s25+$0x1C70]  }
0xb8: {  	p2 =	slt.u32 s11, $0xC8;
	p1 =	slt.u32 s16, $0xC8;
	s16 =	sadd.s32 $0xFFFE7000, s19;
	v3 =	vld [tilespmem:s13+$0x1C00]  }
0xb9: {  	s21 =	smov.u32 @p2 s17;
	s20 =	smov.u32 @p1 s26;
	p1 =	slt.u32 s14, $0xC8;
	v0 =	vld [tilespmem:s28+$0x1C70]  }
0xba: {  	s25 =	sshra.s32 s21, $0x2;
	s11 =	sshra.s32 s20, $0x2;
	s16 =	smov.u32 @p1 s19;
	[tilespmem:s9+$0xFFFFFE80] =	vst.add.f32.msk $0xffff, v1  }
0xbb: {  	s26 =	smov.u32 s9;
	s28 =	sshra.s32 s16, $0x2;
	v1 =	vld [tilespmem:s11+$0x1C00]  }
0xbc: {  	s9 =	sadd.s32 $0x200, s9;
	v4 =	vld [tilespmem:s25+$0x1C00]  }
0xbd: {  	[tilespmem:s9+$0xFFFFFF90] =	vst.add.f32.msk $0xffff, v3  }
0xbe: {  	v3 =	vld [tilespmem:s13+$0x1C10]  }
0xbf: {  	v5 =	vld [tilespmem:s28+$0x1C00]  }
0xc0: {  	[tilespmem:s9+$0xFFFFFE10] =	vst.add.f32.msk $0xffff, v1  }
0xc1: {  	[tilespmem:s9+$0xFFFFFE90] =	vst.add.f32.msk $0xffff, v4  }
0xc2: {  	v1 =	vld [tilespmem:s11+$0x1C10]  }
0xc3: {  	[tilespmem:s9+$0xFFFFFFA0] =	vst.add.f32.msk $0xffff, v3  }
0xc4: {  	v3 =	vld [tilespmem:s13+$0x1C20]  }
0xc5: {  	[tilespmem:s9+$0xFFFFFF10] =	vst.add.f32.msk $0xffff, v5  }
0xc6: {  	v4 =	vld [tilespmem:s25+$0x1C10]  }
0xc7: {  	v5 =	vld [tilespmem:s28+$0x1C10]  }
0xc8: {  	[tilespmem:s9+$0xFFFFFE20] =	vst.add.f32.msk $0xffff, v1  }
0xc9: {  	[tilespmem:s9+$0xFFFFFFB0] =	vst.add.f32.msk $0xffff, v3  }
0xca: {  	v1 =	vld [tilespmem:s13+$0x1C30]  }
0xcb: {  	[tilespmem:s9+$0xFFFFFEA0] =	vst.add.f32.msk $0xffff, v4  }
0xcc: {  	[tilespmem:s9+$0xFFFFFF20] =	vst.add.f32.msk $0xffff, v5  }
0xcd: {  	v3 =	vld [tilespmem:s11+$0x1C20]  }
0xce: {  	v4 =	vld [tilespmem:s25+$0x1C20]  }
0xcf: {  	[tilespmem:s9+$0xFFFFFFC0] =	vst.add.f32.msk $0xffff, v1  }
0xd0: {  	v1 =	vld [tilespmem:s13+$0x1C40]  }
0xd1: {  	v5 =	vld [tilespmem:s28+$0x1C20]  }
0xd2: {  	[tilespmem:s9+$0xFFFFFE30] =	vst.add.f32.msk $0xffff, v3  }
0xd3: {  	[tilespmem:s9+$0xFFFFFEB0] =	vst.add.f32.msk $0xffff, v4  }
0xd4: {  	v3 =	vld [tilespmem:s11+$0x1C30]  }
0xd5: {  	[tilespmem:s9+$0xFFFFFFD0] =	vst.add.f32.msk $0xffff, v1  }
0xd6: {  	v1 =	vld [tilespmem:s13+$0x1C50]  }
0xd7: {  	[tilespmem:s9+$0xFFFFFF30] =	vst.add.f32.msk $0xffff, v5  }
0xd8: {  	v4 =	vld [tilespmem:s25+$0x1C30]  }
0xd9: {  	v5 =	vld [tilespmem:s28+$0x1C30]  }
0xda: {  	[tilespmem:s9+$0xFFFFFE40] =	vst.add.f32.msk $0xffff, v3  }
0xdb: {  	[tilespmem:s9+$0xFFFFFFE0] =	vst.add.f32.msk $0xffff, v1  }
0xdc: {  	v1 =	vld [tilespmem:s13+$0x1C60]  }
0xdd: {  	[tilespmem:s9+$0xFFFFFEC0] =	vst.add.f32.msk $0xffff, v4  }
0xde: {  	[tilespmem:s9+$0xFFFFFF40] =	vst.add.f32.msk $0xffff, v5  }
0xdf: {  	v3 =	vld [tilespmem:s11+$0x1C40]  }
0xe0: {  	v4 =	vld [tilespmem:s25+$0x1C40]  }
0xe1: {  	[tilespmem:s9+$0xFFFFFFF0] =	vst.add.f32.msk $0xffff, v1  }
0xe2: {  	v1 =	vld [tilespmem:s13+$0x1C70]  }
0xe3: {  	v5 =	vld [tilespmem:s28+$0x1C40]  }
0xe4: {  	[tilespmem:s9+$0xFFFFFE50] =	vst.add.f32.msk $0xffff, v3  }
0xe5: {  	[tilespmem:s9+$0xFFFFFED0] =	vst.add.f32.msk $0xffff, v4  }
0xe6: {  	v3 =	vld [tilespmem:s11+$0x1C50]  }
0xe7: {  	[tilespmem:s9+$0x0] =	vst.add.f32.msk $0xffff, v1  }
0xe8: {  	[tilespmem:s9+$0xFFFFFF50] =	vst.add.f32.msk $0xffff, v5  }
0xe9: {  	v4 =	vld [tilespmem:s25+$0x1C50]  }
0xea: {  	v5 =	vld [tilespmem:s28+$0x1C50]  }
0xeb: {  	[tilespmem:s9+$0xFFFFFE60] =	vst.add.f32.msk $0xffff, v3  }
0xec: {  	v1 =	vld [tilespmem:s11+$0x1C60]  }
.Ltmp2:
0xed: {  	[tilespmem:s26+$0xFFFFFF00] =	vst.add.f32.msk $0xffff, v2;
	(pc) =	sbr.rel @p0 .LBB2_3-.Ltmp2, $4  }
0xee: {  	[tilespmem:s9+$0xFFFFFEE0] =	vst.add.f32.msk $0xffff, v4  }
0xef: {  	[tilespmem:s9+$0xFFFFFF60] =	vst.add.f32.msk $0xffff, v5  }
0xf0: {  	v2 =	vld [tilespmem:s25+$0x1C60]  }
0xf1: {  	v3 =	vld [tilespmem:s28+$0x1C60]  }
0xf2: {  	_ = 	snop  }
0xf3: {  	[tilespmem:s9+$0xFFFFFE70] =	vst.add.f32.msk $0xffff, v1  }
0xf4: {  	v1 =	vld [tilespmem:s11+$0x1C70]  }
0xf5: {  	[tilespmem:s9+$0xFFFFFEF0] =	vst.add.f32.msk $0xffff, v2  }
0xf6: {  	[tilespmem:s9+$0xFFFFFF70] =	vst.add.f32.msk $0xffff, v3  }
0xf7: {  	v2 =	vld [tilespmem:s25+$0x1C70]  }
0xf8: {  	v3 =	vld [tilespmem:s28+$0x1C70]  }
0xf9: {  	s17 =	simm.s32 $0x8000;
	s19 =	sadd.s32 $0xFFFFFFFC, s22;
	s25 =	smul.u32 $0x5, s3  }
0xfa: {  	[tilespmem:s26+$0xFFFFFF80] =	vst.add.f32.msk $0xffff, v0;
	p0 =	seq.s32 s3, $0x0;
	s13 =	simm.s32 $0x2;
	s20 =	sadd.s32 $0x87, s19  }
0xfb: {  	s14 =	sadd.s32 $0x84, s19;
	s21 =	sadd.s32 $0x85, s19;
	[tilespmem:s9+$0xFFFFFE80] =	vst.add.f32.msk $0xffff, v1;
	s8 =	sadd.s32 s6, s25  }
0xfc: {  	s12 =	sshll.u32 s20, $0x9;
	p1 =	slt.u32 s20, $0xC8;
	s8 =	sshll.u32 s8, $0xB;
	[tilespmem:s9+$0xFFFFFF00] =	vst.add.f32.msk $0xffff, v2  }
0xfd: {  	s16 =	sshll.u32 s14, $0x9;
	s8 =	sadd.s32 s4, s8;
	[tilespmem:s9+$0xFFFFFF80] =	vst.add.f32.msk $0xffff, v3;
	s9 =	simm.s32 @!p0 $0x9  }
0xfe: {  	[hbm4b:s8+s5] =	stream.linear.scatter [tilespmem:s17], [sflag:$0x6], $0x4000, $0x38;
	[tilespmem:$0x1C000] =	vst v63  }
0xff: {  	p2 =	slt.u32 s21, $0xC8;
	s11 =	sadd.s32 $0xFFFE7000, s12;
	_ =	swait.ge @!p0 [sflag:s9], $0x4000  }
0x100: {  	s11 =	smov.u32 @p1 s12;
	s8 =	sadd.s32 $0x3, s25;
	[sflag:s9] =	ssyncset.done @!p0 $0x0  }
0x101: {  	p1 =	slt.u32 s14, $0xC8;
	s18 =	sshll.u32 s8, $0x7;
	[sflag:s9] =	ssyncadd.s32 @!p0 $0xFFFFC000  }
0x102: {  	[tilespmem:s24], [sflag:$0x4] =	stream.indirect.gather [hbm4b:s1+s15], $0x80, s18, s15, $0xb8;
	[tilespmem:$0x1C000] =	vst v63  }
0x103: {  	s12 =	sadd.s32 $0x86, s19;
	s17 =	sadd.s32 $0xFFFE7000, s16;
	_ =	swait.ge [sflag:s13], $0x4000  }
0x104: {  	s24 =	sshra.s32 s11, $0x2;
	s11 =	sshll.u32 s21, $0x9;
	[sflag:s13] =	ssyncset.done $0x0  }
0x105: {  	s17 =	smov.u32 @p1 s16;
	s14 =	sadd.s32 $0xFFFE7000, s11;
	[sflag:s13] =	ssyncadd.s32 $0xFFFFC000  }
0x106: {  	s17 =	sshra.s32 s17, $0x2;
	s14 =	smov.u32 @p2 s11;
	s11 =	sshll.u32 s12, $0x9;
	v0 =	vld [tilespmem:s24+$0x1C00]  }
0x107: {  	p1 =	slt.u32 s12, $0xC8;
	s18 =	sshra.s32 s14, $0x2;
	s14 =	sadd.s32 $0xFFFE7000, s11;
	v1 =	vld [tilespmem:s17+$0x1C00]  }
0x108: {  	v2 =	vld [tilespmem:s18+$0x1C00];
	s14 =	smov.u32 @p1 s11  }
0x109: {  	s11 =	sshra.s32 s14, $0x2  }
0x10a: {  	s26 =	simm.s32 $0xC1F0;
	v3 =	vld [tilespmem:s11+$0x1C00]  }
0x10b: {  	[tilespmem:s26+$0xFFFFFF90] =	vst.add.f32.msk $0xffff, v0  }
0x10c: {  	[tilespmem:s26+$0xFFFFFE10] =	vst.add.f32.msk $0xffff, v1  }
0x10d: {  	[tilespmem:s26+$0xFFFFFE90] =	vst.add.f32.msk $0xffff, v2  }
0x10e: {  	v0 =	vld [tilespmem:s24+$0x1C10]  }
0x10f: {  	v1 =	vld [tilespmem:s17+$0x1C10]  }
0x110: {  	v2 =	vld [tilespmem:s18+$0x1C10]  }
0x111: {  	[tilespmem:s26+$0xFFFFFF10] =	vst.add.f32.msk $0xffff, v3  }
0x112: {  	v3 =	vld [tilespmem:s11+$0x1C10]  }
0x113: {  	[tilespmem:s26+$0xFFFFFFA0] =	vst.add.f32.msk $0xffff, v0  }
0x114: {  	[tilespmem:s26+$0xFFFFFE20] =	vst.add.f32.msk $0xffff, v1  }
0x115: {  	[tilespmem:s26+$0xFFFFFEA0] =	vst.add.f32.msk $0xffff, v2  }
0x116: {  	v0 =	vld [tilespmem:s24+$0x1C20]  }
0x117: {  	v1 =	vld [tilespmem:s17+$0x1C20]  }
0x118: {  	v2 =	vld [tilespmem:s18+$0x1C20]  }
0x119: {  	[tilespmem:s26+$0xFFFFFF20] =	vst.add.f32.msk $0xffff, v3  }
0x11a: {  	v3 =	vld [tilespmem:s11+$0x1C20]  }
0x11b: {  	[tilespmem:s26+$0xFFFFFFB0] =	vst.add.f32.msk $0xffff, v0  }
0x11c: {  	[tilespmem:s26+$0xFFFFFE30] =	vst.add.f32.msk $0xffff, v1  }
0x11d: {  	[tilespmem:s26+$0xFFFFFEB0] =	vst.add.f32.msk $0xffff, v2  }
0x11e: {  	v0 =	vld [tilespmem:s24+$0x1C30]  }
0x11f: {  	v1 =	vld [tilespmem:s17+$0x1C30]  }
0x120: {  	v2 =	vld [tilespmem:s18+$0x1C30]  }
0x121: {  	[tilespmem:s26+$0xFFFFFF30] =	vst.add.f32.msk $0xffff, v3  }
0x122: {  	v3 =	vld [tilespmem:s11+$0x1C30]  }
0x123: {  	[tilespmem:s26+$0xFFFFFFC0] =	vst.add.f32.msk $0xffff, v0  }
0x124: {  	[tilespmem:s26+$0xFFFFFE40] =	vst.add.f32.msk $0xffff, v1  }
0x125: {  	[tilespmem:s26+$0xFFFFFEC0] =	vst.add.f32.msk $0xffff, v2  }
0x126: {  	v0 =	vld [tilespmem:s24+$0x1C40]  }
0x127: {  	v1 =	vld [tilespmem:s17+$0x1C40]  }
0x128: {  	v2 =	vld [tilespmem:s18+$0x1C40]  }
0x129: {  	[tilespmem:s26+$0xFFFFFF40] =	vst.add.f32.msk $0xffff, v3  }
0x12a: {  	v3 =	vld [tilespmem:s11+$0x1C40]  }
0x12b: {  	[tilespmem:s26+$0xFFFFFFD0] =	vst.add.f32.msk $0xffff, v0  }
0x12c: {  	[tilespmem:s26+$0xFFFFFE50] =	vst.add.f32.msk $0xffff, v1  }
0x12d: {  	v0 =	vld [tilespmem:s24+$0x1C50]  }
0x12e: {  	[tilespmem:s26+$0xFFFFFED0] =	vst.add.f32.msk $0xffff, v2  }
0x12f: {  	v1 =	vld [tilespmem:s18+$0x1C50]  }
0x130: {  	[tilespmem:s26+$0xFFFFFF50] =	vst.add.f32.msk $0xffff, v3  }
0x131: {  	v2 =	vld [tilespmem:s11+$0x1C50]  }
0x132: {  	[tilespmem:s26+$0xFFFFFFE0] =	vst.add.f32.msk $0xffff, v0  }
0x133: {  	v0 =	vld [tilespmem:s24+$0x1C60];
	_ =	sdelay $0x1  }
0x134: {  	[tilespmem:s26+$0xFFFFFEE0] =	vst.add.f32.msk $0xffff, v1  }
0x135: {  	v1 =	vld [tilespmem:s18+$0x1C60]  }
0x136: {  	[tilespmem:s26+$0xFFFFFF60] =	vst.add.f32.msk $0xffff, v2  }
0x137: {  	[tilespmem:s26+$0xFFFFFFF0] =	vst.add.f32.msk $0xffff, v0  }
0x138: {  	v0 =	vld [tilespmem:s17+$0x1C50]  }
0x139: {  	v2 =	vld [tilespmem:s11+$0x1C60]  }
0x13a: {  	[tilespmem:s26+$0xFFFFFEF0] =	vst.add.f32.msk $0xffff, v1  }
0x13b: {  	v3 =	vld [tilespmem:s24+$0x1C70];
	s24 =	sadd.s32 $0x0, s22  }
0x13c: {  	v1 =	vld [tilespmem:s18+$0x1C70];
	s19 =	sadd.s32 $0x87, s24  }
0x13d: {  	s21 =	sadd.s32 $0x85, s24;
	s12 =	sshll.u32 s19, $0x9;
	[tilespmem:s26+$0xFFFFFE60] =	vst.add.f32.msk $0xffff, v0  }
0x13e: {  	p1 =	slt.u32 s19, $0xC8;
	s9 =	sshll.u32 s21, $0x9;
	s14 =	sadd.s32 $0xFFFE7000, s12;
	v0 =	vld [tilespmem:s17+$0x1C60]  }
0x13f: {  	[tilespmem:s26+$0xFFFFFF70] =	vst.add.f32.msk $0xffff, v2;
	p2 =	slt.u32 s21, $0xC8;
	s16 =	sadd.s32 $0xFFFE7000, s9;
	s14 =	smov.u32 @p1 s12  }
0x140: {  	s16 =	smov.u32 @p2 s9;
	[tilespmem:s26+$0x0] =	vst.add.f32.msk $0xffff, v3;
	s14 =	sshra.s32 s14, $0x2  }
0x141: {  	s28 =	sshra.s32 s16, $0x2;
	v2 =	vld [tilespmem:s14+$0x1C00]  }
0x142: {  	v4 =	vld [tilespmem:s28+$0x1C00]  }
0x143: {  	[tilespmem:s26+$0xFFFFFE70] =	vst.add.f32.msk $0xffff, v0  }
0x144: {  	v0 =	vld [tilespmem:s11+$0x1C70]  }
0x145: {  	s9 =	simm.s32 $0xC3F0;
	v3 =	vld [tilespmem:s17+$0x1C70]  }
0x146: {  	s20 =	sadd.s32 $0x84, s24;
	[tilespmem:s9+$0xFFFFFF90] =	vst.add.f32.msk $0xffff, v2  }
0x147: {  	s24 =	sadd.s32 $0x86, s24;
	s17 =	sshll.u32 s20, $0x9;
	[tilespmem:s9+$0xFFFFFE90] =	vst.add.f32.msk $0xffff, v4  }
0x148: {  	s13 =	sshll.u32 s24, $0x9;
	p1 =	slt.u32 s20, $0xC8;
	s18 =	sadd.s32 $0xFFFE7000, s17;
	v2 =	vld [tilespmem:s14+$0x1C10]  }
0x149: {  	s16 =	sadd.s32 $0xFFFE7000, s13;
	v4 =	vld [tilespmem:s28+$0x1C10];
	s18 =	smov.u32 @p1 s17;
	p1 =	slt.u32 s24, $0xC8  }
0x14a: {  	s12 =	sshra.s32 s18, $0x2;
	s16 =	smov.u32 @p1 s13;
	[tilespmem:s26+$0xFFFFFE80] =	vst.add.f32.msk $0xffff, v3  }
0x14b: {  	s11 =	sshra.s32 s16, $0x2;
	v3 =	vld [tilespmem:s12+$0x1C00]  }
0x14c: {  	v5 =	vld [tilespmem:s11+$0x1C00]  }
0x14d: {  	[tilespmem:s9+$0xFFFFFFA0] =	vst.add.f32.msk $0xffff, v2  }
0x14e: {  	[tilespmem:s9+$0xFFFFFEA0] =	vst.add.f32.msk $0xffff, v4  }
0x14f: {  	v2 =	vld [tilespmem:s14+$0x1C20]  }
0x150: {  	v4 =	vld [tilespmem:s28+$0x1C20]  }
0x151: {  	[tilespmem:s9+$0xFFFFFE10] =	vst.add.f32.msk $0xffff, v3  }
0x152: {  	[tilespmem:s9+$0xFFFFFF10] =	vst.add.f32.msk $0xffff, v5  }
0x153: {  	v3 =	vld [tilespmem:s12+$0x1C10]  }
0x154: {  	v5 =	vld [tilespmem:s11+$0x1C10]  }
0x155: {  	[tilespmem:s9+$0xFFFFFFB0] =	vst.add.f32.msk $0xffff, v2  }
0x156: {  	[tilespmem:s9+$0xFFFFFEB0] =	vst.add.f32.msk $0xffff, v4  }
0x157: {  	v2 =	vld [tilespmem:s14+$0x1C30]  }
0x158: {  	v4 =	vld [tilespmem:s28+$0x1C30]  }
0x159: {  	[tilespmem:s9+$0xFFFFFE20] =	vst.add.f32.msk $0xffff, v3  }
0x15a: {  	[tilespmem:s9+$0xFFFFFF20] =	vst.add.f32.msk $0xffff, v5  }
0x15b: {  	v3 =	vld [tilespmem:s12+$0x1C20]  }
0x15c: {  	[tilespmem:s9+$0xFFFFFFC0] =	vst.add.f32.msk $0xffff, v2  }
0x15d: {  	v2 =	vld [tilespmem:s14+$0x1C40]  }
0x15e: {  	v5 =	vld [tilespmem:s11+$0x1C20]  }
0x15f: {  	[tilespmem:s9+$0xFFFFFEC0] =	vst.add.f32.msk $0xffff, v4  }
0x160: {  	[tilespmem:s9+$0xFFFFFE30] =	vst.add.f32.msk $0xffff, v3  }
0x161: {  	v3 =	vld [tilespmem:s12+$0x1C30]  }
0x162: {  	[tilespmem:s9+$0xFFFFFFD0] =	vst.add.f32.msk $0xffff, v2  }
0x163: {  	v2 =	vld [tilespmem:s14+$0x1C50]  }
0x164: {  	[tilespmem:s9+$0xFFFFFF30] =	vst.add.f32.msk $0xffff, v5  }
0x165: {  	v5 =	vld [tilespmem:s11+$0x1C30]  }
0x166: {  	v4 =	vld [tilespmem:s28+$0x1C40]  }
0x167: {  	[tilespmem:s9+$0xFFFFFE40] =	vst.add.f32.msk $0xffff, v3  }
0x168: {  	[tilespmem:s9+$0xFFFFFFE0] =	vst.add.f32.msk $0xffff, v2  }
0x169: {  	v2 =	vld [tilespmem:s14+$0x1C60]  }
0x16a: {  	[tilespmem:s9+$0xFFFFFF40] =	vst.add.f32.msk $0xffff, v5  }
0x16b: {  	v3 =	vld [tilespmem:s12+$0x1C40]  }
0x16c: {  	v5 =	vld [tilespmem:s11+$0x1C40]  }
0x16d: {  	[tilespmem:s9+$0xFFFFFED0] =	vst.add.f32.msk $0xffff, v4  }
0x16e: {  	[tilespmem:s9+$0xFFFFFFF0] =	vst.add.f32.msk $0xffff, v2  }
0x16f: {  	v2 =	vld [tilespmem:s14+$0x1C70]  }
0x170: {  	[tilespmem:s9+$0xFFFFFE50] =	vst.add.f32.msk $0xffff, v3  }
0x171: {  	[tilespmem:s9+$0xFFFFFF50] =	vst.add.f32.msk $0xffff, v5  }
0x172: {  	v3 =	vld [tilespmem:s12+$0x1C50]  }
0x173: {  	v4 =	vld [tilespmem:s11+$0x1C50]  }
0x174: {  	[tilespmem:s9+$0x0] =	vst.add.f32.msk $0xffff, v2  }
0x175: {  	v2 =	vld [tilespmem:s28+$0x1C50]  }
0x176: {  	[tilespmem:s26+$0xFFFFFF00] =	vst.add.f32.msk $0xffff, v1  }
0x177: {  	[tilespmem:s9+$0xFFFFFE60] =	vst.add.f32.msk $0xffff, v3  }
0x178: {  	v3 =	vld [tilespmem:s12+$0x1C60]  }
0x179: {  	[tilespmem:s9+$0xFFFFFF60] =	vst.add.f32.msk $0xffff, v4  }
0x17a: {  	[tilespmem:s9+$0xFFFFFEE0] =	vst.add.f32.msk $0xffff, v2  }
0x17b: {  	v2 =	vld [tilespmem:s28+$0x1C60]  }
0x17c: {  	s13 =	sadd.s32 $0x1, s25;
	s16 =	simm.s32 $0x4;
	v1 =	vld [tilespmem:s11+$0x1C60]  }
.LBB2_5:
0x17d: {  	s14 =	sadd.s32 s16, s22;
	s16 =	sadd.s32 $0x4, s16;
	[tilespmem:s9+$0xFFFFFE70] =	vst.add.f32.msk $0xffff, v3  }
0x17e: {  	s17 =	sadd.s32 $0x84, s14;
	s18 =	sadd.s32 $0x87, s14;
	p1 =	slt.u32 s16, $0x7C;
	v3 =	vld [tilespmem:s12+$0x1C70]  }
0x17f: {  	s12 =	sadd.s32 $0x85, s14;
	s14 =	sadd.s32 $0x86, s14;
	s19 =	sshll.u32 s18, $0x9;
	[tilespmem:s26+$0xFFFFFF80] =	vst.add.f32.msk $0xffff, v0  }
0x180: {  	s20 =	sshll.u32 s17, $0x9;
	p2 =	slt.u32 s18, $0xC8;
	s18 =	sadd.s32 $0xFFFE7000, s19;
	[tilespmem:s9+$0xFFFFFEF0] =	vst.add.f32.msk $0xffff, v2  }
0x181: {  	s21 =	sshll.u32 s12, $0x9;
	s26 =	sshll.u32 s14, $0x9;
	s18 =	smov.u32 @p2 s19;
	[tilespmem:s9+$0xFFFFFF70] =	vst.add.f32.msk $0xffff, v1  }
0x182: {  	s24 =	sadd.s32 $0xFFFE7000, s21;
	s19 =	sadd.s32 $0xFFFE7000, s20;
	s18 =	sshra.s32 s18, $0x2;
	v1 =	vld [tilespmem:s28+$0x1C70]  }
0x183: {  	p3 =	slt.u32 s12, $0xC8;
	p2 =	slt.u32 s17, $0xC8;
	s17 =	sadd.s32 $0xFFFE7000, s26;
	v2 =	vld [tilespmem:s18+$0x1C00]  }
0x184: {  	s24 =	smov.u32 @p3 s21;
	s19 =	smov.u32 @p2 s20;
	p2 =	slt.u32 s14, $0xC8;
	v0 =	vld [tilespmem:s11+$0x1C70]  }
0x185: {  	s28 =	sshra.s32 s24, $0x2;
	s12 =	sshra.s32 s19, $0x2;
	s17 =	smov.u32 @p2 s26;
	[tilespmem:s9+$0xFFFFFE80] =	vst.add.f32.msk $0xffff, v3  }
0x186: {  	s26 =	smov.u32 s9;
	s11 =	sshra.s32 s17, $0x2;
	v3 =	vld [tilespmem:s12+$0x1C00]  }
0x187: {  	s9 =	sadd.s32 $0x200, s9;
	v4 =	vld [tilespmem:s28+$0x1C00]  }
0x188: {  	[tilespmem:s9+$0xFFFFFF90] =	vst.add.f32.msk $0xffff, v2  }
0x189: {  	v2 =	vld [tilespmem:s18+$0x1C10]  }
0x18a: {  	v5 =	vld [tilespmem:s11+$0x1C00]  }
0x18b: {  	[tilespmem:s9+$0xFFFFFE10] =	vst.add.f32.msk $0xffff, v3  }
0x18c: {  	[tilespmem:s9+$0xFFFFFE90] =	vst.add.f32.msk $0xffff, v4  }
0x18d: {  	v3 =	vld [tilespmem:s12+$0x1C10]  }
0x18e: {  	[tilespmem:s9+$0xFFFFFFA0] =	vst.add.f32.msk $0xffff, v2  }
0x18f: {  	v2 =	vld [tilespmem:s18+$0x1C20]  }
0x190: {  	[tilespmem:s9+$0xFFFFFF10] =	vst.add.f32.msk $0xffff, v5  }
0x191: {  	v4 =	vld [tilespmem:s28+$0x1C10]  }
0x192: {  	v5 =	vld [tilespmem:s11+$0x1C10]  }
0x193: {  	[tilespmem:s9+$0xFFFFFE20] =	vst.add.f32.msk $0xffff, v3  }
0x194: {  	[tilespmem:s9+$0xFFFFFFB0] =	vst.add.f32.msk $0xffff, v2  }
0x195: {  	v2 =	vld [tilespmem:s18+$0x1C30]  }
0x196: {  	[tilespmem:s9+$0xFFFFFEA0] =	vst.add.f32.msk $0xffff, v4  }
0x197: {  	[tilespmem:s9+$0xFFFFFF20] =	vst.add.f32.msk $0xffff, v5  }
0x198: {  	v3 =	vld [tilespmem:s12+$0x1C20]  }
0x199: {  	v4 =	vld [tilespmem:s28+$0x1C20]  }
0x19a: {  	[tilespmem:s9+$0xFFFFFFC0] =	vst.add.f32.msk $0xffff, v2  }
0x19b: {  	v2 =	vld [tilespmem:s18+$0x1C40]  }
0x19c: {  	v5 =	vld [tilespmem:s11+$0x1C20]  }
0x19d: {  	[tilespmem:s9+$0xFFFFFE30] =	vst.add.f32.msk $0xffff, v3  }
0x19e: {  	[tilespmem:s9+$0xFFFFFEB0] =	vst.add.f32.msk $0xffff, v4  }
0x19f: {  	v3 =	vld [tilespmem:s12+$0x1C30]  }
0x1a0: {  	[tilespmem:s9+$0xFFFFFFD0] =	vst.add.f32.msk $0xffff, v2  }
0x1a1: {  	v2 =	vld [tilespmem:s18+$0x1C50]  }
0x1a2: {  	[tilespmem:s9+$0xFFFFFF30] =	vst.add.f32.msk $0xffff, v5  }
0x1a3: {  	v4 =	vld [tilespmem:s28+$0x1C30]  }
0x1a4: {  	v5 =	vld [tilespmem:s11+$0x1C30]  }
0x1a5: {  	[tilespmem:s9+$0xFFFFFE40] =	vst.add.f32.msk $0xffff, v3  }
0x1a6: {  	[tilespmem:s9+$0xFFFFFFE0] =	vst.add.f32.msk $0xffff, v2  }
0x1a7: {  	v2 =	vld [tilespmem:s18+$0x1C60]  }
0x1a8: {  	[tilespmem:s9+$0xFFFFFEC0] =	vst.add.f32.msk $0xffff, v4  }
0x1a9: {  	[tilespmem:s9+$0xFFFFFF40] =	vst.add.f32.msk $0xffff, v5  }
0x1aa: {  	v3 =	vld [tilespmem:s12+$0x1C40]  }
0x1ab: {  	v4 =	vld [tilespmem:s28+$0x1C40]  }
0x1ac: {  	[tilespmem:s9+$0xFFFFFFF0] =	vst.add.f32.msk $0xffff, v2  }
0x1ad: {  	v2 =	vld [tilespmem:s18+$0x1C70]  }
0x1ae: {  	v5 =	vld [tilespmem:s11+$0x1C40]  }
0x1af: {  	[tilespmem:s9+$0xFFFFFE50] =	vst.add.f32.msk $0xffff, v3  }
0x1b0: {  	[tilespmem:s9+$0xFFFFFED0] =	vst.add.f32.msk $0xffff, v4  }
0x1b1: {  	v3 =	vld [tilespmem:s12+$0x1C50]  }
0x1b2: {  	[tilespmem:s9+$0x0] =	vst.add.f32.msk $0xffff, v2  }
0x1b3: {  	[tilespmem:s9+$0xFFFFFF50] =	vst.add.f32.msk $0xffff, v5  }
0x1b4: {  	v2 =	vld [tilespmem:s28+$0x1C50]  }
0x1b5: {  	v4 =	vld [tilespmem:s11+$0x1C50]  }
0x1b6: {  	[tilespmem:s9+$0xFFFFFE60] =	vst.add.f32.msk $0xffff, v3  }
0x1b7: {  	v3 =	vld [tilespmem:s12+$0x1C60]  }
.Ltmp3:
0x1b8: {  	[tilespmem:s26+$0xFFFFFF00] =	vst.add.f32.msk $0xffff, v1;
	(pc) =	sbr.rel @p1 .LBB2_5-.Ltmp3, $4  }
0x1b9: {  	[tilespmem:s9+$0xFFFFFEE0] =	vst.add.f32.msk $0xffff, v2  }
0x1ba: {  	[tilespmem:s9+$0xFFFFFF60] =	vst.add.f32.msk $0xffff, v4  }
0x1bb: {  	v2 =	vld [tilespmem:s28+$0x1C60]  }
0x1bc: {  	v1 =	vld [tilespmem:s11+$0x1C60]  }
0x1bd: {  	_ = 	snop  }
0x1be: {  	[tilespmem:s9+$0xFFFFFE70] =	vst.add.f32.msk $0xffff, v3  }
0x1bf: {  	v3 =	vld [tilespmem:s12+$0x1C70]  }
0x1c0: {  	[tilespmem:s9+$0xFFFFFEF0] =	vst.add.f32.msk $0xffff, v2  }
0x1c1: {  	[tilespmem:s9+$0xFFFFFF70] =	vst.add.f32.msk $0xffff, v1  }
0x1c2: {  	v1 =	vld [tilespmem:s28+$0x1C70]  }
0x1c3: {  	v2 =	vld [tilespmem:s11+$0x1C70];
	_ =	sdelay $0x1  }
0x1c4: {  	[tilespmem:s26+$0xFFFFFF80] =	vst.add.f32.msk $0xffff, v0;
	s14 =	simm.s32 $0xC000;
	s22 =	sadd.s32 $0x4, s25;
	s12 =	sadd.s32 s6, s13  }
0x1c5: {  	s17 =	simm.s32 $0x18000;
	s18 =	sadd.s32 $0xFFFFFFFC, s23;
	s11 =	sshll.u32 s12, $0xB;
	[tilespmem:s9+$0xFFFFFE80] =	vst.add.f32.msk $0xffff, v3  }
0x1c6: {  	s20 =	simm.s32 $0x3;
	s16 =	sshll.u32 s22, $0x7;
	s11 =	sand.u32 $0x1FFFF800, s11;
	[tilespmem:s9+$0xFFFFFF00] =	vst.add.f32.msk $0xffff, v1  }
0x1c7: {  	s19 =	sadd.s32 $0x107, s18;
	s13 =	sadd.s32 s4, s11;
	[tilespmem:s9+$0xFFFFFF80] =	vst.add.f32.msk $0xffff, v2;
	s9 =	simm.s32 @!p0 $0xA  }
0x1c8: {  	[hbm4b:s13+s5] =	stream.linear.scatter [tilespmem:s14], [sflag:$0x7], $0x4000, $0x38;
	[tilespmem:$0x1C000] =	vst v63  }
0x1c9: {  	s21 =	sadd.s32 $0x105, s18;
	s12 =	sshll.u32 s19, $0x9;
	_ =	swait.ge @!p0 [sflag:s9], $0x4000  }
0x1ca: {  	p1 =	slt.u32 s21, $0xC8;
	s11 =	sadd.s32 $0xFFFE7000, s12;
	[sflag:s9] =	ssyncset.done @!p0 $0x0  }
0x1cb: {  	s14 =	sadd.s32 $0x104, s18;
	[sflag:s9] =	ssyncadd.s32 @!p0 $0xFFFFC000;
	p0 =	slt.u32 s19, $0xC8  }
0x1cc: {  	[tilespmem:s17], [sflag:$0x5] =	stream.indirect.gather [hbm4b:s1+s15], $0x80, s16, s15, $0xb8;
	[tilespmem:$0x1C000] =	vst v63  }
0x1cd: {  	s11 =	smov.u32 @p0 s12;
	s16 =	sshll.u32 s14, $0x9;
	p0 =	slt.u32 s14, $0xC8  }
0x1ce: {  	s12 =	sadd.s32 $0x106, s18;
	_ =	swait.ge [sflag:s20], $0x4000;
	s24 =	sshra.s32 s11, $0x2  }
0x1cf: {  	s11 =	sshll.u32 s21, $0x9;
	s17 =	sadd.s32 $0xFFFE7000, s16;
	[sflag:s20] =	ssyncset.done $0x0  }
0x1d0: {  	s14 =	sadd.s32 $0xFFFE7000, s11;
	s17 =	smov.u32 @p0 s16;
	[sflag:s20] =	ssyncadd.s32 $0xFFFFC000  }
0x1d1: {  	s14 =	smov.u32 @p1 s11;
	s17 =	sshra.s32 s17, $0x2;
	s11 =	sshll.u32 s12, $0x9;
	v0 =	vld [tilespmem:s24+$0x1C00]  }
0x1d2: {  	p0 =	slt.u32 s12, $0xC8;
	s18 =	sshra.s32 s14, $0x2;
	v1 =	vld [tilespmem:s17+$0x1C00];
	s14 =	sadd.s32 $0xFFFE7000, s11  }
0x1d3: {  	s14 =	smov.u32 @p0 s11  }
0x1d4: {  	v2 =	vld [tilespmem:s18+$0x1C00];
	s11 =	sshra.s32 s14, $0x2  }
0x1d5: {  	s26 =	simm.s32 $0x101F0;
	v3 =	vld [tilespmem:s11+$0x1C00]  }
0x1d6: {  	[tilespmem:s26+$0xFFFFFF90] =	vst.add.f32.msk $0xffff, v0  }
0x1d7: {  	[tilespmem:s26+$0xFFFFFE10] =	vst.add.f32.msk $0xffff, v1  }
0x1d8: {  	v0 =	vld [tilespmem:s24+$0x1C10]  }
0x1d9: {  	[tilespmem:s26+$0xFFFFFE90] =	vst.add.f32.msk $0xffff, v2  }
0x1da: {  	v1 =	vld [tilespmem:s17+$0x1C10]  }
0x1db: {  	v2 =	vld [tilespmem:s18+$0x1C10]  }
0x1dc: {  	[tilespmem:s26+$0xFFFFFF10] =	vst.add.f32.msk $0xffff, v3  }
0x1dd: {  	v3 =	vld [tilespmem:s11+$0x1C10]  }
0x1de: {  	[tilespmem:s26+$0xFFFFFFA0] =	vst.add.f32.msk $0xffff, v0  }
0x1df: {  	[tilespmem:s26+$0xFFFFFE20] =	vst.add.f32.msk $0xffff, v1  }
0x1e0: {  	v0 =	vld [tilespmem:s24+$0x1C20]  }
0x1e1: {  	[tilespmem:s26+$0xFFFFFEA0] =	vst.add.f32.msk $0xffff, v2  }
0x1e2: {  	v1 =	vld [tilespmem:s17+$0x1C20]  }
0x1e3: {  	v2 =	vld [tilespmem:s18+$0x1C20]  }
0x1e4: {  	[tilespmem:s26+$0xFFFFFF20] =	vst.add.f32.msk $0xffff, v3  }
0x1e5: {  	v3 =	vld [tilespmem:s11+$0x1C20]  }
0x1e6: {  	[tilespmem:s26+$0xFFFFFFB0] =	vst.add.f32.msk $0xffff, v0  }
0x1e7: {  	[tilespmem:s26+$0xFFFFFE30] =	vst.add.f32.msk $0xffff, v1  }
0x1e8: {  	v0 =	vld [tilespmem:s24+$0x1C30]  }
0x1e9: {  	[tilespmem:s26+$0xFFFFFEB0] =	vst.add.f32.msk $0xffff, v2  }
0x1ea: {  	v1 =	vld [tilespmem:s17+$0x1C30]  }
0x1eb: {  	v2 =	vld [tilespmem:s18+$0x1C30]  }
0x1ec: {  	[tilespmem:s26+$0xFFFFFF30] =	vst.add.f32.msk $0xffff, v3  }
0x1ed: {  	v3 =	vld [tilespmem:s11+$0x1C30]  }
0x1ee: {  	[tilespmem:s26+$0xFFFFFFC0] =	vst.add.f32.msk $0xffff, v0  }
0x1ef: {  	[tilespmem:s26+$0xFFFFFE40] =	vst.add.f32.msk $0xffff, v1  }
0x1f0: {  	v0 =	vld [tilespmem:s24+$0x1C40]  }
0x1f1: {  	[tilespmem:s26+$0xFFFFFEC0] =	vst.add.f32.msk $0xffff, v2  }
0x1f2: {  	v1 =	vld [tilespmem:s17+$0x1C40]  }
0x1f3: {  	v2 =	vld [tilespmem:s18+$0x1C40]  }
0x1f4: {  	[tilespmem:s26+$0xFFFFFF40] =	vst.add.f32.msk $0xffff, v3  }
0x1f5: {  	v3 =	vld [tilespmem:s11+$0x1C40]  }
0x1f6: {  	[tilespmem:s26+$0xFFFFFFD0] =	vst.add.f32.msk $0xffff, v0  }
0x1f7: {  	[tilespmem:s26+$0xFFFFFE50] =	vst.add.f32.msk $0xffff, v1  }
0x1f8: {  	v0 =	vld [tilespmem:s24+$0x1C50]  }
0x1f9: {  	[tilespmem:s26+$0xFFFFFED0] =	vst.add.f32.msk $0xffff, v2  }
0x1fa: {  	v1 =	vld [tilespmem:s18+$0x1C50]  }
0x1fb: {  	[tilespmem:s26+$0xFFFFFF50] =	vst.add.f32.msk $0xffff, v3  }
0x1fc: {  	v2 =	vld [tilespmem:s11+$0x1C50]  }
0x1fd: {  	[tilespmem:s26+$0xFFFFFFE0] =	vst.add.f32.msk $0xffff, v0  }
0x1fe: {  	v0 =	vld [tilespmem:s24+$0x1C60];
	_ =	sdelay $0x1  }
0x1ff: {  	[tilespmem:s26+$0xFFFFFEE0] =	vst.add.f32.msk $0xffff, v1  }
0x200: {  	v1 =	vld [tilespmem:s18+$0x1C60]  }
0x201: {  	[tilespmem:s26+$0xFFFFFF60] =	vst.add.f32.msk $0xffff, v2  }
0x202: {  	[tilespmem:s26+$0xFFFFFFF0] =	vst.add.f32.msk $0xffff, v0  }
0x203: {  	v0 =	vld [tilespmem:s17+$0x1C50]  }
0x204: {  	v2 =	vld [tilespmem:s11+$0x1C60]  }
0x205: {  	v3 =	vld [tilespmem:s24+$0x1C70]  }
0x206: {  	s24 =	sadd.s32 $0x0, s23;
	[tilespmem:s26+$0xFFFFFEF0] =	vst.add.f32.msk $0xffff, v1  }
0x207: {  	s19 =	sadd.s32 $0x107, s24;
	v1 =	vld [tilespmem:s18+$0x1C70]  }
0x208: {  	s21 =	sadd.s32 $0x105, s24;
	s12 =	sshll.u32 s19, $0x9;
	[tilespmem:s26+$0xFFFFFE60] =	vst.add.f32.msk $0xffff, v0  }
0x209: {  	p0 =	slt.u32 s19, $0xC8;
	s9 =	sshll.u32 s21, $0x9;
	s14 =	sadd.s32 $0xFFFE7000, s12;
	v0 =	vld [tilespmem:s17+$0x1C60]  }
0x20a: {  	[tilespmem:s26+$0xFFFFFF70] =	vst.add.f32.msk $0xffff, v2;
	p1 =	slt.u32 s21, $0xC8;
	s16 =	sadd.s32 $0xFFFE7000, s9;
	s14 =	smov.u32 @p0 s12  }
0x20b: {  	s16 =	smov.u32 @p1 s9;
	[tilespmem:s26+$0x0] =	vst.add.f32.msk $0xffff, v3;
	s14 =	sshra.s32 s14, $0x2  }
0x20c: {  	s28 =	sshra.s32 s16, $0x2;
	v2 =	vld [tilespmem:s14+$0x1C00]  }
0x20d: {  	v4 =	vld [tilespmem:s28+$0x1C00]  }
0x20e: {  	[tilespmem:s26+$0xFFFFFE70] =	vst.add.f32.msk $0xffff, v0  }
0x20f: {  	v0 =	vld [tilespmem:s11+$0x1C70]  }
0x210: {  	s9 =	simm.s32 $0x103F0;
	v3 =	vld [tilespmem:s17+$0x1C70]  }
0x211: {  	s20 =	sadd.s32 $0x104, s24;
	[tilespmem:s9+$0xFFFFFF90] =	vst.add.f32.msk $0xffff, v2  }
0x212: {  	s24 =	sadd.s32 $0x106, s24;
	s17 =	sshll.u32 s20, $0x9;
	[tilespmem:s9+$0xFFFFFE90] =	vst.add.f32.msk $0xffff, v4  }
0x213: {  	s13 =	sshll.u32 s24, $0x9;
	p0 =	slt.u32 s20, $0xC8;
	s18 =	sadd.s32 $0xFFFE7000, s17;
	v2 =	vld [tilespmem:s14+$0x1C10]  }
0x214: {  	s16 =	sadd.s32 $0xFFFE7000, s13;
	v4 =	vld [tilespmem:s28+$0x1C10];
	s18 =	smov.u32 @p0 s17;
	p0 =	slt.u32 s24, $0xC8  }
0x215: {  	s12 =	sshra.s32 s18, $0x2;
	s16 =	smov.u32 @p0 s13;
	[tilespmem:s26+$0xFFFFFE80] =	vst.add.f32.msk $0xffff, v3  }
0x216: {  	s11 =	sshra.s32 s16, $0x2;
	v3 =	vld [tilespmem:s12+$0x1C00]  }
0x217: {  	v5 =	vld [tilespmem:s11+$0x1C00]  }
0x218: {  	[tilespmem:s9+$0xFFFFFFA0] =	vst.add.f32.msk $0xffff, v2  }
0x219: {  	[tilespmem:s9+$0xFFFFFEA0] =	vst.add.f32.msk $0xffff, v4  }
0x21a: {  	v2 =	vld [tilespmem:s14+$0x1C20]  }
0x21b: {  	v4 =	vld [tilespmem:s28+$0x1C20]  }
0x21c: {  	[tilespmem:s9+$0xFFFFFE10] =	vst.add.f32.msk $0xffff, v3  }
0x21d: {  	[tilespmem:s9+$0xFFFFFF10] =	vst.add.f32.msk $0xffff, v5  }
0x21e: {  	v3 =	vld [tilespmem:s12+$0x1C10]  }
0x21f: {  	v5 =	vld [tilespmem:s11+$0x1C10]  }
0x220: {  	[tilespmem:s9+$0xFFFFFFB0] =	vst.add.f32.msk $0xffff, v2  }
0x221: {  	[tilespmem:s9+$0xFFFFFEB0] =	vst.add.f32.msk $0xffff, v4  }
0x222: {  	v2 =	vld [tilespmem:s14+$0x1C30]  }
0x223: {  	v4 =	vld [tilespmem:s28+$0x1C30]  }
0x224: {  	[tilespmem:s9+$0xFFFFFE20] =	vst.add.f32.msk $0xffff, v3  }
0x225: {  	[tilespmem:s9+$0xFFFFFF20] =	vst.add.f32.msk $0xffff, v5  }
0x226: {  	v3 =	vld [tilespmem:s12+$0x1C20]  }
0x227: {  	[tilespmem:s9+$0xFFFFFFC0] =	vst.add.f32.msk $0xffff, v2  }
0x228: {  	v2 =	vld [tilespmem:s14+$0x1C40]  }
0x229: {  	v5 =	vld [tilespmem:s11+$0x1C20]  }
0x22a: {  	[tilespmem:s9+$0xFFFFFEC0] =	vst.add.f32.msk $0xffff, v4  }
0x22b: {  	[tilespmem:s9+$0xFFFFFE30] =	vst.add.f32.msk $0xffff, v3  }
0x22c: {  	v3 =	vld [tilespmem:s12+$0x1C30]  }
0x22d: {  	[tilespmem:s9+$0xFFFFFFD0] =	vst.add.f32.msk $0xffff, v2  }
0x22e: {  	v2 =	vld [tilespmem:s14+$0x1C50]  }
0x22f: {  	[tilespmem:s9+$0xFFFFFF30] =	vst.add.f32.msk $0xffff, v5  }
0x230: {  	v5 =	vld [tilespmem:s11+$0x1C30]  }
0x231: {  	v4 =	vld [tilespmem:s28+$0x1C40]  }
0x232: {  	[tilespmem:s9+$0xFFFFFE40] =	vst.add.f32.msk $0xffff, v3  }
0x233: {  	[tilespmem:s9+$0xFFFFFFE0] =	vst.add.f32.msk $0xffff, v2  }
0x234: {  	v2 =	vld [tilespmem:s14+$0x1C60]  }
0x235: {  	[tilespmem:s9+$0xFFFFFF40] =	vst.add.f32.msk $0xffff, v5  }
0x236: {  	v3 =	vld [tilespmem:s12+$0x1C40]  }
0x237: {  	v5 =	vld [tilespmem:s11+$0x1C40]  }
0x238: {  	[tilespmem:s9+$0xFFFFFED0] =	vst.add.f32.msk $0xffff, v4  }
0x239: {  	[tilespmem:s9+$0xFFFFFFF0] =	vst.add.f32.msk $0xffff, v2  }
0x23a: {  	v2 =	vld [tilespmem:s14+$0x1C70]  }
0x23b: {  	[tilespmem:s9+$0xFFFFFE50] =	vst.add.f32.msk $0xffff, v3  }
0x23c: {  	[tilespmem:s9+$0xFFFFFF50] =	vst.add.f32.msk $0xffff, v5  }
0x23d: {  	v3 =	vld [tilespmem:s12+$0x1C50]  }
0x23e: {  	v4 =	vld [tilespmem:s11+$0x1C50]  }
0x23f: {  	[tilespmem:s9+$0x0] =	vst.add.f32.msk $0xffff, v2  }
0x240: {  	v2 =	vld [tilespmem:s28+$0x1C50]  }
0x241: {  	[tilespmem:s26+$0xFFFFFF00] =	vst.add.f32.msk $0xffff, v1  }
0x242: {  	[tilespmem:s9+$0xFFFFFE60] =	vst.add.f32.msk $0xffff, v3  }
0x243: {  	v3 =	vld [tilespmem:s12+$0x1C60]  }
0x244: {  	[tilespmem:s9+$0xFFFFFF60] =	vst.add.f32.msk $0xffff, v4  }
0x245: {  	[tilespmem:s9+$0xFFFFFEE0] =	vst.add.f32.msk $0xffff, v2  }
0x246: {  	v2 =	vld [tilespmem:s28+$0x1C60]  }
0x247: {  	s13 =	sadd.s32 $0x2, s25;
	s16 =	simm.s32 $0x4;
	v1 =	vld [tilespmem:s11+$0x1C60]  }
.LBB2_7:
0x248: {  	s14 =	sadd.s32 s16, s23;
	s16 =	sadd.s32 $0x4, s16;
	[tilespmem:s9+$0xFFFFFE70] =	vst.add.f32.msk $0xffff, v3  }
0x249: {  	s17 =	sadd.s32 $0x104, s14;
	s18 =	sadd.s32 $0x107, s14;
	p0 =	slt.u32 s16, $0x7C;
	v3 =	vld [tilespmem:s12+$0x1C70]  }
0x24a: {  	s12 =	sadd.s32 $0x105, s14;
	s14 =	sadd.s32 $0x106, s14;
	s19 =	sshll.u32 s18, $0x9;
	[tilespmem:s26+$0xFFFFFF80] =	vst.add.f32.msk $0xffff, v0  }
0x24b: {  	s20 =	sshll.u32 s17, $0x9;
	p1 =	slt.u32 s18, $0xC8;
	s18 =	sadd.s32 $0xFFFE7000, s19;
	[tilespmem:s9+$0xFFFFFEF0] =	vst.add.f32.msk $0xffff, v2  }
0x24c: {  	s21 =	sshll.u32 s12, $0x9;
	s24 =	sshll.u32 s14, $0x9;
	s18 =	smov.u32 @p1 s19;
	[tilespmem:s9+$0xFFFFFF70] =	vst.add.f32.msk $0xffff, v1  }
0x24d: {  	s25 =	sadd.s32 $0xFFFE7000, s21;
	s19 =	sadd.s32 $0xFFFE7000, s20;
	s18 =	sshra.s32 s18, $0x2;
	v1 =	vld [tilespmem:s28+$0x1C70]  }
0x24e: {  	p2 =	slt.u32 s12, $0xC8;
	p1 =	slt.u32 s17, $0xC8;
	s17 =	sadd.s32 $0xFFFE7000, s24;
	v2 =	vld [tilespmem:s18+$0x1C00]  }
0x24f: {  	s25 =	smov.u32 @p2 s21;
	s19 =	smov.u32 @p1 s20;
	p1 =	slt.u32 s14, $0xC8;
	v0 =	vld [tilespmem:s11+$0x1C70]  }
0x250: {  	s28 =	sshra.s32 s25, $0x2;
	s12 =	sshra.s32 s19, $0x2;
	s17 =	smov.u32 @p1 s24;
	[tilespmem:s9+$0xFFFFFE80] =	vst.add.f32.msk $0xffff, v3  }
0x251: {  	s26 =	smov.u32 s9;
	s11 =	sshra.s32 s17, $0x2;
	v3 =	vld [tilespmem:s12+$0x1C00]  }
0x252: {  	s9 =	sadd.s32 $0x200, s9;
	v4 =	vld [tilespmem:s28+$0x1C00]  }
0x253: {  	[tilespmem:s9+$0xFFFFFF90] =	vst.add.f32.msk $0xffff, v2  }
0x254: {  	v2 =	vld [tilespmem:s18+$0x1C10]  }
0x255: {  	v5 =	vld [tilespmem:s11+$0x1C00]  }
0x256: {  	[tilespmem:s9+$0xFFFFFE10] =	vst.add.f32.msk $0xffff, v3  }
0x257: {  	[tilespmem:s9+$0xFFFFFE90] =	vst.add.f32.msk $0xffff, v4  }
0x258: {  	v3 =	vld [tilespmem:s12+$0x1C10]  }
0x259: {  	[tilespmem:s9+$0xFFFFFFA0] =	vst.add.f32.msk $0xffff, v2  }
0x25a: {  	v2 =	vld [tilespmem:s18+$0x1C20]  }
0x25b: {  	[tilespmem:s9+$0xFFFFFF10] =	vst.add.f32.msk $0xffff, v5  }
0x25c: {  	v4 =	vld [tilespmem:s28+$0x1C10]  }
0x25d: {  	v5 =	vld [tilespmem:s11+$0x1C10]  }
0x25e: {  	[tilespmem:s9+$0xFFFFFE20] =	vst.add.f32.msk $0xffff, v3  }
0x25f: {  	[tilespmem:s9+$0xFFFFFFB0] =	vst.add.f32.msk $0xffff, v2  }
0x260: {  	v2 =	vld [tilespmem:s18+$0x1C30]  }
0x261: {  	[tilespmem:s9+$0xFFFFFEA0] =	vst.add.f32.msk $0xffff, v4  }
0x262: {  	[tilespmem:s9+$0xFFFFFF20] =	vst.add.f32.msk $0xffff, v5  }
0x263: {  	v3 =	vld [tilespmem:s12+$0x1C20]  }
0x264: {  	v4 =	vld [tilespmem:s28+$0x1C20]  }
0x265: {  	[tilespmem:s9+$0xFFFFFFC0] =	vst.add.f32.msk $0xffff, v2  }
0x266: {  	v2 =	vld [tilespmem:s18+$0x1C40]  }
0x267: {  	v5 =	vld [tilespmem:s11+$0x1C20]  }
0x268: {  	[tilespmem:s9+$0xFFFFFE30] =	vst.add.f32.msk $0xffff, v3  }
0x269: {  	[tilespmem:s9+$0xFFFFFEB0] =	vst.add.f32.msk $0xffff, v4  }
0x26a: {  	v3 =	vld [tilespmem:s12+$0x1C30]  }
0x26b: {  	[tilespmem:s9+$0xFFFFFFD0] =	vst.add.f32.msk $0xffff, v2  }
0x26c: {  	v2 =	vld [tilespmem:s18+$0x1C50]  }
0x26d: {  	[tilespmem:s9+$0xFFFFFF30] =	vst.add.f32.msk $0xffff, v5  }
0x26e: {  	v4 =	vld [tilespmem:s28+$0x1C30]  }
0x26f: {  	v5 =	vld [tilespmem:s11+$0x1C30]  }
0x270: {  	[tilespmem:s9+$0xFFFFFE40] =	vst.add.f32.msk $0xffff, v3  }
0x271: {  	[tilespmem:s9+$0xFFFFFFE0] =	vst.add.f32.msk $0xffff, v2  }
0x272: {  	v2 =	vld [tilespmem:s18+$0x1C60]  }
0x273: {  	[tilespmem:s9+$0xFFFFFEC0] =	vst.add.f32.msk $0xffff, v4  }
0x274: {  	[tilespmem:s9+$0xFFFFFF40] =	vst.add.f32.msk $0xffff, v5  }
0x275: {  	v3 =	vld [tilespmem:s12+$0x1C40]  }
0x276: {  	v4 =	vld [tilespmem:s28+$0x1C40]  }
0x277: {  	[tilespmem:s9+$0xFFFFFFF0] =	vst.add.f32.msk $0xffff, v2  }
0x278: {  	v2 =	vld [tilespmem:s18+$0x1C70]  }
0x279: {  	v5 =	vld [tilespmem:s11+$0x1C40]  }
0x27a: {  	[tilespmem:s9+$0xFFFFFE50] =	vst.add.f32.msk $0xffff, v3  }
0x27b: {  	[tilespmem:s9+$0xFFFFFED0] =	vst.add.f32.msk $0xffff, v4  }
0x27c: {  	v3 =	vld [tilespmem:s12+$0x1C50]  }
0x27d: {  	[tilespmem:s9+$0x0] =	vst.add.f32.msk $0xffff, v2  }
0x27e: {  	[tilespmem:s9+$0xFFFFFF50] =	vst.add.f32.msk $0xffff, v5  }
0x27f: {  	v2 =	vld [tilespmem:s28+$0x1C50]  }
0x280: {  	v4 =	vld [tilespmem:s11+$0x1C50]  }
0x281: {  	[tilespmem:s9+$0xFFFFFE60] =	vst.add.f32.msk $0xffff, v3  }
0x282: {  	v3 =	vld [tilespmem:s12+$0x1C60]  }
.Ltmp4:
0x283: {  	[tilespmem:s26+$0xFFFFFF00] =	vst.add.f32.msk $0xffff, v1;
	(pc) =	sbr.rel @p0 .LBB2_7-.Ltmp4, $4  }
0x284: {  	[tilespmem:s9+$0xFFFFFEE0] =	vst.add.f32.msk $0xffff, v2  }
0x285: {  	[tilespmem:s9+$0xFFFFFF60] =	vst.add.f32.msk $0xffff, v4  }
0x286: {  	v2 =	vld [tilespmem:s28+$0x1C60]  }
0x287: {  	v1 =	vld [tilespmem:s11+$0x1C60]  }
0x288: {  	_ = 	snop  }
0x289: {  	[tilespmem:s9+$0xFFFFFE70] =	vst.add.f32.msk $0xffff, v3  }
0x28a: {  	v3 =	vld [tilespmem:s12+$0x1C70]  }
0x28b: {  	[tilespmem:s9+$0xFFFFFEF0] =	vst.add.f32.msk $0xffff, v2  }
0x28c: {  	[tilespmem:s9+$0xFFFFFF70] =	vst.add.f32.msk $0xffff, v1  }
0x28d: {  	v1 =	vld [tilespmem:s28+$0x1C70]  }
0x28e: {  	v2 =	vld [tilespmem:s11+$0x1C70];
	_ =	sdelay $0x1  }
0x28f: {  	[tilespmem:s26+$0xFFFFFF80] =	vst.add.f32.msk $0xffff, v0;
	s24 =	sadd.s32 s6, s13  }
0x290: {  	p0 =	seq.s32 s3, $0x9;
	s11 =	sshll.u32 s24, $0xB;
	[tilespmem:s9+$0xFFFFFE80] =	vst.add.f32.msk $0xffff, v3  }
0x291: {  	s26 =	sadd.s32 $0xFFFFFFFC, s7;
	s28 =	simm.s32 $0x10000;
	s11 =	sand.u32 $0x1FFFF800, s11;
	[tilespmem:s9+$0xFFFFFF00] =	vst.add.f32.msk $0xffff, v1  }
0x292: {  	s25 =	sadd.s32 s4, s11;
	s11 =	smul.u32 @!p0 $0xA00, s3;
	[tilespmem:s9+$0xFFFFFF80] =	vst.add.f32.msk $0xffff, v2;
	s9 =	simm.s32 @!p0 $0x6  }
0x293: {  	[hbm4b:s25+s5] =	stream.linear.scatter [tilespmem:s28], [sflag:$0x8], $0x4000, $0x38;
	[tilespmem:$0x1C000] =	vst v63  }
0x294: {  	s17 =	simm.s32 $0x4;
	s12 =	simm.s32 @!p0 $0x8000;
	_ =	swait.ge @!p0 [sflag:s9], $0x4000  }
0x295: {  	s16 =	sadd.s32 $0x187, s26;
	s23 =	sshra.s32 @!p0 s11, $0x2;
	[sflag:s9] =	ssyncset.done @!p0 $0x0  }
0x296: {  	s11 =	simm.s32 @!p0 $0x80;
	[sflag:s9] =	ssyncadd.s32 @!p0 $0xFFFFC000;
	s9 =	sadd.s32 @!p0 $0x280, s23  }
0x297: {  	[tilespmem:s12], [sflag:$0x1] =	stream.indirect.gather @!p0 [hbm4b:s1+s11], $0x80, s9, s11, $0xb8;
	[tilespmem:$0x1C000] =	vst v63  }
0x298: {  	s14 =	sadd.s32 $0x184, s26;
	s18 =	sadd.s32 $0x185, s26;
	s12 =	sshll.u32 s16, $0x9  }
0x299: {  	p1 =	slt.u32 s16, $0xC8;
	_ =	swait.ge [sflag:s17], $0x4000;
	s11 =	sadd.s32 $0xFFFE7000, s12  }
0x29a: {  	s20 =	sadd.s32 $0x186, s26;
	[sflag:s17] =	ssyncset.done $0x0;
	s11 =	smov.u32 @p1 s12  }
0x29b: {  	s16 =	sshll.u32 s14, $0x9;
	[sflag:s17] =	ssyncadd.s32 $0xFFFFC000;
	s19 =	sshra.s32 s11, $0x2  }
0x29c: {  	p1 =	slt.u32 s14, $0xC8;
	s11 =	sshll.u32 s18, $0x9;
	s17 =	sadd.s32 $0xFFFE7000, s16;
	v0 =	vld [tilespmem:s19+$0x1C00]  }
0x29d: {  	p2 =	slt.u32 s18, $0xC8;
	s14 =	sadd.s32 $0xFFFE7000, s11;
	s17 =	smov.u32 @p1 s16  }
0x29e: {  	s14 =	smov.u32 @p2 s11;
	s21 =	sshra.s32 s17, $0x2;
	s11 =	sshll.u32 s20, $0x9  }
0x29f: {  	p1 =	slt.u32 s20, $0xC8;
	s24 =	sshra.s32 s14, $0x2;
	v1 =	vld [tilespmem:s21+$0x1C00];
	s14 =	sadd.s32 $0xFFFE7000, s11  }
0x2a0: {  	s25 =	simm.s32 $0x141F0;
	v2 =	vld [tilespmem:s24+$0x1C00];
	s14 =	smov.u32 @p1 s11  }
0x2a1: {  	s11 =	sshra.s32 s14, $0x2;
	[tilespmem:s25+$0xFFFFFF90] =	vst.add.f32.msk $0xffff, v0  }
0x2a2: {  	v3 =	vld [tilespmem:s11+$0x1C00]  }
0x2a3: {  	v0 =	vld [tilespmem:s19+$0x1C10]  }
0x2a4: {  	[tilespmem:s25+$0xFFFFFE10] =	vst.add.f32.msk $0xffff, v1  }
0x2a5: {  	[tilespmem:s25+$0xFFFFFE90] =	vst.add.f32.msk $0xffff, v2  }
0x2a6: {  	v1 =	vld [tilespmem:s21+$0x1C10]  }
0x2a7: {  	v2 =	vld [tilespmem:s24+$0x1C10]  }
0x2a8: {  	[tilespmem:s25+$0xFFFFFF10] =	vst.add.f32.msk $0xffff, v3  }
0x2a9: {  	[tilespmem:s25+$0xFFFFFFA0] =	vst.add.f32.msk $0xffff, v0  }
0x2aa: {  	v3 =	vld [tilespmem:s11+$0x1C10]  }
0x2ab: {  	v0 =	vld [tilespmem:s19+$0x1C20]  }
0x2ac: {  	[tilespmem:s25+$0xFFFFFE20] =	vst.add.f32.msk $0xffff, v1  }
0x2ad: {  	[tilespmem:s25+$0xFFFFFEA0] =	vst.add.f32.msk $0xffff, v2  }
0x2ae: {  	v1 =	vld [tilespmem:s21+$0x1C20]  }
0x2af: {  	v2 =	vld [tilespmem:s24+$0x1C20]  }
0x2b0: {  	[tilespmem:s25+$0xFFFFFF20] =	vst.add.f32.msk $0xffff, v3  }
0x2b1: {  	[tilespmem:s25+$0xFFFFFFB0] =	vst.add.f32.msk $0xffff, v0  }
0x2b2: {  	v3 =	vld [tilespmem:s11+$0x1C20]  }
0x2b3: {  	v0 =	vld [tilespmem:s19+$0x1C30]  }
0x2b4: {  	[tilespmem:s25+$0xFFFFFE30] =	vst.add.f32.msk $0xffff, v1  }
0x2b5: {  	[tilespmem:s25+$0xFFFFFEB0] =	vst.add.f32.msk $0xffff, v2  }
0x2b6: {  	v1 =	vld [tilespmem:s21+$0x1C30]  }
0x2b7: {  	v2 =	vld [tilespmem:s24+$0x1C30]  }
0x2b8: {  	[tilespmem:s25+$0xFFFFFF30] =	vst.add.f32.msk $0xffff, v3  }
0x2b9: {  	[tilespmem:s25+$0xFFFFFFC0] =	vst.add.f32.msk $0xffff, v0  }
0x2ba: {  	v3 =	vld [tilespmem:s11+$0x1C30]  }
0x2bb: {  	v0 =	vld [tilespmem:s19+$0x1C40]  }
0x2bc: {  	[tilespmem:s25+$0xFFFFFE40] =	vst.add.f32.msk $0xffff, v1  }
0x2bd: {  	[tilespmem:s25+$0xFFFFFEC0] =	vst.add.f32.msk $0xffff, v2  }
0x2be: {  	v1 =	vld [tilespmem:s21+$0x1C40]  }
0x2bf: {  	v2 =	vld [tilespmem:s24+$0x1C40]  }
0x2c0: {  	[tilespmem:s25+$0xFFFFFFD0] =	vst.add.f32.msk $0xffff, v0  }
0x2c1: {  	v0 =	vld [tilespmem:s19+$0x1C50]  }
0x2c2: {  	[tilespmem:s25+$0xFFFFFF40] =	vst.add.f32.msk $0xffff, v3  }
0x2c3: {  	v3 =	vld [tilespmem:s11+$0x1C40]  }
0x2c4: {  	[tilespmem:s25+$0xFFFFFE50] =	vst.add.f32.msk $0xffff, v1  }
0x2c5: {  	[tilespmem:s25+$0xFFFFFED0] =	vst.add.f32.msk $0xffff, v2  }
0x2c6: {  	[tilespmem:s25+$0xFFFFFFE0] =	vst.add.f32.msk $0xffff, v0  }
0x2c7: {  	v0 =	vld [tilespmem:s19+$0x1C60]  }
0x2c8: {  	v1 =	vld [tilespmem:s24+$0x1C50]  }
0x2c9: {  	[tilespmem:s25+$0xFFFFFF50] =	vst.add.f32.msk $0xffff, v3  }
0x2ca: {  	v2 =	vld [tilespmem:s11+$0x1C50];
	_ =	sdelay $0x1  }
0x2cb: {  	[tilespmem:s25+$0xFFFFFFF0] =	vst.add.f32.msk $0xffff, v0  }
0x2cc: {  	v0 =	vld [tilespmem:s21+$0x1C50]  }
0x2cd: {  	[tilespmem:s25+$0xFFFFFEE0] =	vst.add.f32.msk $0xffff, v1  }
0x2ce: {  	[tilespmem:s25+$0xFFFFFF60] =	vst.add.f32.msk $0xffff, v2  }
0x2cf: {  	v2 =	vld [tilespmem:s11+$0x1C60]  }
0x2d0: {  	s26 =	sadd.s32 $0x0, s7;
	v3 =	vld [tilespmem:s19+$0x1C70]  }
0x2d1: {  	s19 =	sadd.s32 $0x187, s26;
	[tilespmem:s25+$0xFFFFFE60] =	vst.add.f32.msk $0xffff, v0  }
0x2d2: {  	s12 =	sshll.u32 s19, $0x9;
	v0 =	vld [tilespmem:s21+$0x1C60]  }
0x2d3: {  	v1 =	vld [tilespmem:s24+$0x1C60];
	p1 =	slt.u32 s19, $0xC8;
	s14 =	sadd.s32 $0xFFFE7000, s12  }
0x2d4: {  	s14 =	smov.u32 @p1 s12;
	[tilespmem:s25+$0xFFFFFF70] =	vst.add.f32.msk $0xffff, v2  }
0x2d5: {  	s14 =	sshra.s32 s14, $0x2;
	[tilespmem:s25+$0x0] =	vst.add.f32.msk $0xffff, v3  }
0x2d6: {  	v2 =	vld [tilespmem:s14+$0x1C00]  }
0x2d7: {  	[tilespmem:s25+$0xFFFFFE70] =	vst.add.f32.msk $0xffff, v0  }
0x2d8: {  	s20 =	sadd.s32 $0x184, s26;
	v3 =	vld [tilespmem:s21+$0x1C70];
	s21 =	sadd.s32 $0x185, s26  }
0x2d9: {  	s17 =	sshll.u32 s20, $0x9;
	s9 =	sshll.u32 s21, $0x9  }
0x2da: {  	s18 =	sadd.s32 $0xFFFE7000, s17;
	[tilespmem:s25+$0xFFFFFEF0] =	vst.add.f32.msk $0xffff, v1;
	p2 =	slt.u32 s21, $0xC8;
	s16 =	sadd.s32 $0xFFFE7000, s9  }
0x2db: {  	v1 =	vld [tilespmem:s24+$0x1C70];
	p1 =	slt.u32 s20, $0xC8;
	s16 =	smov.u32 @p2 s9;
	s9 =	simm.s32 $0x143F0  }
0x2dc: {  	s18 =	smov.u32 @p1 s17;
	[tilespmem:s9+$0xFFFFFF90] =	vst.add.f32.msk $0xffff, v2  }
0x2dd: {  	s24 =	sadd.s32 $0x186, s26;
	s12 =	sshra.s32 s18, $0x2;
	[tilespmem:s25+$0xFFFFFE80] =	vst.add.f32.msk $0xffff, v3  }
0x2de: {  	s13 =	sshll.u32 s24, $0x9;
	s26 =	sshra.s32 s16, $0x2;
	v3 =	vld [tilespmem:s12+$0x1C00]  }
0x2df: {  	p1 =	slt.u32 s24, $0xC8;
	s16 =	sadd.s32 $0xFFFE7000, s13;
	v4 =	vld [tilespmem:s26+$0x1C00]  }
0x2e0: {  	s16 =	smov.u32 @p1 s13;
	v2 =	vld [tilespmem:s14+$0x1C10]  }
0x2e1: {  	v0 =	vld [tilespmem:s11+$0x1C70];
	s11 =	sshra.s32 s16, $0x2  }
0x2e2: {  	v5 =	vld [tilespmem:s11+$0x1C00]  }
0x2e3: {  	[tilespmem:s9+$0xFFFFFE10] =	vst.add.f32.msk $0xffff, v3  }
0x2e4: {  	[tilespmem:s9+$0xFFFFFE90] =	vst.add.f32.msk $0xffff, v4  }
0x2e5: {  	[tilespmem:s9+$0xFFFFFFA0] =	vst.add.f32.msk $0xffff, v2  }
0x2e6: {  	v3 =	vld [tilespmem:s12+$0x1C10]  }
0x2e7: {  	v2 =	vld [tilespmem:s14+$0x1C20]  }
0x2e8: {  	v4 =	vld [tilespmem:s26+$0x1C10]  }
0x2e9: {  	[tilespmem:s9+$0xFFFFFF10] =	vst.add.f32.msk $0xffff, v5  }
0x2ea: {  	v5 =	vld [tilespmem:s11+$0x1C10]  }
0x2eb: {  	[tilespmem:s9+$0xFFFFFE20] =	vst.add.f32.msk $0xffff, v3  }
0x2ec: {  	[tilespmem:s9+$0xFFFFFFB0] =	vst.add.f32.msk $0xffff, v2  }
0x2ed: {  	[tilespmem:s9+$0xFFFFFEA0] =	vst.add.f32.msk $0xffff, v4  }
0x2ee: {  	v2 =	vld [tilespmem:s14+$0x1C30]  }
0x2ef: {  	v3 =	vld [tilespmem:s12+$0x1C20]  }
0x2f0: {  	v4 =	vld [tilespmem:s26+$0x1C20]  }
0x2f1: {  	[tilespmem:s9+$0xFFFFFF20] =	vst.add.f32.msk $0xffff, v5  }
0x2f2: {  	v5 =	vld [tilespmem:s11+$0x1C20]  }
0x2f3: {  	[tilespmem:s9+$0xFFFFFFC0] =	vst.add.f32.msk $0xffff, v2  }
0x2f4: {  	[tilespmem:s9+$0xFFFFFE30] =	vst.add.f32.msk $0xffff, v3  }
0x2f5: {  	v2 =	vld [tilespmem:s14+$0x1C40]  }
0x2f6: {  	[tilespmem:s9+$0xFFFFFEB0] =	vst.add.f32.msk $0xffff, v4  }
0x2f7: {  	v3 =	vld [tilespmem:s12+$0x1C30]  }
0x2f8: {  	v4 =	vld [tilespmem:s26+$0x1C30]  }
0x2f9: {  	[tilespmem:s9+$0xFFFFFF30] =	vst.add.f32.msk $0xffff, v5  }
0x2fa: {  	[tilespmem:s9+$0xFFFFFFD0] =	vst.add.f32.msk $0xffff, v2  }
0x2fb: {  	v2 =	vld [tilespmem:s14+$0x1C50]  }
0x2fc: {  	v5 =	vld [tilespmem:s11+$0x1C30]  }
0x2fd: {  	[tilespmem:s9+$0xFFFFFE40] =	vst.add.f32.msk $0xffff, v3  }
0x2fe: {  	[tilespmem:s9+$0xFFFFFEC0] =	vst.add.f32.msk $0xffff, v4  }
0x2ff: {  	v3 =	vld [tilespmem:s12+$0x1C40]  }
0x300: {  	[tilespmem:s9+$0xFFFFFFE0] =	vst.add.f32.msk $0xffff, v2  }
0x301: {  	v2 =	vld [tilespmem:s14+$0x1C60]  }
0x302: {  	v4 =	vld [tilespmem:s26+$0x1C40]  }
0x303: {  	[tilespmem:s9+$0xFFFFFF40] =	vst.add.f32.msk $0xffff, v5  }
0x304: {  	v5 =	vld [tilespmem:s11+$0x1C40]  }
0x305: {  	[tilespmem:s9+$0xFFFFFE50] =	vst.add.f32.msk $0xffff, v3  }
0x306: {  	[tilespmem:s9+$0xFFFFFFF0] =	vst.add.f32.msk $0xffff, v2  }
0x307: {  	v2 =	vld [tilespmem:s14+$0x1C70]  }
0x308: {  	[tilespmem:s9+$0xFFFFFED0] =	vst.add.f32.msk $0xffff, v4  }
0x309: {  	v3 =	vld [tilespmem:s12+$0x1C50]  }
0x30a: {  	[tilespmem:s9+$0xFFFFFF50] =	vst.add.f32.msk $0xffff, v5  }
0x30b: {  	v4 =	vld [tilespmem:s11+$0x1C50]  }
0x30c: {  	[tilespmem:s9+$0x0] =	vst.add.f32.msk $0xffff, v2  }
0x30d: {  	v2 =	vld [tilespmem:s26+$0x1C50]  }
0x30e: {  	[tilespmem:s25+$0xFFFFFF00] =	vst.add.f32.msk $0xffff, v1  }
0x30f: {  	[tilespmem:s9+$0xFFFFFE60] =	vst.add.f32.msk $0xffff, v3  }
0x310: {  	v3 =	vld [tilespmem:s12+$0x1C60]  }
0x311: {  	[tilespmem:s9+$0xFFFFFF60] =	vst.add.f32.msk $0xffff, v4  }
0x312: {  	[tilespmem:s9+$0xFFFFFEE0] =	vst.add.f32.msk $0xffff, v2  }
0x313: {  	v2 =	vld [tilespmem:s26+$0x1C60]  }
0x314: {  	s13 =	simm.s32 $0x4;
	v1 =	vld [tilespmem:s11+$0x1C60]  }
.LBB2_9:
0x315: {  	s14 =	sadd.s32 s13, s7;
	s13 =	sadd.s32 $0x4, s13;
	[tilespmem:s9+$0xFFFFFE70] =	vst.add.f32.msk $0xffff, v3  }
0x316: {  	s17 =	sadd.s32 $0x184, s14;
	s16 =	sadd.s32 $0x187, s14;
	p1 =	slt.u32 s13, $0x7C;
	v3 =	vld [tilespmem:s12+$0x1C70]  }
0x317: {  	s12 =	sadd.s32 $0x185, s14;
	s14 =	sadd.s32 $0x186, s14;
	s18 =	sshll.u32 s16, $0x9;
	[tilespmem:s25+$0xFFFFFF80] =	vst.add.f32.msk $0xffff, v0  }
0x318: {  	s19 =	sshll.u32 s17, $0x9;
	p2 =	slt.u32 s16, $0xC8;
	s16 =	sadd.s32 $0xFFFE7000, s18;
	[tilespmem:s9+$0xFFFFFEF0] =	vst.add.f32.msk $0xffff, v2  }
0x319: {  	s20 =	sshll.u32 s12, $0x9;
	s21 =	sshll.u32 s14, $0x9;
	s16 =	smov.u32 @p2 s18;
	[tilespmem:s9+$0xFFFFFF70] =	vst.add.f32.msk $0xffff, v1  }
0x31a: {  	s24 =	sadd.s32 $0xFFFE7000, s20;
	s18 =	sadd.s32 $0xFFFE7000, s19;
	s16 =	sshra.s32 s16, $0x2;
	v1 =	vld [tilespmem:s26+$0x1C70]  }
0x31b: {  	p3 =	slt.u32 s12, $0xC8;
	p2 =	slt.u32 s17, $0xC8;
	s17 =	sadd.s32 $0xFFFE7000, s21;
	v2 =	vld [tilespmem:s16+$0x1C00]  }
0x31c: {  	s24 =	smov.u32 @p3 s20;
	s18 =	smov.u32 @p2 s19;
	p2 =	slt.u32 s14, $0xC8;
	v0 =	vld [tilespmem:s11+$0x1C70]  }
0x31d: {  	s26 =	sshra.s32 s24, $0x2;
	s12 =	sshra.s32 s18, $0x2;
	s17 =	smov.u32 @p2 s21;
	[tilespmem:s9+$0xFFFFFE80] =	vst.add.f32.msk $0xffff, v3  }
0x31e: {  	s25 =	smov.u32 s9;
	s11 =	sshra.s32 s17, $0x2;
	v3 =	vld [tilespmem:s12+$0x1C00]  }
0x31f: {  	s9 =	sadd.s32 $0x200, s9;
	v4 =	vld [tilespmem:s26+$0x1C00]  }
0x320: {  	[tilespmem:s9+$0xFFFFFF90] =	vst.add.f32.msk $0xffff, v2  }
0x321: {  	v2 =	vld [tilespmem:s16+$0x1C10]  }
0x322: {  	v5 =	vld [tilespmem:s11+$0x1C00]  }
0x323: {  	[tilespmem:s9+$0xFFFFFE10] =	vst.add.f32.msk $0xffff, v3  }
0x324: {  	[tilespmem:s9+$0xFFFFFE90] =	vst.add.f32.msk $0xffff, v4  }
0x325: {  	v3 =	vld [tilespmem:s12+$0x1C10]  }
0x326: {  	[tilespmem:s9+$0xFFFFFFA0] =	vst.add.f32.msk $0xffff, v2  }
0x327: {  	v2 =	vld [tilespmem:s16+$0x1C20]  }
0x328: {  	[tilespmem:s9+$0xFFFFFF10] =	vst.add.f32.msk $0xffff, v5  }
0x329: {  	v4 =	vld [tilespmem:s26+$0x1C10]  }
0x32a: {  	v5 =	vld [tilespmem:s11+$0x1C10]  }
0x32b: {  	[tilespmem:s9+$0xFFFFFE20] =	vst.add.f32.msk $0xffff, v3  }
0x32c: {  	[tilespmem:s9+$0xFFFFFFB0] =	vst.add.f32.msk $0xffff, v2  }
0x32d: {  	v2 =	vld [tilespmem:s16+$0x1C30]  }
0x32e: {  	[tilespmem:s9+$0xFFFFFEA0] =	vst.add.f32.msk $0xffff, v4  }
0x32f: {  	[tilespmem:s9+$0xFFFFFF20] =	vst.add.f32.msk $0xffff, v5  }
0x330: {  	v3 =	vld [tilespmem:s12+$0x1C20]  }
0x331: {  	v4 =	vld [tilespmem:s26+$0x1C20]  }
0x332: {  	[tilespmem:s9+$0xFFFFFFC0] =	vst.add.f32.msk $0xffff, v2  }
0x333: {  	v2 =	vld [tilespmem:s16+$0x1C40]  }
0x334: {  	v5 =	vld [tilespmem:s11+$0x1C20]  }
0x335: {  	[tilespmem:s9+$0xFFFFFE30] =	vst.add.f32.msk $0xffff, v3  }
0x336: {  	[tilespmem:s9+$0xFFFFFEB0] =	vst.add.f32.msk $0xffff, v4  }
0x337: {  	v3 =	vld [tilespmem:s12+$0x1C30]  }
0x338: {  	[tilespmem:s9+$0xFFFFFFD0] =	vst.add.f32.msk $0xffff, v2  }
0x339: {  	v2 =	vld [tilespmem:s16+$0x1C50]  }
0x33a: {  	[tilespmem:s9+$0xFFFFFF30] =	vst.add.f32.msk $0xffff, v5  }
0x33b: {  	v4 =	vld [tilespmem:s26+$0x1C30]  }
0x33c: {  	v5 =	vld [tilespmem:s11+$0x1C30]  }
0x33d: {  	[tilespmem:s9+$0xFFFFFE40] =	vst.add.f32.msk $0xffff, v3  }
0x33e: {  	[tilespmem:s9+$0xFFFFFFE0] =	vst.add.f32.msk $0xffff, v2  }
0x33f: {  	v2 =	vld [tilespmem:s16+$0x1C60]  }
0x340: {  	[tilespmem:s9+$0xFFFFFEC0] =	vst.add.f32.msk $0xffff, v4  }
0x341: {  	[tilespmem:s9+$0xFFFFFF40] =	vst.add.f32.msk $0xffff, v5  }
0x342: {  	v3 =	vld [tilespmem:s12+$0x1C40]  }
0x343: {  	v4 =	vld [tilespmem:s26+$0x1C40]  }
0x344: {  	[tilespmem:s9+$0xFFFFFFF0] =	vst.add.f32.msk $0xffff, v2  }
0x345: {  	v2 =	vld [tilespmem:s16+$0x1C70]  }
0x346: {  	v5 =	vld [tilespmem:s11+$0x1C40]  }
0x347: {  	[tilespmem:s9+$0xFFFFFE50] =	vst.add.f32.msk $0xffff, v3  }
0x348: {  	[tilespmem:s9+$0xFFFFFED0] =	vst.add.f32.msk $0xffff, v4  }
0x349: {  	v3 =	vld [tilespmem:s12+$0x1C50]  }
0x34a: {  	[tilespmem:s9+$0x0] =	vst.add.f32.msk $0xffff, v2  }
0x34b: {  	[tilespmem:s9+$0xFFFFFF50] =	vst.add.f32.msk $0xffff, v5  }
0x34c: {  	v2 =	vld [tilespmem:s26+$0x1C50]  }
0x34d: {  	v4 =	vld [tilespmem:s11+$0x1C50]  }
0x34e: {  	[tilespmem:s9+$0xFFFFFE60] =	vst.add.f32.msk $0xffff, v3  }
0x34f: {  	v3 =	vld [tilespmem:s12+$0x1C60]  }
.Ltmp5:
0x350: {  	[tilespmem:s25+$0xFFFFFF00] =	vst.add.f32.msk $0xffff, v1;
	(pc) =	sbr.rel @p1 .LBB2_9-.Ltmp5, $4  }
0x351: {  	[tilespmem:s9+$0xFFFFFEE0] =	vst.add.f32.msk $0xffff, v2  }
0x352: {  	[tilespmem:s9+$0xFFFFFF60] =	vst.add.f32.msk $0xffff, v4  }
0x353: {  	v2 =	vld [tilespmem:s26+$0x1C60]  }
0x354: {  	v1 =	vld [tilespmem:s11+$0x1C60]  }
0x355: {  	_ = 	snop  }
0x356: {  	[tilespmem:s9+$0xFFFFFE70] =	vst.add.f32.msk $0xffff, v3  }
0x357: {  	v3 =	vld [tilespmem:s12+$0x1C70]  }
0x358: {  	[tilespmem:s9+$0xFFFFFEF0] =	vst.add.f32.msk $0xffff, v2  }
0x359: {  	[tilespmem:s9+$0xFFFFFF70] =	vst.add.f32.msk $0xffff, v1  }
0x35a: {  	v1 =	vld [tilespmem:s26+$0x1C70]  }
0x35b: {  	v2 =	vld [tilespmem:s11+$0x1C70];
	_ =	sdelay $0x1  }
0x35c: {  	[tilespmem:s25+$0xFFFFFF80] =	vst.add.f32.msk $0xffff, v0;
	s7 =	sadd.s32 s6, s8  }
0x35d: {  	s7 =	sshll.u32 s7, $0xB;
	[tilespmem:s9+$0xFFFFFE80] =	vst.add.f32.msk $0xffff, v3  }
0x35e: {  	s24 =	simm.s32 $0x14000;
	s8 =	simm.s32 @!p0 $0x80;
	s7 =	sand.u32 $0x1FFFF800, s7;
	[tilespmem:s9+$0xFFFFFF00] =	vst.add.f32.msk $0xffff, v1  }
0x35f: {  	s19 =	sadd.s32 $0xFFFFFFFC, s10;
	s21 =	simm.s32 $0x5;
	s7 =	sadd.s32 s4, s7;
	[tilespmem:s9+$0xFFFFFF80] =	vst.add.f32.msk $0xffff, v2  }
0x360: {  	[hbm4b:s7+s5] =	stream.linear.scatter [tilespmem:s24], [sflag:$0x9], $0x4000, $0x38;
	[tilespmem:$0x1C000] =	vst v63  }
0x361: {  	s20 =	sadd.s32 $0x207, s19;
	s25 =	sadd.s32 $0x205, s19;
	s7 =	simm.s32 @!p0 $0x7  }
0x362: {  	s17 =	sadd.s32 $0x206, s19;
	p1 =	slt.u32 s20, $0xC8;
	_ =	swait.ge @!p0 [sflag:s7], $0x4000  }
0x363: {  	p2 =	slt.u32 s25, $0xC8;
	s9 =	simm.s32 @!p0 $0xC000;
	[sflag:s7] =	ssyncset.done @!p0 $0x0  }
0x364: {  	[sflag:s7] =	ssyncadd.s32 @!p0 $0xFFFFC000;
	s7 =	sadd.s32 @!p0 $0x300, s23;
	s23 =	sadd.s32 $0x204, s19  }
0x365: {  	[tilespmem:s9], [sflag:$0x2] =	stream.indirect.gather @!p0 [hbm4b:s1+s8], $0x80, s7, s8, $0xb8;
	[tilespmem:$0x1C000] =	vst v63  }
0x366: {  	s9 =	sshll.u32 s20, $0x9;
	s13 =	sshll.u32 s23, $0x9;
	_ =	swait.ge [sflag:s21], $0x4000  }
0x367: {  	s8 =	sadd.s32 $0xFFFE7000, s9;
	s14 =	sadd.s32 $0xFFFE7000, s13;
	[sflag:s21] =	ssyncset.done $0x0  }
0x368: {  	s8 =	smov.u32 @p1 s9;
	p1 =	slt.u32 s23, $0xC8;
	[sflag:s21] =	ssyncadd.s32 $0xFFFFC000  }
0x369: {  	s26 =	sshra.s32 s8, $0x2;
	s8 =	sshll.u32 s25, $0x9;
	s14 =	smov.u32 @p1 s13  }
0x36a: {  	s13 =	sshll.u32 s17, $0x9;
	p1 =	slt.u32 s17, $0xC8;
	v0 =	vld [tilespmem:s26+$0x1C00];
	s16 =	sadd.s32 $0xFFFE7000, s8  }
0x36b: {  	s18 =	sshra.s32 s14, $0x2;
	s14 =	sadd.s32 $0xFFFE7000, s13;
	s16 =	smov.u32 @p2 s8  }
0x36c: {  	v1 =	vld [tilespmem:s18+$0x1C00];
	s14 =	smov.u32 @p1 s13;
	s8 =	sshra.s32 s16, $0x2  }
0x36d: {  	s19 =	sshra.s32 s14, $0x2;
	v2 =	vld [tilespmem:s8+$0x1C00]  }
0x36e: {  	s7 =	simm.s32 $0x181F0;
	v3 =	vld [tilespmem:s19+$0x1C00]  }
0x36f: {  	[tilespmem:s7+$0xFFFFFF90] =	vst.add.f32.msk $0xffff, v0  }
0x370: {  	v0 =	vld [tilespmem:s26+$0x1C10]  }
0x371: {  	[tilespmem:s7+$0xFFFFFE10] =	vst.add.f32.msk $0xffff, v1  }
0x372: {  	v1 =	vld [tilespmem:s18+$0x1C10]  }
0x373: {  	[tilespmem:s7+$0xFFFFFE90] =	vst.add.f32.msk $0xffff, v2  }
0x374: {  	[tilespmem:s7+$0xFFFFFF10] =	vst.add.f32.msk $0xffff, v3  }
0x375: {  	v2 =	vld [tilespmem:s8+$0x1C10]  }
0x376: {  	v3 =	vld [tilespmem:s19+$0x1C10]  }
0x377: {  	[tilespmem:s7+$0xFFFFFFA0] =	vst.add.f32.msk $0xffff, v0  }
0x378: {  	v0 =	vld [tilespmem:s26+$0x1C20]  }
0x379: {  	[tilespmem:s7+$0xFFFFFE20] =	vst.add.f32.msk $0xffff, v1  }
0x37a: {  	v1 =	vld [tilespmem:s18+$0x1C20]  }
0x37b: {  	[tilespmem:s7+$0xFFFFFEA0] =	vst.add.f32.msk $0xffff, v2  }
0x37c: {  	[tilespmem:s7+$0xFFFFFF20] =	vst.add.f32.msk $0xffff, v3  }
0x37d: {  	v2 =	vld [tilespmem:s8+$0x1C20]  }
0x37e: {  	v3 =	vld [tilespmem:s19+$0x1C20]  }
0x37f: {  	[tilespmem:s7+$0xFFFFFFB0] =	vst.add.f32.msk $0xffff, v0  }
0x380: {  	v0 =	vld [tilespmem:s26+$0x1C30]  }
0x381: {  	[tilespmem:s7+$0xFFFFFE30] =	vst.add.f32.msk $0xffff, v1  }
0x382: {  	v1 =	vld [tilespmem:s18+$0x1C30]  }
0x383: {  	[tilespmem:s7+$0xFFFFFEB0] =	vst.add.f32.msk $0xffff, v2  }
0x384: {  	[tilespmem:s7+$0xFFFFFF30] =	vst.add.f32.msk $0xffff, v3  }
0x385: {  	v2 =	vld [tilespmem:s8+$0x1C30]  }
0x386: {  	v3 =	vld [tilespmem:s19+$0x1C30]  }
0x387: {  	[tilespmem:s7+$0xFFFFFFC0] =	vst.add.f32.msk $0xffff, v0  }
0x388: {  	v0 =	vld [tilespmem:s26+$0x1C40]  }
0x389: {  	[tilespmem:s7+$0xFFFFFE40] =	vst.add.f32.msk $0xffff, v1  }
0x38a: {  	v1 =	vld [tilespmem:s18+$0x1C40]  }
0x38b: {  	[tilespmem:s7+$0xFFFFFEC0] =	vst.add.f32.msk $0xffff, v2  }
0x38c: {  	[tilespmem:s7+$0xFFFFFF40] =	vst.add.f32.msk $0xffff, v3  }
0x38d: {  	v2 =	vld [tilespmem:s8+$0x1C40]  }
0x38e: {  	v3 =	vld [tilespmem:s19+$0x1C40]  }
0x38f: {  	[tilespmem:s7+$0xFFFFFFD0] =	vst.add.f32.msk $0xffff, v0  }
0x390: {  	v0 =	vld [tilespmem:s26+$0x1C50]  }
0x391: {  	[tilespmem:s7+$0xFFFFFE50] =	vst.add.f32.msk $0xffff, v1  }
0x392: {  	[tilespmem:s7+$0xFFFFFED0] =	vst.add.f32.msk $0xffff, v2  }
0x393: {  	[tilespmem:s7+$0xFFFFFF50] =	vst.add.f32.msk $0xffff, v3  }
0x394: {  	v1 =	vld [tilespmem:s8+$0x1C50]  }
0x395: {  	v2 =	vld [tilespmem:s19+$0x1C50];
	_ =	sdelay $0x1  }
0x396: {  	[tilespmem:s7+$0xFFFFFFE0] =	vst.add.f32.msk $0xffff, v0  }
0x397: {  	v0 =	vld [tilespmem:s26+$0x1C60]  }
0x398: {  	[tilespmem:s7+$0xFFFFFEE0] =	vst.add.f32.msk $0xffff, v1  }
0x399: {  	[tilespmem:s7+$0xFFFFFF60] =	vst.add.f32.msk $0xffff, v2  }
0x39a: {  	v1 =	vld [tilespmem:s8+$0x1C60]  }
0x39b: {  	s20 =	sadd.s32 $0x0, s10;
	v2 =	vld [tilespmem:s19+$0x1C60]  }
0x39c: {  	s21 =	sadd.s32 $0x207, s20;
	[tilespmem:s7+$0xFFFFFFF0] =	vst.add.f32.msk $0xffff, v0  }
0x39d: {  	s11 =	sshll.u32 s21, $0x9;
	v0 =	vld [tilespmem:s18+$0x1C50]  }
0x39e: {  	p1 =	slt.u32 s21, $0xC8;
	s13 =	sadd.s32 $0xFFFE7000, s11;
	v3 =	vld [tilespmem:s26+$0x1C70]  }
0x39f: {  	s13 =	smov.u32 @p1 s11;
	[tilespmem:s7+$0xFFFFFEF0] =	vst.add.f32.msk $0xffff, v1  }
0x3a0: {  	s13 =	sshra.s32 s13, $0x2;
	[tilespmem:s7+$0xFFFFFF70] =	vst.add.f32.msk $0xffff, v2  }
0x3a1: {  	s25 =	sadd.s32 $0x205, s20;
	v2 =	vld [tilespmem:s13+$0x1C00]  }
0x3a2: {  	v1 =	vld [tilespmem:s8+$0x1C70];
	s8 =	sshll.u32 s25, $0x9  }
0x3a3: {  	s23 =	sadd.s32 $0x204, s20;
	p2 =	slt.u32 s25, $0xC8;
	[tilespmem:s7+$0xFFFFFE60] =	vst.add.f32.msk $0xffff, v0;
	s14 =	sadd.s32 $0xFFFE7000, s8  }
0x3a4: {  	s16 =	sshll.u32 s23, $0x9;
	p1 =	slt.u32 s23, $0xC8;
	v0 =	vld [tilespmem:s18+$0x1C60];
	s14 =	smov.u32 @p2 s8  }
0x3a5: {  	s17 =	sadd.s32 $0xFFFE7000, s16;
	s26 =	sadd.s32 $0x206, s20;
	[tilespmem:s7+$0x0] =	vst.add.f32.msk $0xffff, v3;
	s9 =	sshra.s32 s14, $0x2  }
0x3a6: {  	s17 =	smov.u32 @p1 s16;
	s16 =	sshll.u32 s26, $0x9;
	s8 =	simm.s32 $0x183F0;
	v4 =	vld [tilespmem:s9+$0x1C00]  }
0x3a7: {  	p1 =	slt.u32 s26, $0xC8;
	s14 =	sadd.s32 $0xFFFE7000, s16;
	[tilespmem:s8+$0xFFFFFF90] =	vst.add.f32.msk $0xffff, v2  }
0x3a8: {  	s14 =	smov.u32 @p1 s16;
	v2 =	vld [tilespmem:s13+$0x1C10]  }
0x3a9: {  	s11 =	sshra.s32 s14, $0x2;
	[tilespmem:s7+$0xFFFFFF00] =	vst.add.f32.msk $0xffff, v1  }
0x3aa: {  	v5 =	vld [tilespmem:s11+$0x1C00]  }
0x3ab: {  	[tilespmem:s7+$0xFFFFFE70] =	vst.add.f32.msk $0xffff, v0  }
0x3ac: {  	v3 =	vld [tilespmem:s18+$0x1C70]  }
0x3ad: {  	[tilespmem:s8+$0xFFFFFE90] =	vst.add.f32.msk $0xffff, v4  }
0x3ae: {  	[tilespmem:s8+$0xFFFFFFA0] =	vst.add.f32.msk $0xffff, v2  }
0x3af: {  	v4 =	vld [tilespmem:s9+$0x1C10]  }
0x3b0: {  	v2 =	vld [tilespmem:s13+$0x1C20]  }
0x3b1: {  	[tilespmem:s8+$0xFFFFFF10] =	vst.add.f32.msk $0xffff, v5  }
0x3b2: {  	v5 =	vld [tilespmem:s11+$0x1C10]  }
0x3b3: {  	s12 =	sshra.s32 s17, $0x2;
	[tilespmem:s7+$0xFFFFFE80] =	vst.add.f32.msk $0xffff, v3  }
0x3b4: {  	v3 =	vld [tilespmem:s12+$0x1C00]  }
0x3b5: {  	[tilespmem:s8+$0xFFFFFEA0] =	vst.add.f32.msk $0xffff, v4  }
0x3b6: {  	[tilespmem:s8+$0xFFFFFFB0] =	vst.add.f32.msk $0xffff, v2  }
0x3b7: {  	v4 =	vld [tilespmem:s9+$0x1C20]  }
0x3b8: {  	v2 =	vld [tilespmem:s13+$0x1C30]  }
0x3b9: {  	[tilespmem:s8+$0xFFFFFF20] =	vst.add.f32.msk $0xffff, v5  }
0x3ba: {  	[tilespmem:s8+$0xFFFFFE10] =	vst.add.f32.msk $0xffff, v3  }
0x3bb: {  	v5 =	vld [tilespmem:s11+$0x1C20]  }
0x3bc: {  	v3 =	vld [tilespmem:s12+$0x1C10]  }
0x3bd: {  	[tilespmem:s8+$0xFFFFFEB0] =	vst.add.f32.msk $0xffff, v4  }
0x3be: {  	[tilespmem:s8+$0xFFFFFFC0] =	vst.add.f32.msk $0xffff, v2  }
0x3bf: {  	v4 =	vld [tilespmem:s9+$0x1C30]  }
0x3c0: {  	v2 =	vld [tilespmem:s13+$0x1C40]  }
0x3c1: {  	[tilespmem:s8+$0xFFFFFF30] =	vst.add.f32.msk $0xffff, v5  }
0x3c2: {  	[tilespmem:s8+$0xFFFFFE20] =	vst.add.f32.msk $0xffff, v3  }
0x3c3: {  	v5 =	vld [tilespmem:s11+$0x1C30]  }
0x3c4: {  	v3 =	vld [tilespmem:s12+$0x1C20]  }
0x3c5: {  	[tilespmem:s8+$0xFFFFFEC0] =	vst.add.f32.msk $0xffff, v4  }
0x3c6: {  	[tilespmem:s8+$0xFFFFFFD0] =	vst.add.f32.msk $0xffff, v2  }
0x3c7: {  	v2 =	vld [tilespmem:s13+$0x1C50]  }
0x3c8: {  	v4 =	vld [tilespmem:s9+$0x1C40]  }
0x3c9: {  	[tilespmem:s8+$0xFFFFFE30] =	vst.add.f32.msk $0xffff, v3  }
0x3ca: {  	v3 =	vld [tilespmem:s12+$0x1C30]  }
0x3cb: {  	[tilespmem:s8+$0xFFFFFF40] =	vst.add.f32.msk $0xffff, v5  }
0x3cc: {  	[tilespmem:s8+$0xFFFFFFE0] =	vst.add.f32.msk $0xffff, v2  }
0x3cd: {  	v2 =	vld [tilespmem:s13+$0x1C60]  }
0x3ce: {  	v5 =	vld [tilespmem:s11+$0x1C40]  }
0x3cf: {  	[tilespmem:s8+$0xFFFFFE40] =	vst.add.f32.msk $0xffff, v3  }
0x3d0: {  	v3 =	vld [tilespmem:s12+$0x1C40]  }
0x3d1: {  	[tilespmem:s8+$0xFFFFFED0] =	vst.add.f32.msk $0xffff, v4  }
0x3d2: {  	[tilespmem:s8+$0xFFFFFFF0] =	vst.add.f32.msk $0xffff, v2  }
0x3d3: {  	v2 =	vld [tilespmem:s13+$0x1C70]  }
0x3d4: {  	[tilespmem:s8+$0xFFFFFF50] =	vst.add.f32.msk $0xffff, v5  }
0x3d5: {  	[tilespmem:s8+$0xFFFFFE50] =	vst.add.f32.msk $0xffff, v3  }
0x3d6: {  	v3 =	vld [tilespmem:s12+$0x1C50]  }
0x3d7: {  	v4 =	vld [tilespmem:s11+$0x1C50]  }
0x3d8: {  	[tilespmem:s8+$0x0] =	vst.add.f32.msk $0xffff, v2  }
0x3d9: {  	v2 =	vld [tilespmem:s9+$0x1C50]  }
0x3da: {  	v0 =	vld [tilespmem:s19+$0x1C70]  }
0x3db: {  	[tilespmem:s8+$0xFFFFFE60] =	vst.add.f32.msk $0xffff, v3  }
0x3dc: {  	v3 =	vld [tilespmem:s12+$0x1C60]  }
0x3dd: {  	[tilespmem:s8+$0xFFFFFF60] =	vst.add.f32.msk $0xffff, v4  }
0x3de: {  	[tilespmem:s8+$0xFFFFFEE0] =	vst.add.f32.msk $0xffff, v2  }
0x3df: {  	v2 =	vld [tilespmem:s9+$0x1C60]  }
0x3e0: {  	s13 =	simm.s32 $0x4;
	v1 =	vld [tilespmem:s11+$0x1C60]  }
.LBB2_11:
0x3e1: {  	s14 =	sadd.s32 s13, s10;
	s13 =	sadd.s32 $0x4, s13;
	[tilespmem:s8+$0xFFFFFE70] =	vst.add.f32.msk $0xffff, v3  }
0x3e2: {  	s17 =	sadd.s32 $0x204, s14;
	s16 =	sadd.s32 $0x207, s14;
	p1 =	slt.u32 s13, $0x7C;
	v3 =	vld [tilespmem:s12+$0x1C70]  }
0x3e3: {  	s12 =	sadd.s32 $0x205, s14;
	s14 =	sadd.s32 $0x206, s14;
	s18 =	sshll.u32 s16, $0x9;
	[tilespmem:s7+$0xFFFFFF80] =	vst.add.f32.msk $0xffff, v0  }
0x3e4: {  	s7 =	sshll.u32 s17, $0x9;
	p2 =	slt.u32 s16, $0xC8;
	s16 =	sadd.s32 $0xFFFE7000, s18;
	[tilespmem:s8+$0xFFFFFEF0] =	vst.add.f32.msk $0xffff, v2  }
0x3e5: {  	s19 =	sshll.u32 s12, $0x9;
	s20 =	sshll.u32 s14, $0x9;
	s16 =	smov.u32 @p2 s18;
	[tilespmem:s8+$0xFFFFFF70] =	vst.add.f32.msk $0xffff, v1  }
0x3e6: {  	s21 =	sadd.s32 $0xFFFE7000, s19;
	s18 =	sadd.s32 $0xFFFE7000, s7;
	s16 =	sshra.s32 s16, $0x2;
	v1 =	vld [tilespmem:s9+$0x1C70]  }
0x3e7: {  	p3 =	slt.u32 s12, $0xC8;
	p2 =	slt.u32 s17, $0xC8;
	s17 =	sadd.s32 $0xFFFE7000, s20;
	v2 =	vld [tilespmem:s16+$0x1C00]  }
0x3e8: {  	s21 =	smov.u32 @p3 s19;
	s18 =	smov.u32 @p2 s7;
	p2 =	slt.u32 s14, $0xC8;
	v0 =	vld [tilespmem:s11+$0x1C70]  }
0x3e9: {  	s9 =	sshra.s32 s21, $0x2;
	s12 =	sshra.s32 s18, $0x2;
	s17 =	smov.u32 @p2 s20;
	[tilespmem:s8+$0xFFFFFE80] =	vst.add.f32.msk $0xffff, v3  }
0x3ea: {  	s7 =	smov.u32 s8;
	s11 =	sshra.s32 s17, $0x2;
	v3 =	vld [tilespmem:s12+$0x1C00]  }
0x3eb: {  	s8 =	sadd.s32 $0x200, s8;
	v4 =	vld [tilespmem:s9+$0x1C00]  }
0x3ec: {  	[tilespmem:s8+$0xFFFFFF90] =	vst.add.f32.msk $0xffff, v2  }
0x3ed: {  	v2 =	vld [tilespmem:s16+$0x1C10]  }
0x3ee: {  	v5 =	vld [tilespmem:s11+$0x1C00]  }
0x3ef: {  	[tilespmem:s8+$0xFFFFFE10] =	vst.add.f32.msk $0xffff, v3  }
0x3f0: {  	[tilespmem:s8+$0xFFFFFE90] =	vst.add.f32.msk $0xffff, v4  }
0x3f1: {  	v3 =	vld [tilespmem:s12+$0x1C10]  }
0x3f2: {  	[tilespmem:s8+$0xFFFFFFA0] =	vst.add.f32.msk $0xffff, v2  }
0x3f3: {  	v2 =	vld [tilespmem:s16+$0x1C20]  }
0x3f4: {  	[tilespmem:s8+$0xFFFFFF10] =	vst.add.f32.msk $0xffff, v5  }
0x3f5: {  	v4 =	vld [tilespmem:s9+$0x1C10]  }
0x3f6: {  	v5 =	vld [tilespmem:s11+$0x1C10]  }
0x3f7: {  	[tilespmem:s8+$0xFFFFFE20] =	vst.add.f32.msk $0xffff, v3  }
0x3f8: {  	[tilespmem:s8+$0xFFFFFFB0] =	vst.add.f32.msk $0xffff, v2  }
0x3f9: {  	v2 =	vld [tilespmem:s16+$0x1C30]  }
0x3fa: {  	[tilespmem:s8+$0xFFFFFEA0] =	vst.add.f32.msk $0xffff, v4  }
0x3fb: {  	[tilespmem:s8+$0xFFFFFF20] =	vst.add.f32.msk $0xffff, v5  }
0x3fc: {  	v3 =	vld [tilespmem:s12+$0x1C20]  }
0x3fd: {  	v4 =	vld [tilespmem:s9+$0x1C20]  }
0x3fe: {  	[tilespmem:s8+$0xFFFFFFC0] =	vst.add.f32.msk $0xffff, v2  }
0x3ff: {  	v2 =	vld [tilespmem:s16+$0x1C40]  }
0x400: {  	v5 =	vld [tilespmem:s11+$0x1C20]  }
0x401: {  	[tilespmem:s8+$0xFFFFFE30] =	vst.add.f32.msk $0xffff, v3  }
0x402: {  	[tilespmem:s8+$0xFFFFFEB0] =	vst.add.f32.msk $0xffff, v4  }
0x403: {  	v3 =	vld [tilespmem:s12+$0x1C30]  }
0x404: {  	[tilespmem:s8+$0xFFFFFFD0] =	vst.add.f32.msk $0xffff, v2  }
0x405: {  	v2 =	vld [tilespmem:s16+$0x1C50]  }
0x406: {  	[tilespmem:s8+$0xFFFFFF30] =	vst.add.f32.msk $0xffff, v5  }
0x407: {  	v4 =	vld [tilespmem:s9+$0x1C30]  }
0x408: {  	v5 =	vld [tilespmem:s11+$0x1C30]  }
0x409: {  	[tilespmem:s8+$0xFFFFFE40] =	vst.add.f32.msk $0xffff, v3  }
0x40a: {  	[tilespmem:s8+$0xFFFFFFE0] =	vst.add.f32.msk $0xffff, v2  }
0x40b: {  	v2 =	vld [tilespmem:s16+$0x1C60]  }
0x40c: {  	[tilespmem:s8+$0xFFFFFEC0] =	vst.add.f32.msk $0xffff, v4  }
0x40d: {  	[tilespmem:s8+$0xFFFFFF40] =	vst.add.f32.msk $0xffff, v5  }
0x40e: {  	v3 =	vld [tilespmem:s12+$0x1C40]  }
0x40f: {  	v4 =	vld [tilespmem:s9+$0x1C40]  }
0x410: {  	[tilespmem:s8+$0xFFFFFFF0] =	vst.add.f32.msk $0xffff, v2  }
0x411: {  	v2 =	vld [tilespmem:s16+$0x1C70]  }
0x412: {  	v5 =	vld [tilespmem:s11+$0x1C40]  }
0x413: {  	[tilespmem:s8+$0xFFFFFE50] =	vst.add.f32.msk $0xffff, v3  }
0x414: {  	[tilespmem:s8+$0xFFFFFED0] =	vst.add.f32.msk $0xffff, v4  }
0x415: {  	v3 =	vld [tilespmem:s12+$0x1C50]  }
0x416: {  	[tilespmem:s8+$0x0] =	vst.add.f32.msk $0xffff, v2  }
0x417: {  	[tilespmem:s8+$0xFFFFFF50] =	vst.add.f32.msk $0xffff, v5  }
0x418: {  	v2 =	vld [tilespmem:s9+$0x1C50]  }
0x419: {  	v4 =	vld [tilespmem:s11+$0x1C50]  }
0x41a: {  	[tilespmem:s8+$0xFFFFFE60] =	vst.add.f32.msk $0xffff, v3  }
0x41b: {  	v3 =	vld [tilespmem:s12+$0x1C60]  }
.Ltmp6:
0x41c: {  	[tilespmem:s7+$0xFFFFFF00] =	vst.add.f32.msk $0xffff, v1;
	(pc) =	sbr.rel @p1 .LBB2_11-.Ltmp6, $4  }
0x41d: {  	[tilespmem:s8+$0xFFFFFEE0] =	vst.add.f32.msk $0xffff, v2  }
0x41e: {  	[tilespmem:s8+$0xFFFFFF60] =	vst.add.f32.msk $0xffff, v4  }
0x41f: {  	v2 =	vld [tilespmem:s9+$0x1C60]  }
0x420: {  	v1 =	vld [tilespmem:s11+$0x1C60]  }
0x421: {  	_ = 	snop  }
0x422: {  	[tilespmem:s8+$0xFFFFFE70] =	vst.add.f32.msk $0xffff, v3  }
0x423: {  	v3 =	vld [tilespmem:s12+$0x1C70]  }
0x424: {  	[tilespmem:s8+$0xFFFFFEF0] =	vst.add.f32.msk $0xffff, v2  }
0x425: {  	[tilespmem:s8+$0xFFFFFF70] =	vst.add.f32.msk $0xffff, v1  }
0x426: {  	v62 =	vld [tilespmem:s9+$0x1C70]  }
0x427: {  	v63 =	vld [tilespmem:s11+$0x1C70];
	_ =	sdelay $0x1  }
.Ltmp7:
0x428: {  	[tilespmem:s7+$0xFFFFFF80] =	vst.add.f32.msk $0xffff, v0;
	s25 =	sadd.s32 s6, s22;
	(pc) =	sbr.rel @p0 .LBB2_14-.Ltmp7, $4  }
0x429: {  	s7 =	sshll.u32 s25, $0xB;
	[tilespmem:s8+$0xFFFFFE80] =	vst.add.f32.msk $0xffff, v3  }
0x42a: {  	s7 =	sand.u32 $0x1FFFF800, s7;
	[tilespmem:s8+$0xFFFFFF00] =	vst.add.f32.msk $0xffff, v62  }
0x42b: {  	s26 =	simm.s32 $0x18000;
	s7 =	sadd.s32 s4, s7;
	[tilespmem:s8+$0xFFFFFF80] =	vst.add.f32.msk $0xffff, v63  }
0x42c: {  	[hbm4b:s7+s5] =	stream.linear.scatter [tilespmem:s26], [sflag:$0xA], $0x4000, $0x38;
	[tilespmem:$0x1C000] =	vst v63  }
0x42d: {  	s7 =	smul.u32 $0xA00, s3;
	s8 =	simm.s32 $0x8  }
.Ltmp8:
0x42e: {  	s3 =	sadd.s32 $0x1, s3;
	s0 =	sadd.s32 $0x280, s0;
	(pc) =	sbr.rel .LBB2_2-.Ltmp8, $4  }
0x42f: {  	s2 =	sadd.s32 $0x280, s2;
	s29 =	sadd.s32 $0x280, s29;
	_ =	swait.ge [sflag:s8], $0x4000  }
0x430: {  	s30 =	sadd.s32 $0x280, s30;
	[sflag:s8] =	ssyncset.done $0x0;
	s7 =	sshra.s32 s7, $0x2  }
0x431: {  	s31 =	sadd.s32 $0x280, s31;
	[sflag:s8] =	ssyncadd.s32 $0xFFFFC000;
	s7 =	sadd.s32 $0x380, s7  }
0x432: {  	[tilespmem:s28], [sflag:$0x3] =	stream.indirect.gather [hbm4b:s1+s15], $0x80, s7, s15, $0xb8;
	[tilespmem:$0x1C000] =	vst v63  }
.LBB2_15:
0x433: {  	_ =	sfence.sel $0x180000  }
0x434: {  	[bflag:$0x0] =	sbarrier.arrive $0xFFFF  }
0x435: {  	_ =	strace $0x90000047  }
0x436: {  	s0 =	stileid.u32;
	[bflag:$0x2] =	sbarrier.arrive $0xFFFF  }
0x437: {  	p0 =	sne.s32 s0, $0x0;
	s0 =	rddreg [dreg:$0x4]  }
0x438: {  	s0 =	sadd.s32 @!p0 $0x100000, s0  }
0x439: {  	[sflag:s0] =	ssyncadd.tile.s32 @!p0 $0x1;
	_ =	shalt  }
.Lfunc_end2:
_tile_overlayer_lowered:
.L_overlay_start_2:
0x43a: {  	(tag) =	ssettag $0x2  }
0x43b: {  	s0 =	rddreg [dreg:$0x0];
	s2 =	stileid.u32  }
0x43c: {  	s1 =	rddreg [dreg:$0x1];
	p0 =	sne.s32 s2, $0x0  }
0x43d: {  	s3 =	rddreg [dreg:$0x2];
	[bflag:$0x3] =	sbarrier.arrive $0xFFFF;
	s2 =	simm.s32 @!p0 $0x1C0B  }
0x43e: {  	[timem:s3], [sflag:s2] =	dma.local @!p0 [hbm:s0], s1  }
0x43f: {  	s0 =	simm.s32 @!p0 $0xB  }
0x440: {  	_ =	swait.ge @!p0 [sflag:s0], s1  }
0x441: {  	s1 =	ssub.s32 @!p0 $0x0, s1;
	[sflag:s0] =	ssyncset.done @!p0 $0x0  }
0x442: {  	[sflag:s0] =	ssyncadd.s32 @!p0 s1  }
0x443: {  	[bflag:$0x3] =	sbarrier.arrive $0xFFFF  }
0x444: {  	_ =	shalt  }

</sc_bundles>
